<compile_context>
chip_gen: v7x
topology: tpu7x:2x2x1
jax: 0.10.2.dev20260603
libtpu: 0.0.44.dev20260713+nightly
codegen_flags: <defaults>
</compile_context>

<pallas_src>
import functools

import jax
import jax.numpy as jnp
from jax import lax
from jax.experimental import pallas as pl
from jax.experimental.pallas import tpu as pltpu
from jax.experimental.pallas import tpu_sc as plsc

N_NODES = 10000
HID = 128
NC, NS, LANES = 2, 16, 16
NW = NC * NS

IW = 128
N_PAD = 10112
RPT = N_PAD // NS
DST_PAD = N_NODES + 8

E = 320000
E_PAD = 327680
EROWS_T = E_PAD // (NW * IW)
ER_TOT = E_PAD // IW

NLBL = 200000
L_PAD = 200704
LROWS_T = L_PAD // (NW * IW)

_MESH = plsc.VectorSubcoreMesh(
    core_axis_name="c", subcore_axis_name="s", num_cores=NC, num_subcores=NS)


def _tc_linear(x, w, b):
    m, k = x.shape
    n = w.shape[1]
    br = 1000

    def body(x_ref, w_ref, b_ref, o_ref):
        o_ref[...] = (
            jnp.dot(x_ref[...], w_ref[...], preferred_element_type=jnp.float32)
            + b_ref[...])

    return pl.pallas_call(
        body,
        grid=(m // br,),
        in_specs=[
            pl.BlockSpec((br, k), lambda i: (i, 0)),
            pl.BlockSpec((k, n), lambda i: (0, 0)),
            pl.BlockSpec((1, n), lambda i: (0, 0)),
        ],
        out_specs=pl.BlockSpec((br, n), lambda i: (i, 0)),
        out_shape=jax.ShapeDtypeStruct((m, n), jnp.float32),
    )(x, w, b.reshape(1, n))


def _tc_combine(parts, cnt1, h, wl, b, wr, relu):
    br = 1000

    def body(p_ref, c_ref, h_ref, wl_ref, wr_ref, b_ref, o_ref):
        agg = p_ref[0] + p_ref[1]
        mean = agg / jnp.maximum(c_ref[...], 1.0)
        out = (
            jnp.dot(mean, wl_ref[...], preferred_element_type=jnp.float32)
            + jnp.dot(h_ref[...], wr_ref[...], preferred_element_type=jnp.float32)
            + b_ref[...])
        if relu:
            out = jnp.maximum(out, 0.0)
        o_ref[...] = out

    return pl.pallas_call(
        body,
        grid=(N_NODES // br,),
        in_specs=[
            pl.BlockSpec((NC, br, HID), lambda i: (0, i, 0)),
            pl.BlockSpec((br, 1), lambda i: (i, 0)),
            pl.BlockSpec((br, HID), lambda i: (i, 0)),
            pl.BlockSpec((HID, HID), lambda i: (0, 0)),
            pl.BlockSpec((HID, HID), lambda i: (0, 0)),
            pl.BlockSpec((1, HID), lambda i: (0, 0)),
        ],
        out_specs=pl.BlockSpec((br, HID), lambda i: (i, 0)),
        out_shape=jax.ShapeDtypeStruct((N_NODES, HID), jnp.float32),
    )(parts, cnt1, h, wl, wr, b.reshape(1, HID))


def _make_sc_agg(with_cnt):
    out_type = jax.ShapeDtypeStruct((NC, N_PAD, HID), jnp.float32)
    scratch = [
        pltpu.VMEM((EROWS_T, IW), jnp.int32),
        pltpu.VMEM((2, IW), jnp.int32),
        pltpu.VMEM((2, IW), jnp.int32),
        pltpu.VMEM((2 * IW, HID), jnp.float32),
        pltpu.SemaphoreType.DMA,
        pltpu.SemaphoreType.DMA,
        pltpu.VMEM_SHARED((N_PAD, HID), jnp.float32),
    ]
    if with_cnt:
        out_type = (out_type, jax.ShapeDtypeStruct((NC * N_PAD,), jnp.float32))
        scratch += [
            pltpu.VMEM((IW,), jnp.float32),
            pltpu.VMEM((RPT,), jnp.float32),
            pltpu.VMEM_SHARED((N_PAD,), jnp.float32),
        ]

    def body(*refs):
        if with_cnt:
            (h_hbm, epk_hbm, zacc_hbm,
             part_hbm, cntp_hbm, pk_v, src2_v, dst2_v, rows_v,
             gs, ss, acc_sh,
             ones_v, cbuf_v, cnt_sh) = refs
        else:
            (h_hbm, epk_hbm, zacc_hbm,
             part_hbm, pk_v, src2_v, dst2_v, rows_v,
             gs, ss, acc_sh) = refs
        cid = lax.axis_index("c")
        sid = lax.axis_index("s")
        wid = cid * NS + sid
        r0 = sid * RPT
        pltpu.sync_copy(zacc_hbm.at[pl.ds(r0, RPT)], acc_sh.at[pl.ds(r0, RPT)])
        if with_cnt:
            z16 = jnp.zeros((LANES,), jnp.float32)
            o16 = jnp.ones((LANES,), jnp.float32)
            for k in range(IW // LANES):
                ones_v[pl.ds(k * LANES, LANES)] = o16
            for k in range(RPT // LANES):
                cbuf_v[pl.ds(k * LANES, LANES)] = z16
            cbuf_v[pl.ds(RPT - LANES, LANES)] = z16
            pltpu.sync_copy(cbuf_v, cnt_sh.at[pl.ds(r0, RPT)])
        plsc.subcore_barrier()
        pltpu.sync_copy(epk_hbm.at[wid], pk_v)

        def unpack(j, slot):
            for k in range(IW // LANES):
                p = pk_v[j, pl.ds(k * LANES, LANES)]
                src2_v[slot, pl.ds(k * LANES, LANES)] = (
                    jnp.bitwise_and(p, 0xFFFF))
                dst2_v[slot, pl.ds(k * LANES, LANES)] = (
                    lax.shift_right_logical(p, 16))

        unpack(0, 0)
        pltpu.async_copy(h_hbm.at[src2_v.at[0]],
                         rows_v.at[pl.ds(0, IW)], gs)

        @pl.loop(0, EROWS_T)
        def _pipeline(j):
            p = j & 1
            po = p * IW
            qo = IW - po
            pltpu.make_async_copy(h_hbm.at[src2_v.at[p]],
                                  rows_v.at[pl.ds(po, IW)], gs).wait()

            @pl.when(j >= 1)
            def _drain_prev_scatter():
                pltpu.make_async_copy(rows_v.at[pl.ds(qo, IW)],
                                      acc_sh.at[dst2_v.at[1 - p]], ss).wait()

            @pl.when(j + 1 < EROWS_T)
            def _prefetch():
                unpack(j + 1, 1 - p)
                pltpu.async_copy(h_hbm.at[src2_v.at[1 - p]],
                                 rows_v.at[pl.ds(qo, IW)], gs)

            pltpu.async_copy(rows_v.at[pl.ds(po, IW)],
                             acc_sh.at[dst2_v.at[p]], ss, add=True)
            if with_cnt:
                pltpu.sync_copy(ones_v, cnt_sh.at[dst2_v.at[p]], add=True)

        pe = (EROWS_T - 1) & 1
        pltpu.make_async_copy(rows_v.at[pl.ds(pe * IW, IW)],
                              acc_sh.at[dst2_v.at[pe]], ss).wait()
        plsc.subcore_barrier()
        pltpu.sync_copy(acc_sh.at[pl.ds(r0, RPT)],
                        part_hbm.at[cid, pl.ds(r0, RPT)])
        if with_cnt:
            pltpu.sync_copy(cnt_sh.at[pl.ds(r0, RPT)], cbuf_v)
            pltpu.sync_copy(cbuf_v, cntp_hbm.at[pl.ds(cid * N_PAD + r0, RPT)])

    return pl.kernel(body, out_type=out_type, mesh=_MESH,
                     scratch_types=scratch)


_sc_agg_cnt = _make_sc_agg(True)
_sc_agg = _make_sc_agg(False)


@functools.partial(
    pl.kernel,
    out_type=(jax.ShapeDtypeStruct((L_PAD, HID), jnp.float32),
              jax.ShapeDtypeStruct((L_PAD, HID), jnp.float32)),
    mesh=_MESH,
    scratch_types=[
        pltpu.VMEM((LROWS_T, IW), jnp.int32),
        pltpu.VMEM((LROWS_T, IW), jnp.int32),
        pltpu.VMEM((IW, HID), jnp.float32),
        pltpu.VMEM((IW, HID), jnp.float32),
        pltpu.VMEM((IW, HID), jnp.float32),
        pltpu.VMEM((IW, HID), jnp.float32),
        pltpu.SemaphoreType.DMA,
        pltpu.SemaphoreType.DMA,
        pltpu.SemaphoreType.DMA,
        pltpu.SemaphoreType.DMA,
    ],
)
def _sc_gather_pairs(h2_hbm, e1_hbm, e2_hbm, a_hbm, b_hbm,
                     i1_v, i2_v, a0_v, a1_v, b0_v, b1_v, g0, g1, w0, w1):
    cid = lax.axis_index("c")
    sid = lax.axis_index("s")
    wid = cid * NS + sid
    lbase = wid * LROWS_T
    pltpu.sync_copy(e1_hbm.at[wid], i1_v)
    pltpu.sync_copy(e2_hbm.at[wid], i2_v)
    bufs = ((a0_v, b0_v, g0, w0), (a1_v, b1_v, g1, w1))

    @pl.loop(0, LROWS_T - 1, step=2)
    def _pipeline(t):
        gd = []
        for b in range(2):
            a_v, b_v, gs, _ = bufs[b]
            gd.append(pltpu.async_copy(h2_hbm.at[i1_v.at[t + b]], a_v, gs))
            gd.append(pltpu.async_copy(h2_hbm.at[i2_v.at[t + b]], b_v, gs))
        wd = []
        for b in range(2):
            a_v, b_v, _, ws = bufs[b]
            base = (lbase + t + b) * IW
            gd[2 * b].wait()
            gd[2 * b + 1].wait()
            wd.append(pltpu.async_copy(a_v, a_hbm.at[pl.ds(base, IW)], ws))
            wd.append(pltpu.async_copy(b_v, b_hbm.at[pl.ds(base, IW)], ws))
        for d in wd:
            d.wait()

    j = LROWS_T - 1
    a_v, b_v, gs, ws = bufs[0]
    pltpu.sync_copy(h2_hbm.at[i1_v.at[j]], a_v)
    pltpu.sync_copy(h2_hbm.at[i2_v.at[j]], b_v)
    base = (lbase + j) * IW
    pltpu.sync_copy(a_v, a_hbm.at[pl.ds(base, IW)])
    pltpu.sync_copy(b_v, b_hbm.at[pl.ds(base, IW)])


def _tc_pair_dot(arows, brows):
    br = 4096

    def body(a_ref, b_ref, o_ref):
        o_ref[...] = jnp.sum(a_ref[...] * b_ref[...], axis=1, keepdims=True)

    return pl.pallas_call(
        body,
        grid=(L_PAD // br,),
        in_specs=[
            pl.BlockSpec((br, HID), lambda i: (i, 0)),
            pl.BlockSpec((br, HID), lambda i: (i, 0)),
        ],
        out_specs=pl.BlockSpec((br, 1), lambda i: (i, 0)),
        out_shape=jax.ShapeDtypeStruct((L_PAD, 1), jnp.float32),
    )(arows, brows)


def _pad_reshape(idx, total, pad_val, rows):
    pad = jnp.full((total - idx.shape[0],), pad_val, jnp.int32)
    return jnp.concatenate([idx.astype(jnp.int32), pad]).reshape(rows, IW)


def kernel(x, edge_index, edge_label_index, Wa, ba, W1l, b1, W1r, W2l, b2, W2r):
    src = _pad_reshape(edge_index[0], E_PAD, 0, ER_TOT)
    dst = _pad_reshape(edge_index[1], E_PAD, DST_PAD, ER_TOT)
    epk = (src | (dst << 16)).reshape(NW, EROWS_T, IW)
    e1 = _pad_reshape(edge_label_index[0], L_PAD, 0, NW * LROWS_T
                      ).reshape(NW, LROWS_T, IW)
    e2 = _pad_reshape(edge_label_index[1], L_PAD, 0, NW * LROWS_T
                      ).reshape(NW, LROWS_T, IW)
    zacc = jnp.zeros((N_PAD, HID), jnp.float32)

    h0 = _tc_linear(x, Wa, ba)
    part1, cntp = _sc_agg_cnt(h0, epk, zacc)
    cnt1 = (cntp.reshape(NC, N_PAD).sum(axis=0))[:, None]
    h1 = _tc_combine(part1, cnt1, h0, W1l, b1, W1r, True)
    part2 = _sc_agg(h1, epk, zacc)
    h2 = _tc_combine(part2, cnt1, h1, W2l, b2, W2r, False)
    arows, brows = _sc_gather_pairs(h2, e1, e2)
    dots = _tc_pair_dot(arows, brows)
    return dots[:NLBL, 0]

# --- scband reference (transcript-rebuilt; emitter-appended) ---
"""Pipeline reference for scband-model-52390011076774 (READ-ONLY COPY).

The authoritative reference and input builder live on the scoring server;
editing this copy changes nothing except your own understanding.
"""

import jax, jax.numpy as jnp
import numpy as np

N_NODES = 10000
N_EDGES = 320000
N_LABEL = 200000
IN_RAW = 132
HID = 128


def _glorot(key, shape):
    fan_in, fan_out = shape[0], shape[1]
    lim = float(np.sqrt(6.0 / (fan_in + fan_out)))
    return jax.random.uniform(key, shape, dtype=jnp.float32, minval=-lim, maxval=lim)


def setup_inputs(seed: int = 0) -> dict:
    key = jax.random.key(seed)
    ks = jax.random.split(key, 12)
    return {
        "x": jax.random.normal(ks[0], (N_NODES, IN_RAW), dtype=jnp.float32),
        "edge_index": jax.random.randint(ks[1], (2, N_EDGES), 0, N_NODES, dtype=jnp.int32),
        "edge_label_index": jax.random.randint(ks[2], (2, N_LABEL), 0, N_NODES, dtype=jnp.int32),
        "Wa": _glorot(ks[3], (IN_RAW, HID)),
        "ba": jnp.zeros((HID,), dtype=jnp.float32),
        "W1l": _glorot(ks[4], (HID, HID)),
        "b1": jnp.zeros((HID,), dtype=jnp.float32),
        "W1r": _glorot(ks[5], (HID, HID)),
        "W2l": _glorot(ks[6], (HID, HID)),
        "b2": jnp.zeros((HID,), dtype=jnp.float32),
        "W2r": _glorot(ks[7], (HID, HID)),
    }


def _sage_conv(h, edge_index, Wl, bl, Wr):
    # PyG SAGEConv with mean aggregation:
    #   out = lin_l(mean_{j in N(i)} x_j) + lin_r(x_i)
    src = edge_index[0]
    dst = edge_index[1]
    msgs = jnp.take(h, src, axis=0)
    agg = jax.ops.segment_sum(msgs, dst, num_segments=N_NODES)
    cnt = jax.ops.segment_sum(jnp.ones((msgs.shape[0],), dtype=h.dtype), dst, num_segments=N_NODES)
    mean = agg / jnp.clip(cnt, 1.0, None)[:, None]
    return mean @ Wl + bl + h @ Wr


def reference(x, edge_index, edge_label_index, Wa, ba, W1l, b1, W1r, W2l, b2, W2r):
    # author_lin
    h = x @ Wa + ba
    # GNN: SAGEConv -> ReLU -> SAGEConv
    h = jax.nn.relu(_sage_conv(h, edge_index, W1l, b1, W1r))
    h = _sage_conv(h, edge_index, W2l, b2, W2r)
    # Classifier: dot-product link decoder
    e1 = jnp.take(h, edge_label_index[0], axis=0)
    e2 = jnp.take(h, edge_label_index[1], axis=0)
    return (e1 * e2).sum(axis=-1)

if __name__ == "__main__":
    import jax
    _d = setup_inputs()
    print(jax.jit(kernel)(*tuple(_d.values())))

</pallas_src>

<mosaic_0001>
#map = affine_map<(d0, d1) -> (0, 0)>
#map1 = affine_map<(d0, d1) -> (0, 0, 0)>
module attributes {stable_mosaic.version = 14 : i64} {
  func.func @_sc_gather_pairs(%arg0: i32, %arg1: i32, %arg2: memref<10000x128xf32, #tpu.memory_space<hbm>>, %arg3: memref<32x49x128xi32, #tpu.memory_space<hbm>>, %arg4: memref<32x49x128xi32, #tpu.memory_space<hbm>>, %arg5: memref<200704x128xf32, #tpu.memory_space<hbm>>, %arg6: memref<200704x128xf32, #tpu.memory_space<hbm>>, %arg7: memref<49x128xi32, #tpu.memory_space<vmem>>, %arg8: memref<49x128xi32, #tpu.memory_space<vmem>>, %arg9: memref<128x128xf32, #tpu.memory_space<vmem>>, %arg10: memref<128x128xf32, #tpu.memory_space<vmem>>, %arg11: memref<128x128xf32, #tpu.memory_space<vmem>>, %arg12: memref<128x128xf32, #tpu.memory_space<vmem>>, %arg13: memref<!tpu.dma_semaphore, #tpu.memory_space<semaphore_mem>>, %arg14: memref<!tpu.dma_semaphore, #tpu.memory_space<semaphore_mem>>, %arg15: memref<!tpu.dma_semaphore, #tpu.memory_space<semaphore_mem>>, %arg16: memref<!tpu.dma_semaphore, #tpu.memory_space<semaphore_mem>>) attributes {dimension_semantics = [#tpu.dimension_semantics<core_parallel>, #tpu.dimension_semantics<subcore_parallel>], iteration_bounds = array<i64: 2, 16>, scalar_prefetch = 0 : i64, scratch_operands = 10 : i64, tpu.core_type = #tpu.core_type<sc_vector_subcore>, window_params = [{transform_indices = #map}, {transform_indices = #map1}, {transform_indices = #map1}, {transform_indices = #map}, {transform_indices = #map}]} {
    %mul3A = arith.constant 16 : i32
    %mul3A_0 = arith.muli %arg0, %mul3A : i32
    %add3A = arith.addi %mul3A_0, %arg1 : i32
    %mul3A_1 = arith.constant 49 : i32
    %mul3A_2 = arith.muli %add3A, %mul3A_1 : i32
    "tpu.region"() ({
      %run_scoped3A_12 = tpu.sem_alloc : memref<!tpu.dma_semaphore, #tpu.memory_space<semaphore_mem>>
      %dma_start3A = arith.constant 0 : i32
      %dma_start3A_13 = arith.constant 0 : i32
      %dma_start3A_14 = tpu.memref_slice %arg3[%add3A, %dma_start3A, %dma_start3A_13] : memref<32x49x128xi32, #tpu.memory_space<hbm>> -> memref<1x49x128xi32, #tpu.memory_space<hbm>>
      %dma_start3A_15 = tpu.memref_squeeze %dma_start3A_14 : memref<1x49x128xi32, #tpu.memory_space<hbm>> -> memref<49x128xi32, #tpu.memory_space<hbm>>
      %dma_start3A_16 = arith.constant 0 : i32
      %dma_start3A_17 = arith.constant 0 : i32
      %dma_start3A_18 = tpu.memref_slice %arg3[%add3A, %dma_start3A_16, %dma_start3A_17] : memref<32x49x128xi32, #tpu.memory_space<hbm>> -> memref<1x49x128xi32, #tpu.memory_space<hbm>>
      %dma_start3A_19 = tpu.memref_squeeze %dma_start3A_18 : memref<1x49x128xi32, #tpu.memory_space<hbm>> -> memref<49x128xi32, #tpu.memory_space<hbm>>
      tpu.enqueue_dma source(%dma_start3A_19 : memref<49x128xi32, #tpu.memory_space<hbm>>) target(%arg7 : memref<49x128xi32, #tpu.memory_space<vmem>>) target_semaphore(%run_scoped3A_12 : memref<!tpu.dma_semaphore, #tpu.memory_space<semaphore_mem>>)
      %dma_wait3A = arith.constant 0 : i32
      %dma_wait3A_20 = arith.constant 0 : i32
      %dma_wait3A_21 = tpu.memref_slice %arg3[%add3A, %dma_wait3A, %dma_wait3A_20] : memref<32x49x128xi32, #tpu.memory_space<hbm>> -> memref<1x49x128xi32, #tpu.memory_space<hbm>>
      %dma_wait3A_22 = tpu.memref_squeeze %dma_wait3A_21 : memref<1x49x128xi32, #tpu.memory_space<hbm>> -> memref<49x128xi32, #tpu.memory_space<hbm>>
      %dma_wait3A_23 = arith.constant 0 : i32
      %dma_wait3A_24 = arith.constant 0 : i32
      %dma_wait3A_25 = tpu.memref_slice %arg3[%add3A, %dma_wait3A_23, %dma_wait3A_24] : memref<32x49x128xi32, #tpu.memory_space<hbm>> -> memref<1x49x128xi32, #tpu.memory_space<hbm>>
      %dma_wait3A_26 = tpu.memref_squeeze %dma_wait3A_25 : memref<1x49x128xi32, #tpu.memory_space<hbm>> -> memref<49x128xi32, #tpu.memory_space<hbm>>
      tpu.wait_dma2 semaphore(%run_scoped3A_12 : memref<!tpu.dma_semaphore, #tpu.memory_space<semaphore_mem>>) src(%dma_wait3A_26 : memref<49x128xi32, #tpu.memory_space<hbm>>) dst(%arg7 : memref<49x128xi32, #tpu.memory_space<vmem>>)
      tpu.yield
    }) : () -> ()
    "tpu.region"() ({
      %run_scoped3A_12 = tpu.sem_alloc : memref<!tpu.dma_semaphore, #tpu.memory_space<semaphore_mem>>
      %dma_start3A = arith.constant 0 : i32
      %dma_start3A_13 = arith.constant 0 : i32
      %dma_start3A_14 = tpu.memref_slice %arg4[%add3A, %dma_start3A, %dma_start3A_13] : memref<32x49x128xi32, #tpu.memory_space<hbm>> -> memref<1x49x128xi32, #tpu.memory_space<hbm>>
      %dma_start3A_15 = tpu.memref_squeeze %dma_start3A_14 : memref<1x49x128xi32, #tpu.memory_space<hbm>> -> memref<49x128xi32, #tpu.memory_space<hbm>>
      %dma_start3A_16 = arith.constant 0 : i32
      %dma_start3A_17 = arith.constant 0 : i32
      %dma_start3A_18 = tpu.memref_slice %arg4[%add3A, %dma_start3A_16, %dma_start3A_17] : memref<32x49x128xi32, #tpu.memory_space<hbm>> -> memref<1x49x128xi32, #tpu.memory_space<hbm>>
      %dma_start3A_19 = tpu.memref_squeeze %dma_start3A_18 : memref<1x49x128xi32, #tpu.memory_space<hbm>> -> memref<49x128xi32, #tpu.memory_space<hbm>>
      tpu.enqueue_dma source(%dma_start3A_19 : memref<49x128xi32, #tpu.memory_space<hbm>>) target(%arg8 : memref<49x128xi32, #tpu.memory_space<vmem>>) target_semaphore(%run_scoped3A_12 : memref<!tpu.dma_semaphore, #tpu.memory_space<semaphore_mem>>)
      %dma_wait3A = arith.constant 0 : i32
      %dma_wait3A_20 = arith.constant 0 : i32
      %dma_wait3A_21 = tpu.memref_slice %arg4[%add3A, %dma_wait3A, %dma_wait3A_20] : memref<32x49x128xi32, #tpu.memory_space<hbm>> -> memref<1x49x128xi32, #tpu.memory_space<hbm>>
      %dma_wait3A_22 = tpu.memref_squeeze %dma_wait3A_21 : memref<1x49x128xi32, #tpu.memory_space<hbm>> -> memref<49x128xi32, #tpu.memory_space<hbm>>
      %dma_wait3A_23 = arith.constant 0 : i32
      %dma_wait3A_24 = arith.constant 0 : i32
      %dma_wait3A_25 = tpu.memref_slice %arg4[%add3A, %dma_wait3A_23, %dma_wait3A_24] : memref<32x49x128xi32, #tpu.memory_space<hbm>> -> memref<1x49x128xi32, #tpu.memory_space<hbm>>
      %dma_wait3A_26 = tpu.memref_squeeze %dma_wait3A_25 : memref<1x49x128xi32, #tpu.memory_space<hbm>> -> memref<49x128xi32, #tpu.memory_space<hbm>>
      tpu.wait_dma2 semaphore(%run_scoped3A_12 : memref<!tpu.dma_semaphore, #tpu.memory_space<semaphore_mem>>) src(%dma_wait3A_26 : memref<49x128xi32, #tpu.memory_space<hbm>>) dst(%arg8 : memref<49x128xi32, #tpu.memory_space<vmem>>)
      tpu.yield
    }) : () -> ()
    %scan3A = arith.constant 0 : i32
    %scan3A_3 = arith.constant 24 : i32
    %scan3A_4 = arith.addi %scan3A, %scan3A_3 : i32
    %scan3A_5 = arith.constant 1 : i32
    scf.for %scan3A_12 = %scan3A to %scan3A_4 step %scan3A_5  : i32 {
      %mul3A_13 = arith.constant 2 : i32
      %mul3A_14 = arith.muli %scan3A_12, %mul3A_13 : i32
      %add3A_15 = arith.constant 0 : i32
      %add3A_16 = arith.addi %add3A_15, %mul3A_14 : i32
      %add3A_17 = arith.constant 0 : i32
      %add3A_18 = arith.addi %add3A_16, %add3A_17 : i32
      %dma_start3A = arith.constant 0 : i32
      %dma_start3A_19 = tpu.memref_slice %arg7[%add3A_18, %dma_start3A] : memref<49x128xi32, #tpu.memory_space<vmem>> -> memref<1x128xi32, #tpu.memory_space<vmem>>
      %dma_start3A_20 = tpu.memref_squeeze %dma_start3A_19 : memref<1x128xi32, #tpu.memory_space<vmem>> -> memref<128xi32, #tpu.memory_space<vmem>>
      %dma_start3A_21 = arith.constant 0 : i32
      %dma_start3A_22 = arith.constant 0 : i32
      %dma_start3A_23 = tpu.memref_slice %arg2[%dma_start3A_21, %dma_start3A_22] : memref<10000x128xf32, #tpu.memory_space<hbm>> -> memref<10000x128xf32, #tpu.memory_space<hbm>>
      tpu.enqueue_indirect_dma source(%dma_start3A_23 : memref<10000x128xf32, #tpu.memory_space<hbm>>) target(%arg9 : memref<128x128xf32, #tpu.memory_space<vmem>>) offsets(%dma_start3A_20 : memref<128xi32, #tpu.memory_space<vmem>>) semaphore(%arg13 : memref<!tpu.dma_semaphore, #tpu.memory_space<semaphore_mem>>)
      %add3A_24 = arith.constant 0 : i32
      %add3A_25 = arith.addi %add3A_16, %add3A_24 : i32
      %dma_start3A_26 = arith.constant 0 : i32
      %dma_start3A_27 = tpu.memref_slice %arg8[%add3A_25, %dma_start3A_26] : memref<49x128xi32, #tpu.memory_space<vmem>> -> memref<1x128xi32, #tpu.memory_space<vmem>>
      %dma_start3A_28 = tpu.memref_squeeze %dma_start3A_27 : memref<1x128xi32, #tpu.memory_space<vmem>> -> memref<128xi32, #tpu.memory_space<vmem>>
      %dma_start3A_29 = arith.constant 0 : i32
      %dma_start3A_30 = arith.constant 0 : i32
      %dma_start3A_31 = tpu.memref_slice %arg2[%dma_start3A_29, %dma_start3A_30] : memref<10000x128xf32, #tpu.memory_space<hbm>> -> memref<10000x128xf32, #tpu.memory_space<hbm>>
      tpu.enqueue_indirect_dma source(%dma_start3A_31 : memref<10000x128xf32, #tpu.memory_space<hbm>>) target(%arg11 : memref<128x128xf32, #tpu.memory_space<vmem>>) offsets(%dma_start3A_28 : memref<128xi32, #tpu.memory_space<vmem>>) semaphore(%arg13 : memref<!tpu.dma_semaphore, #tpu.memory_space<semaphore_mem>>)
      %add3A_32 = arith.constant 1 : i32
      %add3A_33 = arith.addi %add3A_16, %add3A_32 : i32
      %dma_start3A_34 = arith.constant 0 : i32
      %dma_start3A_35 = tpu.memref_slice %arg7[%add3A_33, %dma_start3A_34] : memref<49x128xi32, #tpu.memory_space<vmem>> -> memref<1x128xi32, #tpu.memory_space<vmem>>
      %dma_start3A_36 = tpu.memref_squeeze %dma_start3A_35 : memref<1x128xi32, #tpu.memory_space<vmem>> -> memref<128xi32, #tpu.memory_space<vmem>>
      %dma_start3A_37 = arith.constant 0 : i32
      %dma_start3A_38 = arith.constant 0 : i32
      %dma_start3A_39 = tpu.memref_slice %arg2[%dma_start3A_37, %dma_start3A_38] : memref<10000x128xf32, #tpu.memory_space<hbm>> -> memref<10000x128xf32, #tpu.memory_space<hbm>>
      tpu.enqueue_indirect_dma source(%dma_start3A_39 : memref<10000x128xf32, #tpu.memory_space<hbm>>) target(%arg10 : memref<128x128xf32, #tpu.memory_space<vmem>>) offsets(%dma_start3A_36 : memref<128xi32, #tpu.memory_space<vmem>>) semaphore(%arg14 : memref<!tpu.dma_semaphore, #tpu.memory_space<semaphore_mem>>)
      %add3A_40 = arith.constant 1 : i32
      %add3A_41 = arith.addi %add3A_16, %add3A_40 : i32
      %dma_start3A_42 = arith.constant 0 : i32
      %dma_start3A_43 = tpu.memref_slice %arg8[%add3A_41, %dma_start3A_42] : memref<49x128xi32, #tpu.memory_space<vmem>> -> memref<1x128xi32, #tpu.memory_space<vmem>>
      %dma_start3A_44 = tpu.memref_squeeze %dma_start3A_43 : memref<1x128xi32, #tpu.memory_space<vmem>> -> memref<128xi32, #tpu.memory_space<vmem>>
      %dma_start3A_45 = arith.constant 0 : i32
      %dma_start3A_46 = arith.constant 0 : i32
      %dma_start3A_47 = tpu.memref_slice %arg2[%dma_start3A_45, %dma_start3A_46] : memref<10000x128xf32, #tpu.memory_space<hbm>> -> memref<10000x128xf32, #tpu.memory_space<hbm>>
      tpu.enqueue_indirect_dma source(%dma_start3A_47 : memref<10000x128xf32, #tpu.memory_space<hbm>>) target(%arg12 : memref<128x128xf32, #tpu.memory_space<vmem>>) offsets(%dma_start3A_44 : memref<128xi32, #tpu.memory_space<vmem>>) semaphore(%arg14 : memref<!tpu.dma_semaphore, #tpu.memory_space<semaphore_mem>>)
      %add3A_48 = arith.addi %mul3A_2, %add3A_16 : i32
      %add3A_49 = arith.constant 0 : i32
      %add3A_50 = arith.addi %add3A_48, %add3A_49 : i32
      %mul3A_51 = arith.constant 128 : i32
      %mul3A_52 = arith.muli %add3A_50, %mul3A_51 : i32
      %dma_wait3A = arith.constant 0 : i32
      %dma_wait3A_53 = tpu.memref_slice %arg7[%add3A_18, %dma_wait3A] : memref<49x128xi32, #tpu.memory_space<vmem>> -> memref<1x128xi32, #tpu.memory_space<vmem>>
      %dma_wait3A_54 = tpu.memref_squeeze %dma_wait3A_53 : memref<1x128xi32, #tpu.memory_space<vmem>> -> memref<128xi32, #tpu.memory_space<vmem>>
      %dma_wait3A_55 = arith.constant 0 : i32
      %dma_wait3A_56 = arith.constant 0 : i32
      %dma_wait3A_57 = tpu.memref_slice %arg2[%dma_wait3A_55, %dma_wait3A_56] : memref<10000x128xf32, #tpu.memory_space<hbm>> -> memref<10000x128xf32, #tpu.memory_space<hbm>>
      tpu.wait_indirect_dma semaphore(%arg13 : memref<!tpu.dma_semaphore, #tpu.memory_space<semaphore_mem>>) src(%dma_wait3A_57 : memref<10000x128xf32, #tpu.memory_space<hbm>>) dst(%arg9 : memref<128x128xf32, #tpu.memory_space<vmem>>)
      %dma_wait3A_58 = arith.constant 0 : i32
      %dma_wait3A_59 = tpu.memref_slice %arg8[%add3A_25, %dma_wait3A_58] : memref<49x128xi32, #tpu.memory_space<vmem>> -> memref<1x128xi32, #tpu.memory_space<vmem>>
      %dma_wait3A_60 = tpu.memref_squeeze %dma_wait3A_59 : memref<1x128xi32, #tpu.memory_space<vmem>> -> memref<128xi32, #tpu.memory_space<vmem>>
      %dma_wait3A_61 = arith.constant 0 : i32
      %dma_wait3A_62 = arith.constant 0 : i32
      %dma_wait3A_63 = tpu.memref_slice %arg2[%dma_wait3A_61, %dma_wait3A_62] : memref<10000x128xf32, #tpu.memory_space<hbm>> -> memref<10000x128xf32, #tpu.memory_space<hbm>>
      tpu.wait_indirect_dma semaphore(%arg13 : memref<!tpu.dma_semaphore, #tpu.memory_space<semaphore_mem>>) src(%dma_wait3A_63 : memref<10000x128xf32, #tpu.memory_space<hbm>>) dst(%arg11 : memref<128x128xf32, #tpu.memory_space<vmem>>)
      %dma_start3A_64 = arith.constant 0 : i32
      %dma_start3A_65 = tpu.memref_slice %arg5[%mul3A_52, %dma_start3A_64] : memref<200704x128xf32, #tpu.memory_space<hbm>> -> memref<128x128xf32, #tpu.memory_space<hbm>>
      %dma_start3A_66 = arith.constant 0 : i32
      %dma_start3A_67 = tpu.memref_slice %arg5[%mul3A_52, %dma_start3A_66] : memref<200704x128xf32, #tpu.memory_space<hbm>> -> memref<128x128xf32, #tpu.memory_space<hbm>>
      tpu.enqueue_dma source(%arg9 : memref<128x128xf32, #tpu.memory_space<vmem>>) target(%dma_start3A_67 : memref<128x128xf32, #tpu.memory_space<hbm>>) target_semaphore(%arg15 : memref<!tpu.dma_semaphore, #tpu.memory_space<semaphore_mem>>)
      %dma_start3A_68 = arith.constant 0 : i32
      %dma_start3A_69 = tpu.memref_slice %arg6[%mul3A_52, %dma_start3A_68] : memref<200704x128xf32, #tpu.memory_space<hbm>> -> memref<128x128xf32, #tpu.memory_space<hbm>>
      %dma_start3A_70 = arith.constant 0 : i32
      %dma_start3A_71 = tpu.memref_slice %arg6[%mul3A_52, %dma_start3A_70] : memref<200704x128xf32, #tpu.memory_space<hbm>> -> memref<128x128xf32, #tpu.memory_space<hbm>>
      tpu.enqueue_dma source(%arg11 : memref<128x128xf32, #tpu.memory_space<vmem>>) target(%dma_start3A_71 : memref<128x128xf32, #tpu.memory_space<hbm>>) target_semaphore(%arg15 : memref<!tpu.dma_semaphore, #tpu.memory_space<semaphore_mem>>)
      %add3A_72 = arith.addi %mul3A_2, %add3A_16 : i32
      %add3A_73 = arith.constant 1 : i32
      %add3A_74 = arith.addi %add3A_72, %add3A_73 : i32
      %mul3A_75 = arith.constant 128 : i32
      %mul3A_76 = arith.muli %add3A_74, %mul3A_75 : i32
      %dma_wait3A_77 = arith.constant 0 : i32
      %dma_wait3A_78 = tpu.memref_slice %arg7[%add3A_33, %dma_wait3A_77] : memref<49x128xi32, #tpu.memory_space<vmem>> -> memref<1x128xi32, #tpu.memory_space<vmem>>
      %dma_wait3A_79 = tpu.memref_squeeze %dma_wait3A_78 : memref<1x128xi32, #tpu.memory_space<vmem>> -> memref<128xi32, #tpu.memory_space<vmem>>
      %dma_wait3A_80 = arith.constant 0 : i32
      %dma_wait3A_81 = arith.constant 0 : i32
      %dma_wait3A_82 = tpu.memref_slice %arg2[%dma_wait3A_80, %dma_wait3A_81] : memref<10000x128xf32, #tpu.memory_space<hbm>> -> memref<10000x128xf32, #tpu.memory_space<hbm>>
      tpu.wait_indirect_dma semaphore(%arg14 : memref<!tpu.dma_semaphore, #tpu.memory_space<semaphore_mem>>) src(%dma_wait3A_82 : memref<10000x128xf32, #tpu.memory_space<hbm>>) dst(%arg10 : memref<128x128xf32, #tpu.memory_space<vmem>>)
      %dma_wait3A_83 = arith.constant 0 : i32
      %dma_wait3A_84 = tpu.memref_slice %arg8[%add3A_41, %dma_wait3A_83] : memref<49x128xi32, #tpu.memory_space<vmem>> -> memref<1x128xi32, #tpu.memory_space<vmem>>
      %dma_wait3A_85 = tpu.memref_squeeze %dma_wait3A_84 : memref<1x128xi32, #tpu.memory_space<vmem>> -> memref<128xi32, #tpu.memory_space<vmem>>
      %dma_wait3A_86 = arith.constant 0 : i32
      %dma_wait3A_87 = arith.constant 0 : i32
      %dma_wait3A_88 = tpu.memref_slice %arg2[%dma_wait3A_86, %dma_wait3A_87] : memref<10000x128xf32, #tpu.memory_space<hbm>> -> memref<10000x128xf32, #tpu.memory_space<hbm>>
      tpu.wait_indirect_dma semaphore(%arg14 : memref<!tpu.dma_semaphore, #tpu.memory_space<semaphore_mem>>) src(%dma_wait3A_88 : memref<10000x128xf32, #tpu.memory_space<hbm>>) dst(%arg12 : memref<128x128xf32, #tpu.memory_space<vmem>>)
      %dma_start3A_89 = arith.constant 0 : i32
      %dma_start3A_90 = tpu.memref_slice %arg5[%mul3A_76, %dma_start3A_89] : memref<200704x128xf32, #tpu.memory_space<hbm>> -> memref<128x128xf32, #tpu.memory_space<hbm>>
      %dma_start3A_91 = arith.constant 0 : i32
      %dma_start3A_92 = tpu.memref_slice %arg5[%mul3A_76, %dma_start3A_91] : memref<200704x128xf32, #tpu.memory_space<hbm>> -> memref<128x128xf32, #tpu.memory_space<hbm>>
      tpu.enqueue_dma source(%arg10 : memref<128x128xf32, #tpu.memory_space<vmem>>) target(%dma_start3A_92 : memref<128x128xf32, #tpu.memory_space<hbm>>) target_semaphore(%arg16 : memref<!tpu.dma_semaphore, #tpu.memory_space<semaphore_mem>>)
      %dma_start3A_93 = arith.constant 0 : i32
      %dma_start3A_94 = tpu.memref_slice %arg6[%mul3A_76, %dma_start3A_93] : memref<200704x128xf32, #tpu.memory_space<hbm>> -> memref<128x128xf32, #tpu.memory_space<hbm>>
      %dma_start3A_95 = arith.constant 0 : i32
      %dma_start3A_96 = tpu.memref_slice %arg6[%mul3A_76, %dma_start3A_95] : memref<200704x128xf32, #tpu.memory_space<hbm>> -> memref<128x128xf32, #tpu.memory_space<hbm>>
      tpu.enqueue_dma source(%arg12 : memref<128x128xf32, #tpu.memory_space<vmem>>) target(%dma_start3A_96 : memref<128x128xf32, #tpu.memory_space<hbm>>) target_semaphore(%arg16 : memref<!tpu.dma_semaphore, #tpu.memory_space<semaphore_mem>>)
      %dma_wait3A_97 = arith.constant 0 : i32
      %dma_wait3A_98 = tpu.memref_slice %arg5[%mul3A_52, %dma_wait3A_97] : memref<200704x128xf32, #tpu.memory_space<hbm>> -> memref<128x128xf32, #tpu.memory_space<hbm>>
      %dma_wait3A_99 = arith.constant 0 : i32
      %dma_wait3A_100 = tpu.memref_slice %arg5[%mul3A_52, %dma_wait3A_99] : memref<200704x128xf32, #tpu.memory_space<hbm>> -> memref<128x128xf32, #tpu.memory_space<hbm>>
      tpu.wait_dma2 semaphore(%arg15 : memref<!tpu.dma_semaphore, #tpu.memory_space<semaphore_mem>>) src(%arg9 : memref<128x128xf32, #tpu.memory_space<vmem>>) dst(%dma_wait3A_100 : memref<128x128xf32, #tpu.memory_space<hbm>>)
      %dma_wait3A_101 = arith.constant 0 : i32
      %dma_wait3A_102 = tpu.memref_slice %arg6[%mul3A_52, %dma_wait3A_101] : memref<200704x128xf32, #tpu.memory_space<hbm>> -> memref<128x128xf32, #tpu.memory_space<hbm>>
      %dma_wait3A_103 = arith.constant 0 : i32
      %dma_wait3A_104 = tpu.memref_slice %arg6[%mul3A_52, %dma_wait3A_103] : memref<200704x128xf32, #tpu.memory_space<hbm>> -> memref<128x128xf32, #tpu.memory_space<hbm>>
      tpu.wait_dma2 semaphore(%arg15 : memref<!tpu.dma_semaphore, #tpu.memory_space<semaphore_mem>>) src(%arg11 : memref<128x128xf32, #tpu.memory_space<vmem>>) dst(%dma_wait3A_104 : memref<128x128xf32, #tpu.memory_space<hbm>>)
      %dma_wait3A_105 = arith.constant 0 : i32
      %dma_wait3A_106 = tpu.memref_slice %arg5[%mul3A_76, %dma_wait3A_105] : memref<200704x128xf32, #tpu.memory_space<hbm>> -> memref<128x128xf32, #tpu.memory_space<hbm>>
      %dma_wait3A_107 = arith.constant 0 : i32
      %dma_wait3A_108 = tpu.memref_slice %arg5[%mul3A_76, %dma_wait3A_107] : memref<200704x128xf32, #tpu.memory_space<hbm>> -> memref<128x128xf32, #tpu.memory_space<hbm>>
      tpu.wait_dma2 semaphore(%arg16 : memref<!tpu.dma_semaphore, #tpu.memory_space<semaphore_mem>>) src(%arg10 : memref<128x128xf32, #tpu.memory_space<vmem>>) dst(%dma_wait3A_108 : memref<128x128xf32, #tpu.memory_space<hbm>>)
      %dma_wait3A_109 = arith.constant 0 : i32
      %dma_wait3A_110 = tpu.memref_slice %arg6[%mul3A_76, %dma_wait3A_109] : memref<200704x128xf32, #tpu.memory_space<hbm>> -> memref<128x128xf32, #tpu.memory_space<hbm>>
      %dma_wait3A_111 = arith.constant 0 : i32
      %dma_wait3A_112 = tpu.memref_slice %arg6[%mul3A_76, %dma_wait3A_111] : memref<200704x128xf32, #tpu.memory_space<hbm>> -> memref<128x128xf32, #tpu.memory_space<hbm>>
      tpu.wait_dma2 semaphore(%arg16 : memref<!tpu.dma_semaphore, #tpu.memory_space<semaphore_mem>>) src(%arg12 : memref<128x128xf32, #tpu.memory_space<vmem>>) dst(%dma_wait3A_112 : memref<128x128xf32, #tpu.memory_space<hbm>>)
    }
    %scan3A_6 = arith.constant 24 : i32
    %run_scoped3A = arith.constant 48 : i32
    "tpu.region"() ({
      %run_scoped3A_12 = tpu.sem_alloc : memref<!tpu.dma_semaphore, #tpu.memory_space<semaphore_mem>>
      %dma_start3A = arith.constant 0 : i32
      %dma_start3A_13 = tpu.memref_slice %arg7[%run_scoped3A, %dma_start3A] : memref<49x128xi32, #tpu.memory_space<vmem>> -> memref<1x128xi32, #tpu.memory_space<vmem>>
      %dma_start3A_14 = tpu.memref_squeeze %dma_start3A_13 : memref<1x128xi32, #tpu.memory_space<vmem>> -> memref<128xi32, #tpu.memory_space<vmem>>
      %dma_start3A_15 = arith.constant 0 : i32
      %dma_start3A_16 = arith.constant 0 : i32
      %dma_start3A_17 = tpu.memref_slice %arg2[%dma_start3A_15, %dma_start3A_16] : memref<10000x128xf32, #tpu.memory_space<hbm>> -> memref<10000x128xf32, #tpu.memory_space<hbm>>
      tpu.enqueue_indirect_dma source(%dma_start3A_17 : memref<10000x128xf32, #tpu.memory_space<hbm>>) target(%arg9 : memref<128x128xf32, #tpu.memory_space<vmem>>) offsets(%dma_start3A_14 : memref<128xi32, #tpu.memory_space<vmem>>) semaphore(%run_scoped3A_12 : memref<!tpu.dma_semaphore, #tpu.memory_space<semaphore_mem>>)
      %dma_wait3A = arith.constant 0 : i32
      %dma_wait3A_18 = tpu.memref_slice %arg7[%run_scoped3A, %dma_wait3A] : memref<49x128xi32, #tpu.memory_space<vmem>> -> memref<1x128xi32, #tpu.memory_space<vmem>>
      %dma_wait3A_19 = tpu.memref_squeeze %dma_wait3A_18 : memref<1x128xi32, #tpu.memory_space<vmem>> -> memref<128xi32, #tpu.memory_space<vmem>>
      %dma_wait3A_20 = arith.constant 0 : i32
      %dma_wait3A_21 = arith.constant 0 : i32
      %dma_wait3A_22 = tpu.memref_slice %arg2[%dma_wait3A_20, %dma_wait3A_21] : memref<10000x128xf32, #tpu.memory_space<hbm>> -> memref<10000x128xf32, #tpu.memory_space<hbm>>
      tpu.wait_indirect_dma semaphore(%run_scoped3A_12 : memref<!tpu.dma_semaphore, #tpu.memory_space<semaphore_mem>>) src(%dma_wait3A_22 : memref<10000x128xf32, #tpu.memory_space<hbm>>) dst(%arg9 : memref<128x128xf32, #tpu.memory_space<vmem>>)
      tpu.yield
    }) : () -> ()
    %run_scoped3A_7 = arith.constant 48 : i32
    "tpu.region"() ({
      %run_scoped3A_12 = tpu.sem_alloc : memref<!tpu.dma_semaphore, #tpu.memory_space<semaphore_mem>>
      %dma_start3A = arith.constant 0 : i32
      %dma_start3A_13 = tpu.memref_slice %arg8[%run_scoped3A_7, %dma_start3A] : memref<49x128xi32, #tpu.memory_space<vmem>> -> memref<1x128xi32, #tpu.memory_space<vmem>>
      %dma_start3A_14 = tpu.memref_squeeze %dma_start3A_13 : memref<1x128xi32, #tpu.memory_space<vmem>> -> memref<128xi32, #tpu.memory_space<vmem>>
      %dma_start3A_15 = arith.constant 0 : i32
      %dma_start3A_16 = arith.constant 0 : i32
      %dma_start3A_17 = tpu.memref_slice %arg2[%dma_start3A_15, %dma_start3A_16] : memref<10000x128xf32, #tpu.memory_space<hbm>> -> memref<10000x128xf32, #tpu.memory_space<hbm>>
      tpu.enqueue_indirect_dma source(%dma_start3A_17 : memref<10000x128xf32, #tpu.memory_space<hbm>>) target(%arg11 : memref<128x128xf32, #tpu.memory_space<vmem>>) offsets(%dma_start3A_14 : memref<128xi32, #tpu.memory_space<vmem>>) semaphore(%run_scoped3A_12 : memref<!tpu.dma_semaphore, #tpu.memory_space<semaphore_mem>>)
      %dma_wait3A = arith.constant 0 : i32
      %dma_wait3A_18 = tpu.memref_slice %arg8[%run_scoped3A_7, %dma_wait3A] : memref<49x128xi32, #tpu.memory_space<vmem>> -> memref<1x128xi32, #tpu.memory_space<vmem>>
      %dma_wait3A_19 = tpu.memref_squeeze %dma_wait3A_18 : memref<1x128xi32, #tpu.memory_space<vmem>> -> memref<128xi32, #tpu.memory_space<vmem>>
      %dma_wait3A_20 = arith.constant 0 : i32
      %dma_wait3A_21 = arith.constant 0 : i32
      %dma_wait3A_22 = tpu.memref_slice %arg2[%dma_wait3A_20, %dma_wait3A_21] : memref<10000x128xf32, #tpu.memory_space<hbm>> -> memref<10000x128xf32, #tpu.memory_space<hbm>>
      tpu.wait_indirect_dma semaphore(%run_scoped3A_12 : memref<!tpu.dma_semaphore, #tpu.memory_space<semaphore_mem>>) src(%dma_wait3A_22 : memref<10000x128xf32, #tpu.memory_space<hbm>>) dst(%arg11 : memref<128x128xf32, #tpu.memory_space<vmem>>)
      tpu.yield
    }) : () -> ()
    %add3A_8 = arith.constant 48 : i32
    %add3A_9 = arith.addi %mul3A_2, %add3A_8 : i32
    %mul3A_10 = arith.constant 128 : i32
    %mul3A_11 = arith.muli %add3A_9, %mul3A_10 : i32
    "tpu.region"() ({
      %run_scoped3A_12 = tpu.sem_alloc : memref<!tpu.dma_semaphore, #tpu.memory_space<semaphore_mem>>
      %dma_start3A = arith.constant 0 : i32
      %dma_start3A_13 = tpu.memref_slice %arg5[%mul3A_11, %dma_start3A] : memref<200704x128xf32, #tpu.memory_space<hbm>> -> memref<128x128xf32, #tpu.memory_space<hbm>>
      %dma_start3A_14 = arith.constant 0 : i32
      %dma_start3A_15 = tpu.memref_slice %arg5[%mul3A_11, %dma_start3A_14] : memref<200704x128xf32, #tpu.memory_space<hbm>> -> memref<128x128xf32, #tpu.memory_space<hbm>>
      tpu.enqueue_dma source(%arg9 : memref<128x128xf32, #tpu.memory_space<vmem>>) target(%dma_start3A_15 : memref<128x128xf32, #tpu.memory_space<hbm>>) target_semaphore(%run_scoped3A_12 : memref<!tpu.dma_semaphore, #tpu.memory_space<semaphore_mem>>)
      %dma_wait3A = arith.constant 0 : i32
      %dma_wait3A_16 = tpu.memref_slice %arg5[%mul3A_11, %dma_wait3A] : memref<200704x128xf32, #tpu.memory_space<hbm>> -> memref<128x128xf32, #tpu.memory_space<hbm>>
      %dma_wait3A_17 = arith.constant 0 : i32
      %dma_wait3A_18 = tpu.memref_slice %arg5[%mul3A_11, %dma_wait3A_17] : memref<200704x128xf32, #tpu.memory_space<hbm>> -> memref<128x128xf32, #tpu.memory_space<hbm>>
      tpu.wait_dma2 semaphore(%run_scoped3A_12 : memref<!tpu.dma_semaphore, #tpu.memory_space<semaphore_mem>>) src(%arg9 : memref<128x128xf32, #tpu.memory_space<vmem>>) dst(%dma_wait3A_18 : memref<128x128xf32, #tpu.memory_space<hbm>>)
      tpu.yield
    }) : () -> ()
    "tpu.region"() ({
      %run_scoped3A_12 = tpu.sem_alloc : memref<!tpu.dma_semaphore, #tpu.memory_space<semaphore_mem>>
      %dma_start3A = arith.constant 0 : i32
      %dma_start3A_13 = tpu.memref_slice %arg6[%mul3A_11, %dma_start3A] : memref<200704x128xf32, #tpu.memory_space<hbm>> -> memref<128x128xf32, #tpu.memory_space<hbm>>
      %dma_start3A_14 = arith.constant 0 : i32
      %dma_start3A_15 = tpu.memref_slice %arg6[%mul3A_11, %dma_start3A_14] : memref<200704x128xf32, #tpu.memory_space<hbm>> -> memref<128x128xf32, #tpu.memory_space<hbm>>
      tpu.enqueue_dma source(%arg11 : memref<128x128xf32, #tpu.memory_space<vmem>>) target(%dma_start3A_15 : memref<128x128xf32, #tpu.memory_space<hbm>>) target_semaphore(%run_scoped3A_12 : memref<!tpu.dma_semaphore, #tpu.memory_space<semaphore_mem>>)
      %dma_wait3A = arith.constant 0 : i32
      %dma_wait3A_16 = tpu.memref_slice %arg6[%mul3A_11, %dma_wait3A] : memref<200704x128xf32, #tpu.memory_space<hbm>> -> memref<128x128xf32, #tpu.memory_space<hbm>>
      %dma_wait3A_17 = arith.constant 0 : i32
      %dma_wait3A_18 = tpu.memref_slice %arg6[%mul3A_11, %dma_wait3A_17] : memref<200704x128xf32, #tpu.memory_space<hbm>> -> memref<128x128xf32, #tpu.memory_space<hbm>>
      tpu.wait_dma2 semaphore(%run_scoped3A_12 : memref<!tpu.dma_semaphore, #tpu.memory_space<semaphore_mem>>) src(%arg11 : memref<128x128xf32, #tpu.memory_space<vmem>>) dst(%dma_wait3A_18 : memref<128x128xf32, #tpu.memory_space<hbm>>)
      tpu.yield
    }) : () -> ()
    return
  }
}

#map = affine_map<(d0, d1) -> (0, 0)>
#map1 = affine_map<(d0, d1) -> (0, 0, 0)>
#map2 = affine_map<(d0, d1) -> (0)>
module attributes {stable_mosaic.version = 14 : i64} {
  func.func @body(%arg0: i32, %arg1: i32, %arg2: memref<10000x128xf32, #tpu.memory_space<hbm>>, %arg3: memref<32x80x128xi32, #tpu.memory_space<hbm>>, %arg4: memref<10112x128xf32, #tpu.memory_space<hbm>>, %arg5: memref<2x10112x128xf32, #tpu.memory_space<hbm>>, %arg6: memref<20224xf32, #tpu.memory_space<hbm>>, %arg7: memref<80x128xi32, #tpu.memory_space<vmem>>, %arg8: memref<2x128xi32, #tpu.memory_space<vmem>>, %arg9: memref<2x128xi32, #tpu.memory_space<vmem>>, %arg10: memref<256x128xf32, #tpu.memory_space<vmem>>, %arg11: memref<!tpu.dma_semaphore, #tpu.memory_space<semaphore_mem>>, %arg12: memref<!tpu.dma_semaphore, #tpu.memory_space<semaphore_mem>>, %arg13: memref<10112x128xf32, #tpu.memory_space<vmem_shared>>, %arg14: memref<128xf32, #tpu.memory_space<vmem>>, %arg15: memref<632xf32, #tpu.memory_space<vmem>>, %arg16: memref<10112xf32, #tpu.memory_space<vmem_shared>>) attributes {dimension_semantics = [#tpu.dimension_semantics<core_parallel>, #tpu.dimension_semantics<subcore_parallel>], iteration_bounds = array<i64: 2, 16>, scalar_prefetch = 0 : i64, scratch_operands = 10 : i64, tpu.core_type = #tpu.core_type<sc_vector_subcore>, window_params = [{transform_indices = #map}, {transform_indices = #map1}, {transform_indices = #map}, {transform_indices = #map1}, {transform_indices = #map2}]} {
    %mul3A = arith.constant 16 : i32
    %mul3A_0 = arith.muli %arg0, %mul3A : i32
    %add3A = arith.addi %mul3A_0, %arg1 : i32
    %mul3A_1 = arith.constant 632 : i32
    %mul3A_2 = arith.muli %arg1, %mul3A_1 : i32
    "tpu.region"() ({
      %run_scoped3A = tpu.sem_alloc : memref<!tpu.dma_semaphore, #tpu.memory_space<semaphore_mem>>
      %dma_start3A_404 = arith.constant 0 : i32
      %dma_start3A_405 = tpu.memref_slice %arg13[%mul3A_2, %dma_start3A_404] : memref<10112x128xf32, #tpu.memory_space<vmem_shared>> -> memref<632x128xf32, #tpu.memory_space<vmem_shared>>
      %dma_start3A_406 = arith.constant 0 : i32
      %dma_start3A_407 = tpu.memref_slice %arg4[%mul3A_2, %dma_start3A_406] : memref<10112x128xf32, #tpu.memory_space<hbm>> -> memref<632x128xf32, #tpu.memory_space<hbm>>
      tpu.enqueue_dma source(%dma_start3A_407 : memref<632x128xf32, #tpu.memory_space<hbm>>) target(%dma_start3A_405 : memref<632x128xf32, #tpu.memory_space<vmem_shared>>) target_semaphore(%run_scoped3A : memref<!tpu.dma_semaphore, #tpu.memory_space<semaphore_mem>>)
      %dma_wait3A_408 = arith.constant 0 : i32
      %dma_wait3A_409 = tpu.memref_slice %arg13[%mul3A_2, %dma_wait3A_408] : memref<10112x128xf32, #tpu.memory_space<vmem_shared>> -> memref<632x128xf32, #tpu.memory_space<vmem_shared>>
      %dma_wait3A_410 = arith.constant 0 : i32
      %dma_wait3A_411 = tpu.memref_slice %arg4[%mul3A_2, %dma_wait3A_410] : memref<10112x128xf32, #tpu.memory_space<hbm>> -> memref<632x128xf32, #tpu.memory_space<hbm>>
      tpu.wait_dma2 semaphore(%run_scoped3A : memref<!tpu.dma_semaphore, #tpu.memory_space<semaphore_mem>>) src(%dma_wait3A_411 : memref<632x128xf32, #tpu.memory_space<hbm>>) dst(%dma_wait3A_409 : memref<632x128xf32, #tpu.memory_space<vmem_shared>>)
      tpu.yield
    }) : () -> ()
    %broadcast_in_dim3A = arith.constant 0.000000e+00 : f32
    %broadcast_in_dim3A_3 = vector.broadcast %broadcast_in_dim3A : f32 to vector<16xf32>
    %broadcast_in_dim3A_4 = arith.constant 1.000000e+00 : f32
    %broadcast_in_dim3A_5 = vector.broadcast %broadcast_in_dim3A_4 : f32 to vector<16xf32>
    %swap3A = arith.constant 0 : index
    %swap3A_6 = tpu.vector_load %arg14[%swap3A] {strides = array<i32>} : memref<128xf32, #tpu.memory_space<vmem>>, vector<16xf32>,
    %swap3A_7 = vector.shape_cast %swap3A_6 : vector<16xf32> to vector<16xf32>
    %swap3A_8 = vector.shape_cast %broadcast_in_dim3A_5 : vector<16xf32> to vector<16xf32>
    tpu.vector_store %arg14[%swap3A], %swap3A_8 {strides = array<i32>} : memref<128xf32, #tpu.memory_space<vmem>>, vector<16xf32>,
    %swap3A_9 = arith.constant 16 : index
    %swap3A_10 = tpu.vector_load %arg14[%swap3A_9] {strides = array<i32>} : memref<128xf32, #tpu.memory_space<vmem>>, vector<16xf32>,
    %swap3A_11 = vector.shape_cast %swap3A_10 : vector<16xf32> to vector<16xf32>
    %swap3A_12 = vector.shape_cast %broadcast_in_dim3A_5 : vector<16xf32> to vector<16xf32>
    tpu.vector_store %arg14[%swap3A_9], %swap3A_12 {strides = array<i32>} : memref<128xf32, #tpu.memory_space<vmem>>, vector<16xf32>,
    %swap3A_13 = arith.constant 32 : index
    %swap3A_14 = tpu.vector_load %arg14[%swap3A_13] {strides = array<i32>} : memref<128xf32, #tpu.memory_space<vmem>>, vector<16xf32>,
    %swap3A_15 = vector.shape_cast %swap3A_14 : vector<16xf32> to vector<16xf32>
    %swap3A_16 = vector.shape_cast %broadcast_in_dim3A_5 : vector<16xf32> to vector<16xf32>
    tpu.vector_store %arg14[%swap3A_13], %swap3A_16 {strides = array<i32>} : memref<128xf32, #tpu.memory_space<vmem>>, vector<16xf32>,
    %swap3A_17 = arith.constant 48 : index
    %swap3A_18 = tpu.vector_load %arg14[%swap3A_17] {strides = array<i32>} : memref<128xf32, #tpu.memory_space<vmem>>, vector<16xf32>,
    %swap3A_19 = vector.shape_cast %swap3A_18 : vector<16xf32> to vector<16xf32>
    %swap3A_20 = vector.shape_cast %broadcast_in_dim3A_5 : vector<16xf32> to vector<16xf32>
    tpu.vector_store %arg14[%swap3A_17], %swap3A_20 {strides = array<i32>} : memref<128xf32, #tpu.memory_space<vmem>>, vector<16xf32>,
    %swap3A_21 = arith.constant 64 : index
    %swap3A_22 = tpu.vector_load %arg14[%swap3A_21] {strides = array<i32>} : memref<128xf32, #tpu.memory_space<vmem>>, vector<16xf32>,
    %swap3A_23 = vector.shape_cast %swap3A_22 : vector<16xf32> to vector<16xf32>
    %swap3A_24 = vector.shape_cast %broadcast_in_dim3A_5 : vector<16xf32> to vector<16xf32>
    tpu.vector_store %arg14[%swap3A_21], %swap3A_24 {strides = array<i32>} : memref<128xf32, #tpu.memory_space<vmem>>, vector<16xf32>,
    %swap3A_25 = arith.constant 80 : index
    %swap3A_26 = tpu.vector_load %arg14[%swap3A_25] {strides = array<i32>} : memref<128xf32, #tpu.memory_space<vmem>>, vector<16xf32>,
    %swap3A_27 = vector.shape_cast %swap3A_26 : vector<16xf32> to vector<16xf32>
    %swap3A_28 = vector.shape_cast %broadcast_in_dim3A_5 : vector<16xf32> to vector<16xf32>
    tpu.vector_store %arg14[%swap3A_25], %swap3A_28 {strides = array<i32>} : memref<128xf32, #tpu.memory_space<vmem>>, vector<16xf32>,
    %swap3A_29 = arith.constant 96 : index
    %swap3A_30 = tpu.vector_load %arg14[%swap3A_29] {strides = array<i32>} : memref<128xf32, #tpu.memory_space<vmem>>, vector<16xf32>,
    %swap3A_31 = vector.shape_cast %swap3A_30 : vector<16xf32> to vector<16xf32>
    %swap3A_32 = vector.shape_cast %broadcast_in_dim3A_5 : vector<16xf32> to vector<16xf32>
    tpu.vector_store %arg14[%swap3A_29], %swap3A_32 {strides = array<i32>} : memref<128xf32, #tpu.memory_space<vmem>>, vector<16xf32>,
    %swap3A_33 = arith.constant 112 : index
    %swap3A_34 = tpu.vector_load %arg14[%swap3A_33] {strides = array<i32>} : memref<128xf32, #tpu.memory_space<vmem>>, vector<16xf32>,
    %swap3A_35 = vector.shape_cast %swap3A_34 : vector<16xf32> to vector<16xf32>
    %swap3A_36 = vector.shape_cast %broadcast_in_dim3A_5 : vector<16xf32> to vector<16xf32>
    tpu.vector_store %arg14[%swap3A_33], %swap3A_36 {strides = array<i32>} : memref<128xf32, #tpu.memory_space<vmem>>, vector<16xf32>,
    %swap3A_37 = arith.constant 0 : index
    %swap3A_38 = tpu.vector_load %arg15[%swap3A_37] {strides = array<i32>} : memref<632xf32, #tpu.memory_space<vmem>>, vector<16xf32>,
    %swap3A_39 = vector.shape_cast %swap3A_38 : vector<16xf32> to vector<16xf32>
    %swap3A_40 = vector.shape_cast %broadcast_in_dim3A_3 : vector<16xf32> to vector<16xf32>
    tpu.vector_store %arg15[%swap3A_37], %swap3A_40 {strides = array<i32>} : memref<632xf32, #tpu.memory_space<vmem>>, vector<16xf32>,
    %swap3A_41 = arith.constant 16 : index
    %swap3A_42 = tpu.vector_load %arg15[%swap3A_41] {strides = array<i32>} : memref<632xf32, #tpu.memory_space<vmem>>, vector<16xf32>,
    %swap3A_43 = vector.shape_cast %swap3A_42 : vector<16xf32> to vector<16xf32>
    %swap3A_44 = vector.shape_cast %broadcast_in_dim3A_3 : vector<16xf32> to vector<16xf32>
    tpu.vector_store %arg15[%swap3A_41], %swap3A_44 {strides = array<i32>} : memref<632xf32, #tpu.memory_space<vmem>>, vector<16xf32>,
    %swap3A_45 = arith.constant 32 : index
    %swap3A_46 = tpu.vector_load %arg15[%swap3A_45] {strides = array<i32>} : memref<632xf32, #tpu.memory_space<vmem>>, vector<16xf32>,
    %swap3A_47 = vector.shape_cast %swap3A_46 : vector<16xf32> to vector<16xf32>
    %swap3A_48 = vector.shape_cast %broadcast_in_dim3A_3 : vector<16xf32> to vector<16xf32>
    tpu.vector_store %arg15[%swap3A_45], %swap3A_48 {strides = array<i32>} : memref<632xf32, #tpu.memory_space<vmem>>, vector<16xf32>,
    %swap3A_49 = arith.constant 48 : index
    %swap3A_50 = tpu.vector_load %arg15[%swap3A_49] {strides = array<i32>} : memref<632xf32, #tpu.memory_space<vmem>>, vector<16xf32>,
    %swap3A_51 = vector.shape_cast %swap3A_50 : vector<16xf32> to vector<16xf32>
    %swap3A_52 = vector.shape_cast %broadcast_in_dim3A_3 : vector<16xf32> to vector<16xf32>
    tpu.vector_store %arg15[%swap3A_49], %swap3A_52 {strides = array<i32>} : memref<632xf32, #tpu.memory_space<vmem>>, vector<16xf32>,
    %swap3A_53 = arith.constant 64 : index
    %swap3A_54 = tpu.vector_load %arg15[%swap3A_53] {strides = array<i32>} : memref<632xf32, #tpu.memory_space<vmem>>, vector<16xf32>,
    %swap3A_55 = vector.shape_cast %swap3A_54 : vector<16xf32> to vector<16xf32>
    %swap3A_56 = vector.shape_cast %broadcast_in_dim3A_3 : vector<16xf32> to vector<16xf32>
    tpu.vector_store %arg15[%swap3A_53], %swap3A_56 {strides = array<i32>} : memref<632xf32, #tpu.memory_space<vmem>>, vector<16xf32>,
    %swap3A_57 = arith.constant 80 : index
    %swap3A_58 = tpu.vector_load %arg15[%swap3A_57] {strides = array<i32>} : memref<632xf32, #tpu.memory_space<vmem>>, vector<16xf32>,
    %swap3A_59 = vector.shape_cast %swap3A_58 : vector<16xf32> to vector<16xf32>
    %swap3A_60 = vector.shape_cast %broadcast_in_dim3A_3 : vector<16xf32> to vector<16xf32>
    tpu.vector_store %arg15[%swap3A_57], %swap3A_60 {strides = array<i32>} : memref<632xf32, #tpu.memory_space<vmem>>, vector<16xf32>,
    %swap3A_61 = arith.constant 96 : index
    %swap3A_62 = tpu.vector_load %arg15[%swap3A_61] {strides = array<i32>} : memref<632xf32, #tpu.memory_space<vmem>>, vector<16xf32>,
    %swap3A_63 = vector.shape_cast %swap3A_62 : vector<16xf32> to vector<16xf32>
    %swap3A_64 = vector.shape_cast %broadcast_in_dim3A_3 : vector<16xf32> to vector<16xf32>
    tpu.vector_store %arg15[%swap3A_61], %swap3A_64 {strides = array<i32>} : memref<632xf32, #tpu.memory_space<vmem>>, vector<16xf32>,
    %swap3A_65 = arith.constant 112 : index
    %swap3A_66 = tpu.vector_load %arg15[%swap3A_65] {strides = array<i32>} : memref<632xf32, #tpu.memory_space<vmem>>, vector<16xf32>,
    %swap3A_67 = vector.shape_cast %swap3A_66 : vector<16xf32> to vector<16xf32>
    %swap3A_68 = vector.shape_cast %broadcast_in_dim3A_3 : vector<16xf32> to vector<16xf32>
    tpu.vector_store %arg15[%swap3A_65], %swap3A_68 {strides = array<i32>} : memref<632xf32, #tpu.memory_space<vmem>>, vector<16xf32>,
    %swap3A_69 = arith.constant 128 : index
    %swap3A_70 = tpu.vector_load %arg15[%swap3A_69] {strides = array<i32>} : memref<632xf32, #tpu.memory_space<vmem>>, vector<16xf32>,
    %swap3A_71 = vector.shape_cast %swap3A_70 : vector<16xf32> to vector<16xf32>
    %swap3A_72 = vector.shape_cast %broadcast_in_dim3A_3 : vector<16xf32> to vector<16xf32>
    tpu.vector_store %arg15[%swap3A_69], %swap3A_72 {strides = array<i32>} : memref<632xf32, #tpu.memory_space<vmem>>, vector<16xf32>,
    %swap3A_73 = arith.constant 144 : index
    %swap3A_74 = tpu.vector_load %arg15[%swap3A_73] {strides = array<i32>} : memref<632xf32, #tpu.memory_space<vmem>>, vector<16xf32>,
    %swap3A_75 = vector.shape_cast %swap3A_74 : vector<16xf32> to vector<16xf32>
    %swap3A_76 = vector.shape_cast %broadcast_in_dim3A_3 : vector<16xf32> to vector<16xf32>
    tpu.vector_store %arg15[%swap3A_73], %swap3A_76 {strides = array<i32>} : memref<632xf32, #tpu.memory_space<vmem>>, vector<16xf32>,
    %swap3A_77 = arith.constant 160 : index
    %swap3A_78 = tpu.vector_load %arg15[%swap3A_77] {strides = array<i32>} : memref<632xf32, #tpu.memory_space<vmem>>, vector<16xf32>,
    %swap3A_79 = vector.shape_cast %swap3A_78 : vector<16xf32> to vector<16xf32>
    %swap3A_80 = vector.shape_cast %broadcast_in_dim3A_3 : vector<16xf32> to vector<16xf32>
    tpu.vector_store %arg15[%swap3A_77], %swap3A_80 {strides = array<i32>} : memref<632xf32, #tpu.memory_space<vmem>>, vector<16xf32>,
    %swap3A_81 = arith.constant 176 : index
    %swap3A_82 = tpu.vector_load %arg15[%swap3A_81] {strides = array<i32>} : memref<632xf32, #tpu.memory_space<vmem>>, vector<16xf32>,
    %swap3A_83 = vector.shape_cast %swap3A_82 : vector<16xf32> to vector<16xf32>
    %swap3A_84 = vector.shape_cast %broadcast_in_dim3A_3 : vector<16xf32> to vector<16xf32>
    tpu.vector_store %arg15[%swap3A_81], %swap3A_84 {strides = array<i32>} : memref<632xf32, #tpu.memory_space<vmem>>, vector<16xf32>,
    %swap3A_85 = arith.constant 192 : index
    %swap3A_86 = tpu.vector_load %arg15[%swap3A_85] {strides = array<i32>} : memref<632xf32, #tpu.memory_space<vmem>>, vector<16xf32>,
    %swap3A_87 = vector.shape_cast %swap3A_86 : vector<16xf32> to vector<16xf32>
    %swap3A_88 = vector.shape_cast %broadcast_in_dim3A_3 : vector<16xf32> to vector<16xf32>
    tpu.vector_store %arg15[%swap3A_85], %swap3A_88 {strides = array<i32>} : memref<632xf32, #tpu.memory_space<vmem>>, vector<16xf32>,
    %swap3A_89 = arith.constant 208 : index
    %swap3A_90 = tpu.vector_load %arg15[%swap3A_89] {strides = array<i32>} : memref<632xf32, #tpu.memory_space<vmem>>, vector<16xf32>,
    %swap3A_91 = vector.shape_cast %swap3A_90 : vector<16xf32> to vector<16xf32>
    %swap3A_92 = vector.shape_cast %broadcast_in_dim3A_3 : vector<16xf32> to vector<16xf32>
    tpu.vector_store %arg15[%swap3A_89], %swap3A_92 {strides = array<i32>} : memref<632xf32, #tpu.memory_space<vmem>>, vector<16xf32>,
    %swap3A_93 = arith.constant 224 : index
    %swap3A_94 = tpu.vector_load %arg15[%swap3A_93] {strides = array<i32>} : memref<632xf32, #tpu.memory_space<vmem>>, vector<16xf32>,
    %swap3A_95 = vector.shape_cast %swap3A_94 : vector<16xf32> to vector<16xf32>
    %swap3A_96 = vector.shape_cast %broadcast_in_dim3A_3 : vector<16xf32> to vector<16xf32>
    tpu.vector_store %arg15[%swap3A_93], %swap3A_96 {strides = array<i32>} : memref<632xf32, #tpu.memory_space<vmem>>, vector<16xf32>,
    %swap3A_97 = arith.constant 240 : index
    %swap3A_98 = tpu.vector_load %arg15[%swap3A_97] {strides = array<i32>} : memref<632xf32, #tpu.memory_space<vmem>>, vector<16xf32>,
    %swap3A_99 = vector.shape_cast %swap3A_98 : vector<16xf32> to vector<16xf32>
    %swap3A_100 = vector.shape_cast %broadcast_in_dim3A_3 : vector<16xf32> to vector<16xf32>
    tpu.vector_store %arg15[%swap3A_97], %swap3A_100 {strides = array<i32>} : memref<632xf32, #tpu.memory_space<vmem>>, vector<16xf32>,
    %swap3A_101 = arith.constant 256 : index
    %swap3A_102 = tpu.vector_load %arg15[%swap3A_101] {strides = array<i32>} : memref<632xf32, #tpu.memory_space<vmem>>, vector<16xf32>,
    %swap3A_103 = vector.shape_cast %swap3A_102 : vector<16xf32> to vector<16xf32>
    %swap3A_104 = vector.shape_cast %broadcast_in_dim3A_3 : vector<16xf32> to vector<16xf32>
    tpu.vector_store %arg15[%swap3A_101], %swap3A_104 {strides = array<i32>} : memref<632xf32, #tpu.memory_space<vmem>>, vector<16xf32>,
    %swap3A_105 = arith.constant 272 : index
    %swap3A_106 = tpu.vector_load %arg15[%swap3A_105] {strides = array<i32>} : memref<632xf32, #tpu.memory_space<vmem>>, vector<16xf32>,
    %swap3A_107 = vector.shape_cast %swap3A_106 : vector<16xf32> to vector<16xf32>
    %swap3A_108 = vector.shape_cast %broadcast_in_dim3A_3 : vector<16xf32> to vector<16xf32>
    tpu.vector_store %arg15[%swap3A_105], %swap3A_108 {strides = array<i32>} : memref<632xf32, #tpu.memory_space<vmem>>, vector<16xf32>,
    %swap3A_109 = arith.constant 288 : index
    %swap3A_110 = tpu.vector_load %arg15[%swap3A_109] {strides = array<i32>} : memref<632xf32, #tpu.memory_space<vmem>>, vector<16xf32>,
    %swap3A_111 = vector.shape_cast %swap3A_110 : vector<16xf32> to vector<16xf32>
    %swap3A_112 = vector.shape_cast %broadcast_in_dim3A_3 : vector<16xf32> to vector<16xf32>
    tpu.vector_store %arg15[%swap3A_109], %swap3A_112 {strides = array<i32>} : memref<632xf32, #tpu.memory_space<vmem>>, vector<16xf32>,
    %swap3A_113 = arith.constant 304 : index
    %swap3A_114 = tpu.vector_load %arg15[%swap3A_113] {strides = array<i32>} : memref<632xf32, #tpu.memory_space<vmem>>, vector<16xf32>,
    %swap3A_115 = vector.shape_cast %swap3A_114 : vector<16xf32> to vector<16xf32>
    %swap3A_116 = vector.shape_cast %broadcast_in_dim3A_3 : vector<16xf32> to vector<16xf32>
    tpu.vector_store %arg15[%swap3A_113], %swap3A_116 {strides = array<i32>} : memref<632xf32, #tpu.memory_space<vmem>>, vector<16xf32>,
    %swap3A_117 = arith.constant 320 : index
    %swap3A_118 = tpu.vector_load %arg15[%swap3A_117] {strides = array<i32>} : memref<632xf32, #tpu.memory_space<vmem>>, vector<16xf32>,
    %swap3A_119 = vector.shape_cast %swap3A_118 : vector<16xf32> to vector<16xf32>
    %swap3A_120 = vector.shape_cast %broadcast_in_dim3A_3 : vector<16xf32> to vector<16xf32>
    tpu.vector_store %arg15[%swap3A_117], %swap3A_120 {strides = array<i32>} : memref<632xf32, #tpu.memory_space<vmem>>, vector<16xf32>,
    %swap3A_121 = arith.constant 336 : index
    %swap3A_122 = tpu.vector_load %arg15[%swap3A_121] {strides = array<i32>} : memref<632xf32, #tpu.memory_space<vmem>>, vector<16xf32>,
    %swap3A_123 = vector.shape_cast %swap3A_122 : vector<16xf32> to vector<16xf32>
    %swap3A_124 = vector.shape_cast %broadcast_in_dim3A_3 : vector<16xf32> to vector<16xf32>
    tpu.vector_store %arg15[%swap3A_121], %swap3A_124 {strides = array<i32>} : memref<632xf32, #tpu.memory_space<vmem>>, vector<16xf32>,
    %swap3A_125 = arith.constant 352 : index
    %swap3A_126 = tpu.vector_load %arg15[%swap3A_125] {strides = array<i32>} : memref<632xf32, #tpu.memory_space<vmem>>, vector<16xf32>,
    %swap3A_127 = vector.shape_cast %swap3A_126 : vector<16xf32> to vector<16xf32>
    %swap3A_128 = vector.shape_cast %broadcast_in_dim3A_3 : vector<16xf32> to vector<16xf32>
    tpu.vector_store %arg15[%swap3A_125], %swap3A_128 {strides = array<i32>} : memref<632xf32, #tpu.memory_space<vmem>>, vector<16xf32>,
    %swap3A_129 = arith.constant 368 : index
    %swap3A_130 = tpu.vector_load %arg15[%swap3A_129] {strides = array<i32>} : memref<632xf32, #tpu.memory_space<vmem>>, vector<16xf32>,
    %swap3A_131 = vector.shape_cast %swap3A_130 : vector<16xf32> to vector<16xf32>
    %swap3A_132 = vector.shape_cast %broadcast_in_dim3A_3 : vector<16xf32> to vector<16xf32>
    tpu.vector_store %arg15[%swap3A_129], %swap3A_132 {strides = array<i32>} : memref<632xf32, #tpu.memory_space<vmem>>, vector<16xf32>,
    %swap3A_133 = arith.constant 384 : index
    %swap3A_134 = tpu.vector_load %arg15[%swap3A_133] {strides = array<i32>} : memref<632xf32, #tpu.memory_space<vmem>>, vector<16xf32>,
    %swap3A_135 = vector.shape_cast %swap3A_134 : vector<16xf32> to vector<16xf32>
    %swap3A_136 = vector.shape_cast %broadcast_in_dim3A_3 : vector<16xf32> to vector<16xf32>
    tpu.vector_store %arg15[%swap3A_133], %swap3A_136 {strides = array<i32>} : memref<632xf32, #tpu.memory_space<vmem>>, vector<16xf32>,
    %swap3A_137 = arith.constant 400 : index
    %swap3A_138 = tpu.vector_load %arg15[%swap3A_137] {strides = array<i32>} : memref<632xf32, #tpu.memory_space<vmem>>, vector<16xf32>,
    %swap3A_139 = vector.shape_cast %swap3A_138 : vector<16xf32> to vector<16xf32>
    %swap3A_140 = vector.shape_cast %broadcast_in_dim3A_3 : vector<16xf32> to vector<16xf32>
    tpu.vector_store %arg15[%swap3A_137], %swap3A_140 {strides = array<i32>} : memref<632xf32, #tpu.memory_space<vmem>>, vector<16xf32>,
    %swap3A_141 = arith.constant 416 : index
    %swap3A_142 = tpu.vector_load %arg15[%swap3A_141] {strides = array<i32>} : memref<632xf32, #tpu.memory_space<vmem>>, vector<16xf32>,
    %swap3A_143 = vector.shape_cast %swap3A_142 : vector<16xf32> to vector<16xf32>
    %swap3A_144 = vector.shape_cast %broadcast_in_dim3A_3 : vector<16xf32> to vector<16xf32>
    tpu.vector_store %arg15[%swap3A_141], %swap3A_144 {strides = array<i32>} : memref<632xf32, #tpu.memory_space<vmem>>, vector<16xf32>,
    %swap3A_145 = arith.constant 432 : index
    %swap3A_146 = tpu.vector_load %arg15[%swap3A_145] {strides = array<i32>} : memref<632xf32, #tpu.memory_space<vmem>>, vector<16xf32>,
    %swap3A_147 = vector.shape_cast %swap3A_146 : vector<16xf32> to vector<16xf32>
    %swap3A_148 = vector.shape_cast %broadcast_in_dim3A_3 : vector<16xf32> to vector<16xf32>
    tpu.vector_store %arg15[%swap3A_145], %swap3A_148 {strides = array<i32>} : memref<632xf32, #tpu.memory_space<vmem>>, vector<16xf32>,
    %swap3A_149 = arith.constant 448 : index
    %swap3A_150 = tpu.vector_load %arg15[%swap3A_149] {strides = array<i32>} : memref<632xf32, #tpu.memory_space<vmem>>, vector<16xf32>,
    %swap3A_151 = vector.shape_cast %swap3A_150 : vector<16xf32> to vector<16xf32>
    %swap3A_152 = vector.shape_cast %broadcast_in_dim3A_3 : vector<16xf32> to vector<16xf32>
    tpu.vector_store %arg15[%swap3A_149], %swap3A_152 {strides = array<i32>} : memref<632xf32, #tpu.memory_space<vmem>>, vector<16xf32>,
    %swap3A_153 = arith.constant 464 : index
    %swap3A_154 = tpu.vector_load %arg15[%swap3A_153] {strides = array<i32>} : memref<632xf32, #tpu.memory_space<vmem>>, vector<16xf32>,
    %swap3A_155 = vector.shape_cast %swap3A_154 : vector<16xf32> to vector<16xf32>
    %swap3A_156 = vector.shape_cast %broadcast_in_dim3A_3 : vector<16xf32> to vector<16xf32>
    tpu.vector_store %arg15[%swap3A_153], %swap3A_156 {strides = array<i32>} : memref<632xf32, #tpu.memory_space<vmem>>, vector<16xf32>,
    %swap3A_157 = arith.constant 480 : index
    %swap3A_158 = tpu.vector_load %arg15[%swap3A_157] {strides = array<i32>} : memref<632xf32, #tpu.memory_space<vmem>>, vector<16xf32>,
    %swap3A_159 = vector.shape_cast %swap3A_158 : vector<16xf32> to vector<16xf32>
    %swap3A_160 = vector.shape_cast %broadcast_in_dim3A_3 : vector<16xf32> to vector<16xf32>
    tpu.vector_store %arg15[%swap3A_157], %swap3A_160 {strides = array<i32>} : memref<632xf32, #tpu.memory_space<vmem>>, vector<16xf32>,
    %swap3A_161 = arith.constant 496 : index
    %swap3A_162 = tpu.vector_load %arg15[%swap3A_161] {strides = array<i32>} : memref<632xf32, #tpu.memory_space<vmem>>, vector<16xf32>,
    %swap3A_163 = vector.shape_cast %swap3A_162 : vector<16xf32> to vector<16xf32>
    %swap3A_164 = vector.shape_cast %broadcast_in_dim3A_3 : vector<16xf32> to vector<16xf32>
    tpu.vector_store %arg15[%swap3A_161], %swap3A_164 {strides = array<i32>} : memref<632xf32, #tpu.memory_space<vmem>>, vector<16xf32>,
    %swap3A_165 = arith.constant 512 : index
    %swap3A_166 = tpu.vector_load %arg15[%swap3A_165] {strides = array<i32>} : memref<632xf32, #tpu.memory_space<vmem>>, vector<16xf32>,
    %swap3A_167 = vector.shape_cast %swap3A_166 : vector<16xf32> to vector<16xf32>
    %swap3A_168 = vector.shape_cast %broadcast_in_dim3A_3 : vector<16xf32> to vector<16xf32>
    tpu.vector_store %arg15[%swap3A_165], %swap3A_168 {strides = array<i32>} : memref<632xf32, #tpu.memory_space<vmem>>, vector<16xf32>,
    %swap3A_169 = arith.constant 528 : index
    %swap3A_170 = tpu.vector_load %arg15[%swap3A_169] {strides = array<i32>} : memref<632xf32, #tpu.memory_space<vmem>>, vector<16xf32>,
    %swap3A_171 = vector.shape_cast %swap3A_170 : vector<16xf32> to vector<16xf32>
    %swap3A_172 = vector.shape_cast %broadcast_in_dim3A_3 : vector<16xf32> to vector<16xf32>
    tpu.vector_store %arg15[%swap3A_169], %swap3A_172 {strides = array<i32>} : memref<632xf32, #tpu.memory_space<vmem>>, vector<16xf32>,
    %swap3A_173 = arith.constant 544 : index
    %swap3A_174 = tpu.vector_load %arg15[%swap3A_173] {strides = array<i32>} : memref<632xf32, #tpu.memory_space<vmem>>, vector<16xf32>,
    %swap3A_175 = vector.shape_cast %swap3A_174 : vector<16xf32> to vector<16xf32>
    %swap3A_176 = vector.shape_cast %broadcast_in_dim3A_3 : vector<16xf32> to vector<16xf32>
    tpu.vector_store %arg15[%swap3A_173], %swap3A_176 {strides = array<i32>} : memref<632xf32, #tpu.memory_space<vmem>>, vector<16xf32>,
    %swap3A_177 = arith.constant 560 : index
    %swap3A_178 = tpu.vector_load %arg15[%swap3A_177] {strides = array<i32>} : memref<632xf32, #tpu.memory_space<vmem>>, vector<16xf32>,
    %swap3A_179 = vector.shape_cast %swap3A_178 : vector<16xf32> to vector<16xf32>
    %swap3A_180 = vector.shape_cast %broadcast_in_dim3A_3 : vector<16xf32> to vector<16xf32>
    tpu.vector_store %arg15[%swap3A_177], %swap3A_180 {strides = array<i32>} : memref<632xf32, #tpu.memory_space<vmem>>, vector<16xf32>,
    %swap3A_181 = arith.constant 576 : index
    %swap3A_182 = tpu.vector_load %arg15[%swap3A_181] {strides = array<i32>} : memref<632xf32, #tpu.memory_space<vmem>>, vector<16xf32>,
    %swap3A_183 = vector.shape_cast %swap3A_182 : vector<16xf32> to vector<16xf32>
    %swap3A_184 = vector.shape_cast %broadcast_in_dim3A_3 : vector<16xf32> to vector<16xf32>
    tpu.vector_store %arg15[%swap3A_181], %swap3A_184 {strides = array<i32>} : memref<632xf32, #tpu.memory_space<vmem>>, vector<16xf32>,
    %swap3A_185 = arith.constant 592 : index
    %swap3A_186 = tpu.vector_load %arg15[%swap3A_185] {strides = array<i32>} : memref<632xf32, #tpu.memory_space<vmem>>, vector<16xf32>,
    %swap3A_187 = vector.shape_cast %swap3A_186 : vector<16xf32> to vector<16xf32>
    %swap3A_188 = vector.shape_cast %broadcast_in_dim3A_3 : vector<16xf32> to vector<16xf32>
    tpu.vector_store %arg15[%swap3A_185], %swap3A_188 {strides = array<i32>} : memref<632xf32, #tpu.memory_space<vmem>>, vector<16xf32>,
    %swap3A_189 = arith.constant 608 : index
    %swap3A_190 = tpu.vector_load %arg15[%swap3A_189] {strides = array<i32>} : memref<632xf32, #tpu.memory_space<vmem>>, vector<16xf32>,
    %swap3A_191 = vector.shape_cast %swap3A_190 : vector<16xf32> to vector<16xf32>
    %swap3A_192 = vector.shape_cast %broadcast_in_dim3A_3 : vector<16xf32> to vector<16xf32>
    tpu.vector_store %arg15[%swap3A_189], %swap3A_192 {strides = array<i32>} : memref<632xf32, #tpu.memory_space<vmem>>, vector<16xf32>,
    %swap3A_193 = arith.constant 616 : index
    %swap3A_194 = tpu.vector_load %arg15[%swap3A_193] {strides = array<i32>} : memref<632xf32, #tpu.memory_space<vmem>>, vector<16xf32>,
    %swap3A_195 = vector.shape_cast %swap3A_194 : vector<16xf32> to vector<16xf32>
    %swap3A_196 = vector.shape_cast %broadcast_in_dim3A_3 : vector<16xf32> to vector<16xf32>
    tpu.vector_store %arg15[%swap3A_193], %swap3A_196 {strides = array<i32>} : memref<632xf32, #tpu.memory_space<vmem>>, vector<16xf32>,
    "tpu.region"() ({
      %run_scoped3A = tpu.sem_alloc : memref<!tpu.dma_semaphore, #tpu.memory_space<semaphore_mem>>
      %dma_start3A_404 = tpu.memref_slice %arg16[%mul3A_2] : memref<10112xf32, #tpu.memory_space<vmem_shared>> -> memref<632xf32, #tpu.memory_space<vmem_shared>>
      %dma_start3A_405 = tpu.memref_slice %arg16[%mul3A_2] : memref<10112xf32, #tpu.memory_space<vmem_shared>> -> memref<632xf32, #tpu.memory_space<vmem_shared>>
      tpu.enqueue_dma source(%arg15 : memref<632xf32, #tpu.memory_space<vmem>>) target(%dma_start3A_405 : memref<632xf32, #tpu.memory_space<vmem_shared>>) target_semaphore(%run_scoped3A : memref<!tpu.dma_semaphore, #tpu.memory_space<semaphore_mem>>)
      %dma_wait3A_406 = tpu.memref_slice %arg16[%mul3A_2] : memref<10112xf32, #tpu.memory_space<vmem_shared>> -> memref<632xf32, #tpu.memory_space<vmem_shared>>
      %dma_wait3A_407 = tpu.memref_slice %arg16[%mul3A_2] : memref<10112xf32, #tpu.memory_space<vmem_shared>> -> memref<632xf32, #tpu.memory_space<vmem_shared>>
      tpu.wait_dma2 semaphore(%run_scoped3A : memref<!tpu.dma_semaphore, #tpu.memory_space<semaphore_mem>>) src(%arg15 : memref<632xf32, #tpu.memory_space<vmem>>) dst(%dma_wait3A_407 : memref<632xf32, #tpu.memory_space<vmem_shared>>)
      tpu.yield
    }) : () -> ()
    %barrier3A = arith.constant 0 : index
    tpu.barrier barrier_id(%barrier3A)
    "tpu.region"() ({
      %run_scoped3A = tpu.sem_alloc : memref<!tpu.dma_semaphore, #tpu.memory_space<semaphore_mem>>
      %dma_start3A_404 = arith.constant 0 : i32
      %dma_start3A_405 = arith.constant 0 : i32
      %dma_start3A_406 = tpu.memref_slice %arg3[%add3A, %dma_start3A_404, %dma_start3A_405] : memref<32x80x128xi32, #tpu.memory_space<hbm>> -> memref<1x80x128xi32, #tpu.memory_space<hbm>>
      %dma_start3A_407 = tpu.memref_squeeze %dma_start3A_406 : memref<1x80x128xi32, #tpu.memory_space<hbm>> -> memref<80x128xi32, #tpu.memory_space<hbm>>
      %dma_start3A_408 = arith.constant 0 : i32
      %dma_start3A_409 = arith.constant 0 : i32
      %dma_start3A_410 = tpu.memref_slice %arg3[%add3A, %dma_start3A_408, %dma_start3A_409] : memref<32x80x128xi32, #tpu.memory_space<hbm>> -> memref<1x80x128xi32, #tpu.memory_space<hbm>>
      %dma_start3A_411 = tpu.memref_squeeze %dma_start3A_410 : memref<1x80x128xi32, #tpu.memory_space<hbm>> -> memref<80x128xi32, #tpu.memory_space<hbm>>
      tpu.enqueue_dma source(%dma_start3A_411 : memref<80x128xi32, #tpu.memory_space<hbm>>) target(%arg7 : memref<80x128xi32, #tpu.memory_space<vmem>>) target_semaphore(%run_scoped3A : memref<!tpu.dma_semaphore, #tpu.memory_space<semaphore_mem>>)
      %dma_wait3A_412 = arith.constant 0 : i32
      %dma_wait3A_413 = arith.constant 0 : i32
      %dma_wait3A_414 = tpu.memref_slice %arg3[%add3A, %dma_wait3A_412, %dma_wait3A_413] : memref<32x80x128xi32, #tpu.memory_space<hbm>> -> memref<1x80x128xi32, #tpu.memory_space<hbm>>
      %dma_wait3A_415 = tpu.memref_squeeze %dma_wait3A_414 : memref<1x80x128xi32, #tpu.memory_space<hbm>> -> memref<80x128xi32, #tpu.memory_space<hbm>>
      %dma_wait3A_416 = arith.constant 0 : i32
      %dma_wait3A_417 = arith.constant 0 : i32
      %dma_wait3A_418 = tpu.memref_slice %arg3[%add3A, %dma_wait3A_416, %dma_wait3A_417] : memref<32x80x128xi32, #tpu.memory_space<hbm>> -> memref<1x80x128xi32, #tpu.memory_space<hbm>>
      %dma_wait3A_419 = tpu.memref_squeeze %dma_wait3A_418 : memref<1x80x128xi32, #tpu.memory_space<hbm>> -> memref<80x128xi32, #tpu.memory_space<hbm>>
      tpu.wait_dma2 semaphore(%run_scoped3A : memref<!tpu.dma_semaphore, #tpu.memory_space<semaphore_mem>>) src(%dma_wait3A_419 : memref<80x128xi32, #tpu.memory_space<hbm>>) dst(%arg7 : memref<80x128xi32, #tpu.memory_space<vmem>>)
      tpu.yield
    }) : () -> ()
    %get3A = arith.constant 0 : i32
    %get3A_197 = arith.index_cast %get3A : i32 to index
    %get3A_198 = arith.constant 0 : index
    %get3A_199 = tpu.vector_load %arg7[%get3A_197, %get3A_198] {strides = array<i32>} : memref<80x128xi32, #tpu.memory_space<vmem>>, vector<1x16xi32>,
    %get3A_200 = vector.shape_cast %get3A_199 : vector<1x16xi32> to vector<16xi32>
    %and3A = arith.constant 65535 : i32
    %and3A_201 = vector.broadcast %and3A : i32 to vector<16xi32>
    %and3A_202 = arith.andi %get3A_200, %and3A_201 : vector<16xi32>
    %swap3A_203 = arith.constant 0 : i32
    %swap3A_204 = arith.index_cast %swap3A_203 : i32 to index
    %swap3A_205 = arith.constant 0 : index
    %swap3A_206 = tpu.vector_load %arg8[%swap3A_204, %swap3A_205] {strides = array<i32>} : memref<2x128xi32, #tpu.memory_space<vmem>>, vector<1x16xi32>,
    %swap3A_207 = vector.shape_cast %swap3A_206 : vector<1x16xi32> to vector<16xi32>
    %swap3A_208 = vector.shape_cast %and3A_202 : vector<16xi32> to vector<1x16xi32>
    tpu.vector_store %arg8[%swap3A_204, %swap3A_205], %swap3A_208 {strides = array<i32>} : memref<2x128xi32, #tpu.memory_space<vmem>>, vector<1x16xi32>,
    %shift_right_logical3A = arith.constant 16 : i32
    %shift_right_logical3A_209 = vector.broadcast %shift_right_logical3A : i32 to vector<16xi32>
    %shift_right_logical3A_210 = arith.shrui %get3A_200, %shift_right_logical3A_209 : vector<16xi32>
    %swap3A_211 = arith.constant 0 : i32
    %swap3A_212 = arith.index_cast %swap3A_211 : i32 to index
    %swap3A_213 = arith.constant 0 : index
    %swap3A_214 = tpu.vector_load %arg9[%swap3A_212, %swap3A_213] {strides = array<i32>} : memref<2x128xi32, #tpu.memory_space<vmem>>, vector<1x16xi32>,
    %swap3A_215 = vector.shape_cast %swap3A_214 : vector<1x16xi32> to vector<16xi32>
    %swap3A_216 = vector.shape_cast %shift_right_logical3A_210 : vector<16xi32> to vector<1x16xi32>
    tpu.vector_store %arg9[%swap3A_212, %swap3A_213], %swap3A_216 {strides = array<i32>} : memref<2x128xi32, #tpu.memory_space<vmem>>, vector<1x16xi32>,
    %get3A_217 = arith.constant 0 : i32
    %get3A_218 = arith.index_cast %get3A_217 : i32 to index
    %get3A_219 = arith.constant 16 : index
    %get3A_220 = tpu.vector_load %arg7[%get3A_218, %get3A_219] {strides = array<i32>} : memref<80x128xi32, #tpu.memory_space<vmem>>, vector<1x16xi32>,
    %get3A_221 = vector.shape_cast %get3A_220 : vector<1x16xi32> to vector<16xi32>
    %and3A_222 = arith.constant 65535 : i32
    %and3A_223 = vector.broadcast %and3A_222 : i32 to vector<16xi32>
    %and3A_224 = arith.andi %get3A_221, %and3A_223 : vector<16xi32>
    %swap3A_225 = arith.constant 0 : i32
    %swap3A_226 = arith.index_cast %swap3A_225 : i32 to index
    %swap3A_227 = arith.constant 16 : index
    %swap3A_228 = tpu.vector_load %arg8[%swap3A_226, %swap3A_227] {strides = array<i32>} : memref<2x128xi32, #tpu.memory_space<vmem>>, vector<1x16xi32>,
    %swap3A_229 = vector.shape_cast %swap3A_228 : vector<1x16xi32> to vector<16xi32>
    %swap3A_230 = vector.shape_cast %and3A_224 : vector<16xi32> to vector<1x16xi32>
    tpu.vector_store %arg8[%swap3A_226, %swap3A_227], %swap3A_230 {strides = array<i32>} : memref<2x128xi32, #tpu.memory_space<vmem>>, vector<1x16xi32>,
    %shift_right_logical3A_231 = arith.constant 16 : i32
    %shift_right_logical3A_232 = vector.broadcast %shift_right_logical3A_231 : i32 to vector<16xi32>
    %shift_right_logical3A_233 = arith.shrui %get3A_221, %shift_right_logical3A_232 : vector<16xi32>
    %swap3A_234 = arith.constant 0 : i32
    %swap3A_235 = arith.index_cast %swap3A_234 : i32 to index
    %swap3A_236 = arith.constant 16 : index
    %swap3A_237 = tpu.vector_load %arg9[%swap3A_235, %swap3A_236] {strides = array<i32>} : memref<2x128xi32, #tpu.memory_space<vmem>>, vector<1x16xi32>,
    %swap3A_238 = vector.shape_cast %swap3A_237 : vector<1x16xi32> to vector<16xi32>
    %swap3A_239 = vector.shape_cast %shift_right_logical3A_233 : vector<16xi32> to vector<1x16xi32>
    tpu.vector_store %arg9[%swap3A_235, %swap3A_236], %swap3A_239 {strides = array<i32>} : memref<2x128xi32, #tpu.memory_space<vmem>>, vector<1x16xi32>,
    %get3A_240 = arith.constant 0 : i32
    %get3A_241 = arith.index_cast %get3A_240 : i32 to index
    %get3A_242 = arith.constant 32 : index
    %get3A_243 = tpu.vector_load %arg7[%get3A_241, %get3A_242] {strides = array<i32>} : memref<80x128xi32, #tpu.memory_space<vmem>>, vector<1x16xi32>,
    %get3A_244 = vector.shape_cast %get3A_243 : vector<1x16xi32> to vector<16xi32>
    %and3A_245 = arith.constant 65535 : i32
    %and3A_246 = vector.broadcast %and3A_245 : i32 to vector<16xi32>
    %and3A_247 = arith.andi %get3A_244, %and3A_246 : vector<16xi32>
    %swap3A_248 = arith.constant 0 : i32
    %swap3A_249 = arith.index_cast %swap3A_248 : i32 to index
    %swap3A_250 = arith.constant 32 : index
    %swap3A_251 = tpu.vector_load %arg8[%swap3A_249, %swap3A_250] {strides = array<i32>} : memref<2x128xi32, #tpu.memory_space<vmem>>, vector<1x16xi32>,
    %swap3A_252 = vector.shape_cast %swap3A_251 : vector<1x16xi32> to vector<16xi32>
    %swap3A_253 = vector.shape_cast %and3A_247 : vector<16xi32> to vector<1x16xi32>
    tpu.vector_store %arg8[%swap3A_249, %swap3A_250], %swap3A_253 {strides = array<i32>} : memref<2x128xi32, #tpu.memory_space<vmem>>, vector<1x16xi32>,
    %shift_right_logical3A_254 = arith.constant 16 : i32
    %shift_right_logical3A_255 = vector.broadcast %shift_right_logical3A_254 : i32 to vector<16xi32>
    %shift_right_logical3A_256 = arith.shrui %get3A_244, %shift_right_logical3A_255 : vector<16xi32>
    %swap3A_257 = arith.constant 0 : i32
    %swap3A_258 = arith.index_cast %swap3A_257 : i32 to index
    %swap3A_259 = arith.constant 32 : index
    %swap3A_260 = tpu.vector_load %arg9[%swap3A_258, %swap3A_259] {strides = array<i32>} : memref<2x128xi32, #tpu.memory_space<vmem>>, vector<1x16xi32>,
    %swap3A_261 = vector.shape_cast %swap3A_260 : vector<1x16xi32> to vector<16xi32>
    %swap3A_262 = vector.shape_cast %shift_right_logical3A_256 : vector<16xi32> to vector<1x16xi32>
    tpu.vector_store %arg9[%swap3A_258, %swap3A_259], %swap3A_262 {strides = array<i32>} : memref<2x128xi32, #tpu.memory_space<vmem>>, vector<1x16xi32>,
    %get3A_263 = arith.constant 0 : i32
    %get3A_264 = arith.index_cast %get3A_263 : i32 to index
    %get3A_265 = arith.constant 48 : index
    %get3A_266 = tpu.vector_load %arg7[%get3A_264, %get3A_265] {strides = array<i32>} : memref<80x128xi32, #tpu.memory_space<vmem>>, vector<1x16xi32>,
    %get3A_267 = vector.shape_cast %get3A_266 : vector<1x16xi32> to vector<16xi32>
    %and3A_268 = arith.constant 65535 : i32
    %and3A_269 = vector.broadcast %and3A_268 : i32 to vector<16xi32>
    %and3A_270 = arith.andi %get3A_267, %and3A_269 : vector<16xi32>
    %swap3A_271 = arith.constant 0 : i32
    %swap3A_272 = arith.index_cast %swap3A_271 : i32 to index
    %swap3A_273 = arith.constant 48 : index
    %swap3A_274 = tpu.vector_load %arg8[%swap3A_272, %swap3A_273] {strides = array<i32>} : memref<2x128xi32, #tpu.memory_space<vmem>>, vector<1x16xi32>,
    %swap3A_275 = vector.shape_cast %swap3A_274 : vector<1x16xi32> to vector<16xi32>
    %swap3A_276 = vector.shape_cast %and3A_270 : vector<16xi32> to vector<1x16xi32>
    tpu.vector_store %arg8[%swap3A_272, %swap3A_273], %swap3A_276 {strides = array<i32>} : memref<2x128xi32, #tpu.memory_space<vmem>>, vector<1x16xi32>,
    %shift_right_logical3A_277 = arith.constant 16 : i32
    %shift_right_logical3A_278 = vector.broadcast %shift_right_logical3A_277 : i32 to vector<16xi32>
    %shift_right_logical3A_279 = arith.shrui %get3A_267, %shift_right_logical3A_278 : vector<16xi32>
    %swap3A_280 = arith.constant 0 : i32
    %swap3A_281 = arith.index_cast %swap3A_280 : i32 to index
    %swap3A_282 = arith.constant 48 : index
    %swap3A_283 = tpu.vector_load %arg9[%swap3A_281, %swap3A_282] {strides = array<i32>} : memref<2x128xi32, #tpu.memory_space<vmem>>, vector<1x16xi32>,
    %swap3A_284 = vector.shape_cast %swap3A_283 : vector<1x16xi32> to vector<16xi32>
    %swap3A_285 = vector.shape_cast %shift_right_logical3A_279 : vector<16xi32> to vector<1x16xi32>
    tpu.vector_store %arg9[%swap3A_281, %swap3A_282], %swap3A_285 {strides = array<i32>} : memref<2x128xi32, #tpu.memory_space<vmem>>, vector<1x16xi32>,
    %get3A_286 = arith.constant 0 : i32
    %get3A_287 = arith.index_cast %get3A_286 : i32 to index
    %get3A_288 = arith.constant 64 : index
    %get3A_289 = tpu.vector_load %arg7[%get3A_287, %get3A_288] {strides = array<i32>} : memref<80x128xi32, #tpu.memory_space<vmem>>, vector<1x16xi32>,
    %get3A_290 = vector.shape_cast %get3A_289 : vector<1x16xi32> to vector<16xi32>
    %and3A_291 = arith.constant 65535 : i32
    %and3A_292 = vector.broadcast %and3A_291 : i32 to vector<16xi32>
    %and3A_293 = arith.andi %get3A_290, %and3A_292 : vector<16xi32>
    %swap3A_294 = arith.constant 0 : i32
    %swap3A_295 = arith.index_cast %swap3A_294 : i32 to index
    %swap3A_296 = arith.constant 64 : index
    %swap3A_297 = tpu.vector_load %arg8[%swap3A_295, %swap3A_296] {strides = array<i32>} : memref<2x128xi32, #tpu.memory_space<vmem>>, vector<1x16xi32>,
    %swap3A_298 = vector.shape_cast %swap3A_297 : vector<1x16xi32> to vector<16xi32>
    %swap3A_299 = vector.shape_cast %and3A_293 : vector<16xi32> to vector<1x16xi32>
    tpu.vector_store %arg8[%swap3A_295, %swap3A_296], %swap3A_299 {strides = array<i32>} : memref<2x128xi32, #tpu.memory_space<vmem>>, vector<1x16xi32>,
    %shift_right_logical3A_300 = arith.constant 16 : i32
    %shift_right_logical3A_301 = vector.broadcast %shift_right_logical3A_300 : i32 to vector<16xi32>
    %shift_right_logical3A_302 = arith.shrui %get3A_290, %shift_right_logical3A_301 : vector<16xi32>
    %swap3A_303 = arith.constant 0 : i32
    %swap3A_304 = arith.index_cast %swap3A_303 : i32 to index
    %swap3A_305 = arith.constant 64 : index
    %swap3A_306 = tpu.vector_load %arg9[%swap3A_304, %swap3A_305] {strides = array<i32>} : memref<2x128xi32, #tpu.memory_space<vmem>>, vector<1x16xi32>,
    %swap3A_307 = vector.shape_cast %swap3A_306 : vector<1x16xi32> to vector<16xi32>
    %swap3A_308 = vector.shape_cast %shift_right_logical3A_302 : vector<16xi32> to vector<1x16xi32>
    tpu.vector_store %arg9[%swap3A_304, %swap3A_305], %swap3A_308 {strides = array<i32>} : memref<2x128xi32, #tpu.memory_space<vmem>>, vector<1x16xi32>,
    %get3A_309 = arith.constant 0 : i32
    %get3A_310 = arith.index_cast %get3A_309 : i32 to index
    %get3A_311 = arith.constant 80 : index
    %get3A_312 = tpu.vector_load %arg7[%get3A_310, %get3A_311] {strides = array<i32>} : memref<80x128xi32, #tpu.memory_space<vmem>>, vector<1x16xi32>,
    %get3A_313 = vector.shape_cast %get3A_312 : vector<1x16xi32> to vector<16xi32>
    %and3A_314 = arith.constant 65535 : i32
    %and3A_315 = vector.broadcast %and3A_314 : i32 to vector<16xi32>
    %and3A_316 = arith.andi %get3A_313, %and3A_315 : vector<16xi32>
    %swap3A_317 = arith.constant 0 : i32
    %swap3A_318 = arith.index_cast %swap3A_317 : i32 to index
    %swap3A_319 = arith.constant 80 : index
    %swap3A_320 = tpu.vector_load %arg8[%swap3A_318, %swap3A_319] {strides = array<i32>} : memref<2x128xi32, #tpu.memory_space<vmem>>, vector<1x16xi32>,
    %swap3A_321 = vector.shape_cast %swap3A_320 : vector<1x16xi32> to vector<16xi32>
    %swap3A_322 = vector.shape_cast %and3A_316 : vector<16xi32> to vector<1x16xi32>
    tpu.vector_store %arg8[%swap3A_318, %swap3A_319], %swap3A_322 {strides = array<i32>} : memref<2x128xi32, #tpu.memory_space<vmem>>, vector<1x16xi32>,
    %shift_right_logical3A_323 = arith.constant 16 : i32
    %shift_right_logical3A_324 = vector.broadcast %shift_right_logical3A_323 : i32 to vector<16xi32>
    %shift_right_logical3A_325 = arith.shrui %get3A_313, %shift_right_logical3A_324 : vector<16xi32>
    %swap3A_326 = arith.constant 0 : i32
    %swap3A_327 = arith.index_cast %swap3A_326 : i32 to index
    %swap3A_328 = arith.constant 80 : index
    %swap3A_329 = tpu.vector_load %arg9[%swap3A_327, %swap3A_328] {strides = array<i32>} : memref<2x128xi32, #tpu.memory_space<vmem>>, vector<1x16xi32>,
    %swap3A_330 = vector.shape_cast %swap3A_329 : vector<1x16xi32> to vector<16xi32>
    %swap3A_331 = vector.shape_cast %shift_right_logical3A_325 : vector<16xi32> to vector<1x16xi32>
    tpu.vector_store %arg9[%swap3A_327, %swap3A_328], %swap3A_331 {strides = array<i32>} : memref<2x128xi32, #tpu.memory_space<vmem>>, vector<1x16xi32>,
    %get3A_332 = arith.constant 0 : i32
    %get3A_333 = arith.index_cast %get3A_332 : i32 to index
    %get3A_334 = arith.constant 96 : index
    %get3A_335 = tpu.vector_load %arg7[%get3A_333, %get3A_334] {strides = array<i32>} : memref<80x128xi32, #tpu.memory_space<vmem>>, vector<1x16xi32>,
    %get3A_336 = vector.shape_cast %get3A_335 : vector<1x16xi32> to vector<16xi32>
    %and3A_337 = arith.constant 65535 : i32
    %and3A_338 = vector.broadcast %and3A_337 : i32 to vector<16xi32>
    %and3A_339 = arith.andi %get3A_336, %and3A_338 : vector<16xi32>
    %swap3A_340 = arith.constant 0 : i32
    %swap3A_341 = arith.index_cast %swap3A_340 : i32 to index
    %swap3A_342 = arith.constant 96 : index
    %swap3A_343 = tpu.vector_load %arg8[%swap3A_341, %swap3A_342] {strides = array<i32>} : memref<2x128xi32, #tpu.memory_space<vmem>>, vector<1x16xi32>,
    %swap3A_344 = vector.shape_cast %swap3A_343 : vector<1x16xi32> to vector<16xi32>
    %swap3A_345 = vector.shape_cast %and3A_339 : vector<16xi32> to vector<1x16xi32>
    tpu.vector_store %arg8[%swap3A_341, %swap3A_342], %swap3A_345 {strides = array<i32>} : memref<2x128xi32, #tpu.memory_space<vmem>>, vector<1x16xi32>,
    %shift_right_logical3A_346 = arith.constant 16 : i32
    %shift_right_logical3A_347 = vector.broadcast %shift_right_logical3A_346 : i32 to vector<16xi32>
    %shift_right_logical3A_348 = arith.shrui %get3A_336, %shift_right_logical3A_347 : vector<16xi32>
    %swap3A_349 = arith.constant 0 : i32
    %swap3A_350 = arith.index_cast %swap3A_349 : i32 to index
    %swap3A_351 = arith.constant 96 : index
    %swap3A_352 = tpu.vector_load %arg9[%swap3A_350, %swap3A_351] {strides = array<i32>} : memref<2x128xi32, #tpu.memory_space<vmem>>, vector<1x16xi32>,
    %swap3A_353 = vector.shape_cast %swap3A_352 : vector<1x16xi32> to vector<16xi32>
    %swap3A_354 = vector.shape_cast %shift_right_logical3A_348 : vector<16xi32> to vector<1x16xi32>
    tpu.vector_store %arg9[%swap3A_350, %swap3A_351], %swap3A_354 {strides = array<i32>} : memref<2x128xi32, #tpu.memory_space<vmem>>, vector<1x16xi32>,
    %get3A_355 = arith.constant 0 : i32
    %get3A_356 = arith.index_cast %get3A_355 : i32 to index
    %get3A_357 = arith.constant 112 : index
    %get3A_358 = tpu.vector_load %arg7[%get3A_356, %get3A_357] {strides = array<i32>} : memref<80x128xi32, #tpu.memory_space<vmem>>, vector<1x16xi32>,
    %get3A_359 = vector.shape_cast %get3A_358 : vector<1x16xi32> to vector<16xi32>
    %and3A_360 = arith.constant 65535 : i32
    %and3A_361 = vector.broadcast %and3A_360 : i32 to vector<16xi32>
    %and3A_362 = arith.andi %get3A_359, %and3A_361 : vector<16xi32>
    %swap3A_363 = arith.constant 0 : i32
    %swap3A_364 = arith.index_cast %swap3A_363 : i32 to index
    %swap3A_365 = arith.constant 112 : index
    %swap3A_366 = tpu.vector_load %arg8[%swap3A_364, %swap3A_365] {strides = array<i32>} : memref<2x128xi32, #tpu.memory_space<vmem>>, vector<1x16xi32>,
    %swap3A_367 = vector.shape_cast %swap3A_366 : vector<1x16xi32> to vector<16xi32>
    %swap3A_368 = vector.shape_cast %and3A_362 : vector<16xi32> to vector<1x16xi32>
    tpu.vector_store %arg8[%swap3A_364, %swap3A_365], %swap3A_368 {strides = array<i32>} : memref<2x128xi32, #tpu.memory_space<vmem>>, vector<1x16xi32>,
    %shift_right_logical3A_369 = arith.constant 16 : i32
    %shift_right_logical3A_370 = vector.broadcast %shift_right_logical3A_369 : i32 to vector<16xi32>
    %shift_right_logical3A_371 = arith.shrui %get3A_359, %shift_right_logical3A_370 : vector<16xi32>
    %swap3A_372 = arith.constant 0 : i32
    %swap3A_373 = arith.index_cast %swap3A_372 : i32 to index
    %swap3A_374 = arith.constant 112 : index
    %swap3A_375 = tpu.vector_load %arg9[%swap3A_373, %swap3A_374] {strides = array<i32>} : memref<2x128xi32, #tpu.memory_space<vmem>>, vector<1x16xi32>,
    %swap3A_376 = vector.shape_cast %swap3A_375 : vector<1x16xi32> to vector<16xi32>
    %swap3A_377 = vector.shape_cast %shift_right_logical3A_371 : vector<16xi32> to vector<1x16xi32>
    tpu.vector_store %arg9[%swap3A_373, %swap3A_374], %swap3A_377 {strides = array<i32>} : memref<2x128xi32, #tpu.memory_space<vmem>>, vector<1x16xi32>,
    %dma_start3A = arith.constant 0 : i32
    %dma_start3A_378 = arith.constant 0 : i32
    %dma_start3A_379 = arith.constant 0 : i32
    %dma_start3A_380 = tpu.memref_slice %arg10[%dma_start3A_378, %dma_start3A_379] : memref<256x128xf32, #tpu.memory_space<vmem>> -> memref<128x128xf32, #tpu.memory_space<vmem>>
    %dma_start3A_381 = arith.constant 0 : i32
    %dma_start3A_382 = tpu.memref_slice %arg8[%dma_start3A, %dma_start3A_381] : memref<2x128xi32, #tpu.memory_space<vmem>> -> memref<1x128xi32, #tpu.memory_space<vmem>>
    %dma_start3A_383 = tpu.memref_squeeze %dma_start3A_382 : memref<1x128xi32, #tpu.memory_space<vmem>> -> memref<128xi32, #tpu.memory_space<vmem>>
    %dma_start3A_384 = arith.constant 0 : i32
    %dma_start3A_385 = arith.constant 0 : i32
    %dma_start3A_386 = tpu.memref_slice %arg2[%dma_start3A_384, %dma_start3A_385] : memref<10000x128xf32, #tpu.memory_space<hbm>> -> memref<10000x128xf32, #tpu.memory_space<hbm>>
    tpu.enqueue_indirect_dma source(%dma_start3A_386 : memref<10000x128xf32, #tpu.memory_space<hbm>>) target(%dma_start3A_380 : memref<128x128xf32, #tpu.memory_space<vmem>>) offsets(%dma_start3A_383 : memref<128xi32, #tpu.memory_space<vmem>>) semaphore(%arg11 : memref<!tpu.dma_semaphore, #tpu.memory_space<semaphore_mem>>)
    %scan3A = arith.constant 0 : i32
    %scan3A_387 = arith.constant 80 : i32
    %scan3A_388 = arith.addi %scan3A, %scan3A_387 : i32
    %scan3A_389 = arith.constant 1 : i32
    scf.for %scan3A_404 = %scan3A to %scan3A_388 step %scan3A_389  : i32 {
      %mul3A_405 = arith.constant 1 : i32
      %mul3A_406 = arith.muli %scan3A_404, %mul3A_405 : i32
      %add3A_407 = arith.constant 0 : i32
      %add3A_408 = arith.addi %add3A_407, %mul3A_406 : i32
      %and3A_409 = arith.constant 1 : i32
      %and3A_410 = arith.andi %add3A_408, %and3A_409 : i32
      %mul3A_411 = arith.constant 128 : i32
      %mul3A_412 = arith.muli %and3A_410, %mul3A_411 : i32
      %sub3A = arith.constant 128 : i32
      %sub3A_413 = arith.subi %sub3A, %mul3A_412 : i32
      %dma_wait3A_414 = arith.constant 0 : i32
      %dma_wait3A_415 = tpu.memref_slice %arg10[%mul3A_412, %dma_wait3A_414] : memref<256x128xf32, #tpu.memory_space<vmem>> -> memref<128x128xf32, #tpu.memory_space<vmem>>
      %dma_wait3A_416 = arith.constant 0 : i32
      %dma_wait3A_417 = tpu.memref_slice %arg8[%and3A_410, %dma_wait3A_416] : memref<2x128xi32, #tpu.memory_space<vmem>> -> memref<1x128xi32, #tpu.memory_space<vmem>>
      %dma_wait3A_418 = tpu.memref_squeeze %dma_wait3A_417 : memref<1x128xi32, #tpu.memory_space<vmem>> -> memref<128xi32, #tpu.memory_space<vmem>>
      %dma_wait3A_419 = arith.constant 0 : i32
      %dma_wait3A_420 = arith.constant 0 : i32
      %dma_wait3A_421 = tpu.memref_slice %arg2[%dma_wait3A_419, %dma_wait3A_420] : memref<10000x128xf32, #tpu.memory_space<hbm>> -> memref<10000x128xf32, #tpu.memory_space<hbm>>
      tpu.wait_indirect_dma semaphore(%arg11 : memref<!tpu.dma_semaphore, #tpu.memory_space<semaphore_mem>>) src(%dma_wait3A_421 : memref<10000x128xf32, #tpu.memory_space<hbm>>) dst(%dma_wait3A_415 : memref<128x128xf32, #tpu.memory_space<vmem>>)
      %ge3A = arith.constant 1 : i32
      %ge3A_422 = arith.cmpi sge, %add3A_408, %ge3A : i32
      %convert_element_type3A = arith.extui %ge3A_422 : i1 to i32
      %cond3A = arith.constant 0 : i32
      %cond3A_423 = arith.cmpi ne, %convert_element_type3A, %cond3A : i32
      scf.if %cond3A_423 {
        %sub3A_438 = arith.constant 1 : i32
        %sub3A_439 = arith.subi %sub3A_438, %and3A_410 : i32
        %dma_wait3A_440 = arith.constant 0 : i32
        %dma_wait3A_441 = tpu.memref_slice %arg10[%sub3A_413, %dma_wait3A_440] : memref<256x128xf32, #tpu.memory_space<vmem>> -> memref<128x128xf32, #tpu.memory_space<vmem>>
        %dma_wait3A_442 = arith.constant 0 : i32
        %dma_wait3A_443 = tpu.memref_slice %arg9[%sub3A_439, %dma_wait3A_442] : memref<2x128xi32, #tpu.memory_space<vmem>> -> memref<1x128xi32, #tpu.memory_space<vmem>>
        %dma_wait3A_444 = tpu.memref_squeeze %dma_wait3A_443 : memref<1x128xi32, #tpu.memory_space<vmem>> -> memref<128xi32, #tpu.memory_space<vmem>>
        %dma_wait3A_445 = arith.constant 0 : i32
        %dma_wait3A_446 = arith.constant 0 : i32
        %dma_wait3A_447 = tpu.memref_slice %arg13[%dma_wait3A_445, %dma_wait3A_446] : memref<10112x128xf32, #tpu.memory_space<vmem_shared>> -> memref<10112x128xf32, #tpu.memory_space<vmem_shared>>
        tpu.wait_indirect_dma semaphore(%arg12 : memref<!tpu.dma_semaphore, #tpu.memory_space<semaphore_mem>>) src(%dma_wait3A_441 : memref<128x128xf32, #tpu.memory_space<vmem>>) dst(%dma_wait3A_447 : memref<10112x128xf32, #tpu.memory_space<vmem_shared>>)
      } else {
      }
      %add3A_424 = arith.constant 1 : i32
      %add3A_425 = arith.addi %add3A_408, %add3A_424 : i32
      %lt3A = arith.constant 80 : i32
      %lt3A_426 = arith.cmpi slt, %add3A_425, %lt3A : i32
      %convert_element_type3A_427 = arith.extui %lt3A_426 : i1 to i32
      %cond3A_428 = arith.constant 0 : i32
      %cond3A_429 = arith.cmpi ne, %convert_element_type3A_427, %cond3A_428 : i32
      scf.if %cond3A_429 {
        %add3A_438 = arith.constant 1 : i32
        %add3A_439 = arith.addi %add3A_408, %add3A_438 : i32
        %sub3A_440 = arith.constant 1 : i32
        %sub3A_441 = arith.subi %sub3A_440, %and3A_410 : i32
        %get3A_442 = arith.index_cast %add3A_439 : i32 to index
        %get3A_443 = arith.constant 0 : index
        %get3A_444 = tpu.vector_load %arg7[%get3A_442, %get3A_443] {strides = array<i32>} : memref<80x128xi32, #tpu.memory_space<vmem>>, vector<1x16xi32>,
        %get3A_445 = vector.shape_cast %get3A_444 : vector<1x16xi32> to vector<16xi32>
        %and3A_446 = arith.constant 65535 : i32
        %and3A_447 = vector.broadcast %and3A_446 : i32 to vector<16xi32>
        %and3A_448 = arith.andi %get3A_445, %and3A_447 : vector<16xi32>
        %swap3A_449 = arith.index_cast %sub3A_441 : i32 to index
        %swap3A_450 = arith.constant 0 : index
        %swap3A_451 = tpu.vector_load %arg8[%swap3A_449, %swap3A_450] {strides = array<i32>} : memref<2x128xi32, #tpu.memory_space<vmem>>, vector<1x16xi32>,
        %swap3A_452 = vector.shape_cast %swap3A_451 : vector<1x16xi32> to vector<16xi32>
        %swap3A_453 = vector.shape_cast %and3A_448 : vector<16xi32> to vector<1x16xi32>
        tpu.vector_store %arg8[%swap3A_449, %swap3A_450], %swap3A_453 {strides = array<i32>} : memref<2x128xi32, #tpu.memory_space<vmem>>, vector<1x16xi32>,
        %shift_right_logical3A_454 = arith.constant 16 : i32
        %shift_right_logical3A_455 = vector.broadcast %shift_right_logical3A_454 : i32 to vector<16xi32>
        %shift_right_logical3A_456 = arith.shrui %get3A_445, %shift_right_logical3A_455 : vector<16xi32>
        %swap3A_457 = arith.index_cast %sub3A_441 : i32 to index
        %swap3A_458 = arith.constant 0 : index
        %swap3A_459 = tpu.vector_load %arg9[%swap3A_457, %swap3A_458] {strides = array<i32>} : memref<2x128xi32, #tpu.memory_space<vmem>>, vector<1x16xi32>,
        %swap3A_460 = vector.shape_cast %swap3A_459 : vector<1x16xi32> to vector<16xi32>
        %swap3A_461 = vector.shape_cast %shift_right_logical3A_456 : vector<16xi32> to vector<1x16xi32>
        tpu.vector_store %arg9[%swap3A_457, %swap3A_458], %swap3A_461 {strides = array<i32>} : memref<2x128xi32, #tpu.memory_space<vmem>>, vector<1x16xi32>,
        %get3A_462 = arith.index_cast %add3A_439 : i32 to index
        %get3A_463 = arith.constant 16 : index
        %get3A_464 = tpu.vector_load %arg7[%get3A_462, %get3A_463] {strides = array<i32>} : memref<80x128xi32, #tpu.memory_space<vmem>>, vector<1x16xi32>,
        %get3A_465 = vector.shape_cast %get3A_464 : vector<1x16xi32> to vector<16xi32>
        %and3A_466 = arith.constant 65535 : i32
        %and3A_467 = vector.broadcast %and3A_466 : i32 to vector<16xi32>
        %and3A_468 = arith.andi %get3A_465, %and3A_467 : vector<16xi32>
        %swap3A_469 = arith.index_cast %sub3A_441 : i32 to index
        %swap3A_470 = arith.constant 16 : index
        %swap3A_471 = tpu.vector_load %arg8[%swap3A_469, %swap3A_470] {strides = array<i32>} : memref<2x128xi32, #tpu.memory_space<vmem>>, vector<1x16xi32>,
        %swap3A_472 = vector.shape_cast %swap3A_471 : vector<1x16xi32> to vector<16xi32>
        %swap3A_473 = vector.shape_cast %and3A_468 : vector<16xi32> to vector<1x16xi32>
        tpu.vector_store %arg8[%swap3A_469, %swap3A_470], %swap3A_473 {strides = array<i32>} : memref<2x128xi32, #tpu.memory_space<vmem>>, vector<1x16xi32>,
        %shift_right_logical3A_474 = arith.constant 16 : i32
        %shift_right_logical3A_475 = vector.broadcast %shift_right_logical3A_474 : i32 to vector<16xi32>
        %shift_right_logical3A_476 = arith.shrui %get3A_465, %shift_right_logical3A_475 : vector<16xi32>
        %swap3A_477 = arith.index_cast %sub3A_441 : i32 to index
        %swap3A_478 = arith.constant 16 : index
        %swap3A_479 = tpu.vector_load %arg9[%swap3A_477, %swap3A_478] {strides = array<i32>} : memref<2x128xi32, #tpu.memory_space<vmem>>, vector<1x16xi32>,
        %swap3A_480 = vector.shape_cast %swap3A_479 : vector<1x16xi32> to vector<16xi32>
        %swap3A_481 = vector.shape_cast %shift_right_logical3A_476 : vector<16xi32> to vector<1x16xi32>
        tpu.vector_store %arg9[%swap3A_477, %swap3A_478], %swap3A_481 {strides = array<i32>} : memref<2x128xi32, #tpu.memory_space<vmem>>, vector<1x16xi32>,
        %get3A_482 = arith.index_cast %add3A_439 : i32 to index
        %get3A_483 = arith.constant 32 : index
        %get3A_484 = tpu.vector_load %arg7[%get3A_482, %get3A_483] {strides = array<i32>} : memref<80x128xi32, #tpu.memory_space<vmem>>, vector<1x16xi32>,
        %get3A_485 = vector.shape_cast %get3A_484 : vector<1x16xi32> to vector<16xi32>
        %and3A_486 = arith.constant 65535 : i32
        %and3A_487 = vector.broadcast %and3A_486 : i32 to vector<16xi32>
        %and3A_488 = arith.andi %get3A_485, %and3A_487 : vector<16xi32>
        %swap3A_489 = arith.index_cast %sub3A_441 : i32 to index
        %swap3A_490 = arith.constant 32 : index
        %swap3A_491 = tpu.vector_load %arg8[%swap3A_489, %swap3A_490] {strides = array<i32>} : memref<2x128xi32, #tpu.memory_space<vmem>>, vector<1x16xi32>,
        %swap3A_492 = vector.shape_cast %swap3A_491 : vector<1x16xi32> to vector<16xi32>
        %swap3A_493 = vector.shape_cast %and3A_488 : vector<16xi32> to vector<1x16xi32>
        tpu.vector_store %arg8[%swap3A_489, %swap3A_490], %swap3A_493 {strides = array<i32>} : memref<2x128xi32, #tpu.memory_space<vmem>>, vector<1x16xi32>,
        %shift_right_logical3A_494 = arith.constant 16 : i32
        %shift_right_logical3A_495 = vector.broadcast %shift_right_logical3A_494 : i32 to vector<16xi32>
        %shift_right_logical3A_496 = arith.shrui %get3A_485, %shift_right_logical3A_495 : vector<16xi32>
        %swap3A_497 = arith.index_cast %sub3A_441 : i32 to index
        %swap3A_498 = arith.constant 32 : index
        %swap3A_499 = tpu.vector_load %arg9[%swap3A_497, %swap3A_498] {strides = array<i32>} : memref<2x128xi32, #tpu.memory_space<vmem>>, vector<1x16xi32>,
        %swap3A_500 = vector.shape_cast %swap3A_499 : vector<1x16xi32> to vector<16xi32>
        %swap3A_501 = vector.shape_cast %shift_right_logical3A_496 : vector<16xi32> to vector<1x16xi32>
        tpu.vector_store %arg9[%swap3A_497, %swap3A_498], %swap3A_501 {strides = array<i32>} : memref<2x128xi32, #tpu.memory_space<vmem>>, vector<1x16xi32>,
        %get3A_502 = arith.index_cast %add3A_439 : i32 to index
        %get3A_503 = arith.constant 48 : index
        %get3A_504 = tpu.vector_load %arg7[%get3A_502, %get3A_503] {strides = array<i32>} : memref<80x128xi32, #tpu.memory_space<vmem>>, vector<1x16xi32>,
        %get3A_505 = vector.shape_cast %get3A_504 : vector<1x16xi32> to vector<16xi32>
        %and3A_506 = arith.constant 65535 : i32
        %and3A_507 = vector.broadcast %and3A_506 : i32 to vector<16xi32>
        %and3A_508 = arith.andi %get3A_505, %and3A_507 : vector<16xi32>
        %swap3A_509 = arith.index_cast %sub3A_441 : i32 to index
        %swap3A_510 = arith.constant 48 : index
        %swap3A_511 = tpu.vector_load %arg8[%swap3A_509, %swap3A_510] {strides = array<i32>} : memref<2x128xi32, #tpu.memory_space<vmem>>, vector<1x16xi32>,
        %swap3A_512 = vector.shape_cast %swap3A_511 : vector<1x16xi32> to vector<16xi32>
        %swap3A_513 = vector.shape_cast %and3A_508 : vector<16xi32> to vector<1x16xi32>
        tpu.vector_store %arg8[%swap3A_509, %swap3A_510], %swap3A_513 {strides = array<i32>} : memref<2x128xi32, #tpu.memory_space<vmem>>, vector<1x16xi32>,
        %shift_right_logical3A_514 = arith.constant 16 : i32
        %shift_right_logical3A_515 = vector.broadcast %shift_right_logical3A_514 : i32 to vector<16xi32>
        %shift_right_logical3A_516 = arith.shrui %get3A_505, %shift_right_logical3A_515 : vector<16xi32>
        %swap3A_517 = arith.index_cast %sub3A_441 : i32 to index
        %swap3A_518 = arith.constant 48 : index
        %swap3A_519 = tpu.vector_load %arg9[%swap3A_517, %swap3A_518] {strides = array<i32>} : memref<2x128xi32, #tpu.memory_space<vmem>>, vector<1x16xi32>,
        %swap3A_520 = vector.shape_cast %swap3A_519 : vector<1x16xi32> to vector<16xi32>
        %swap3A_521 = vector.shape_cast %shift_right_logical3A_516 : vector<16xi32> to vector<1x16xi32>
        tpu.vector_store %arg9[%swap3A_517, %swap3A_518], %swap3A_521 {strides = array<i32>} : memref<2x128xi32, #tpu.memory_space<vmem>>, vector<1x16xi32>,
        %get3A_522 = arith.index_cast %add3A_439 : i32 to index
        %get3A_523 = arith.constant 64 : index
        %get3A_524 = tpu.vector_load %arg7[%get3A_522, %get3A_523] {strides = array<i32>} : memref<80x128xi32, #tpu.memory_space<vmem>>, vector<1x16xi32>,
        %get3A_525 = vector.shape_cast %get3A_524 : vector<1x16xi32> to vector<16xi32>
        %and3A_526 = arith.constant 65535 : i32
        %and3A_527 = vector.broadcast %and3A_526 : i32 to vector<16xi32>
        %and3A_528 = arith.andi %get3A_525, %and3A_527 : vector<16xi32>
        %swap3A_529 = arith.index_cast %sub3A_441 : i32 to index
        %swap3A_530 = arith.constant 64 : index
        %swap3A_531 = tpu.vector_load %arg8[%swap3A_529, %swap3A_530] {strides = array<i32>} : memref<2x128xi32, #tpu.memory_space<vmem>>, vector<1x16xi32>,
        %swap3A_532 = vector.shape_cast %swap3A_531 : vector<1x16xi32> to vector<16xi32>
        %swap3A_533 = vector.shape_cast %and3A_528 : vector<16xi32> to vector<1x16xi32>
        tpu.vector_store %arg8[%swap3A_529, %swap3A_530], %swap3A_533 {strides = array<i32>} : memref<2x128xi32, #tpu.memory_space<vmem>>, vector<1x16xi32>,
        %shift_right_logical3A_534 = arith.constant 16 : i32
        %shift_right_logical3A_535 = vector.broadcast %shift_right_logical3A_534 : i32 to vector<16xi32>
        %shift_right_logical3A_536 = arith.shrui %get3A_525, %shift_right_logical3A_535 : vector<16xi32>
        %swap3A_537 = arith.index_cast %sub3A_441 : i32 to index
        %swap3A_538 = arith.constant 64 : index
        %swap3A_539 = tpu.vector_load %arg9[%swap3A_537, %swap3A_538] {strides = array<i32>} : memref<2x128xi32, #tpu.memory_space<vmem>>, vector<1x16xi32>,
        %swap3A_540 = vector.shape_cast %swap3A_539 : vector<1x16xi32> to vector<16xi32>
        %swap3A_541 = vector.shape_cast %shift_right_logical3A_536 : vector<16xi32> to vector<1x16xi32>
        tpu.vector_store %arg9[%swap3A_537, %swap3A_538], %swap3A_541 {strides = array<i32>} : memref<2x128xi32, #tpu.memory_space<vmem>>, vector<1x16xi32>,
        %get3A_542 = arith.index_cast %add3A_439 : i32 to index
        %get3A_543 = arith.constant 80 : index
        %get3A_544 = tpu.vector_load %arg7[%get3A_542, %get3A_543] {strides = array<i32>} : memref<80x128xi32, #tpu.memory_space<vmem>>, vector<1x16xi32>,
        %get3A_545 = vector.shape_cast %get3A_544 : vector<1x16xi32> to vector<16xi32>
        %and3A_546 = arith.constant 65535 : i32
        %and3A_547 = vector.broadcast %and3A_546 : i32 to vector<16xi32>
        %and3A_548 = arith.andi %get3A_545, %and3A_547 : vector<16xi32>
        %swap3A_549 = arith.index_cast %sub3A_441 : i32 to index
        %swap3A_550 = arith.constant 80 : index
        %swap3A_551 = tpu.vector_load %arg8[%swap3A_549, %swap3A_550] {strides = array<i32>} : memref<2x128xi32, #tpu.memory_space<vmem>>, vector<1x16xi32>,
        %swap3A_552 = vector.shape_cast %swap3A_551 : vector<1x16xi32> to vector<16xi32>
        %swap3A_553 = vector.shape_cast %and3A_548 : vector<16xi32> to vector<1x16xi32>
        tpu.vector_store %arg8[%swap3A_549, %swap3A_550], %swap3A_553 {strides = array<i32>} : memref<2x128xi32, #tpu.memory_space<vmem>>, vector<1x16xi32>,
        %shift_right_logical3A_554 = arith.constant 16 : i32
        %shift_right_logical3A_555 = vector.broadcast %shift_right_logical3A_554 : i32 to vector<16xi32>
        %shift_right_logical3A_556 = arith.shrui %get3A_545, %shift_right_logical3A_555 : vector<16xi32>
        %swap3A_557 = arith.index_cast %sub3A_441 : i32 to index
        %swap3A_558 = arith.constant 80 : index
        %swap3A_559 = tpu.vector_load %arg9[%swap3A_557, %swap3A_558] {strides = array<i32>} : memref<2x128xi32, #tpu.memory_space<vmem>>, vector<1x16xi32>,
        %swap3A_560 = vector.shape_cast %swap3A_559 : vector<1x16xi32> to vector<16xi32>
        %swap3A_561 = vector.shape_cast %shift_right_logical3A_556 : vector<16xi32> to vector<1x16xi32>
        tpu.vector_store %arg9[%swap3A_557, %swap3A_558], %swap3A_561 {strides = array<i32>} : memref<2x128xi32, #tpu.memory_space<vmem>>, vector<1x16xi32>,
        %get3A_562 = arith.index_cast %add3A_439 : i32 to index
        %get3A_563 = arith.constant 96 : index
        %get3A_564 = tpu.vector_load %arg7[%get3A_562, %get3A_563] {strides = array<i32>} : memref<80x128xi32, #tpu.memory_space<vmem>>, vector<1x16xi32>,
        %get3A_565 = vector.shape_cast %get3A_564 : vector<1x16xi32> to vector<16xi32>
        %and3A_566 = arith.constant 65535 : i32
        %and3A_567 = vector.broadcast %and3A_566 : i32 to vector<16xi32>
        %and3A_568 = arith.andi %get3A_565, %and3A_567 : vector<16xi32>
        %swap3A_569 = arith.index_cast %sub3A_441 : i32 to index
        %swap3A_570 = arith.constant 96 : index
        %swap3A_571 = tpu.vector_load %arg8[%swap3A_569, %swap3A_570] {strides = array<i32>} : memref<2x128xi32, #tpu.memory_space<vmem>>, vector<1x16xi32>,
        %swap3A_572 = vector.shape_cast %swap3A_571 : vector<1x16xi32> to vector<16xi32>
        %swap3A_573 = vector.shape_cast %and3A_568 : vector<16xi32> to vector<1x16xi32>
        tpu.vector_store %arg8[%swap3A_569, %swap3A_570], %swap3A_573 {strides = array<i32>} : memref<2x128xi32, #tpu.memory_space<vmem>>, vector<1x16xi32>,
        %shift_right_logical3A_574 = arith.constant 16 : i32
        %shift_right_logical3A_575 = vector.broadcast %shift_right_logical3A_574 : i32 to vector<16xi32>
        %shift_right_logical3A_576 = arith.shrui %get3A_565, %shift_right_logical3A_575 : vector<16xi32>
        %swap3A_577 = arith.index_cast %sub3A_441 : i32 to index
        %swap3A_578 = arith.constant 96 : index
        %swap3A_579 = tpu.vector_load %arg9[%swap3A_577, %swap3A_578] {strides = array<i32>} : memref<2x128xi32, #tpu.memory_space<vmem>>, vector<1x16xi32>,
        %swap3A_580 = vector.shape_cast %swap3A_579 : vector<1x16xi32> to vector<16xi32>
        %swap3A_581 = vector.shape_cast %shift_right_logical3A_576 : vector<16xi32> to vector<1x16xi32>
        tpu.vector_store %arg9[%swap3A_577, %swap3A_578], %swap3A_581 {strides = array<i32>} : memref<2x128xi32, #tpu.memory_space<vmem>>, vector<1x16xi32>,
        %get3A_582 = arith.index_cast %add3A_439 : i32 to index
        %get3A_583 = arith.constant 112 : index
        %get3A_584 = tpu.vector_load %arg7[%get3A_582, %get3A_583] {strides = array<i32>} : memref<80x128xi32, #tpu.memory_space<vmem>>, vector<1x16xi32>,
        %get3A_585 = vector.shape_cast %get3A_584 : vector<1x16xi32> to vector<16xi32>
        %and3A_586 = arith.constant 65535 : i32
        %and3A_587 = vector.broadcast %and3A_586 : i32 to vector<16xi32>
        %and3A_588 = arith.andi %get3A_585, %and3A_587 : vector<16xi32>
        %swap3A_589 = arith.index_cast %sub3A_441 : i32 to index
        %swap3A_590 = arith.constant 112 : index
        %swap3A_591 = tpu.vector_load %arg8[%swap3A_589, %swap3A_590] {strides = array<i32>} : memref<2x128xi32, #tpu.memory_space<vmem>>, vector<1x16xi32>,
        %swap3A_592 = vector.shape_cast %swap3A_591 : vector<1x16xi32> to vector<16xi32>
        %swap3A_593 = vector.shape_cast %and3A_588 : vector<16xi32> to vector<1x16xi32>
        tpu.vector_store %arg8[%swap3A_589, %swap3A_590], %swap3A_593 {strides = array<i32>} : memref<2x128xi32, #tpu.memory_space<vmem>>, vector<1x16xi32>,
        %shift_right_logical3A_594 = arith.constant 16 : i32
        %shift_right_logical3A_595 = vector.broadcast %shift_right_logical3A_594 : i32 to vector<16xi32>
        %shift_right_logical3A_596 = arith.shrui %get3A_585, %shift_right_logical3A_595 : vector<16xi32>
        %swap3A_597 = arith.index_cast %sub3A_441 : i32 to index
        %swap3A_598 = arith.constant 112 : index
        %swap3A_599 = tpu.vector_load %arg9[%swap3A_597, %swap3A_598] {strides = array<i32>} : memref<2x128xi32, #tpu.memory_space<vmem>>, vector<1x16xi32>,
        %swap3A_600 = vector.shape_cast %swap3A_599 : vector<1x16xi32> to vector<16xi32>
        %swap3A_601 = vector.shape_cast %shift_right_logical3A_596 : vector<16xi32> to vector<1x16xi32>
        tpu.vector_store %arg9[%swap3A_597, %swap3A_598], %swap3A_601 {strides = array<i32>} : memref<2x128xi32, #tpu.memory_space<vmem>>, vector<1x16xi32>,
        %sub3A_602 = arith.constant 1 : i32
        %sub3A_603 = arith.subi %sub3A_602, %and3A_410 : i32
        %dma_start3A_604 = arith.constant 0 : i32
        %dma_start3A_605 = tpu.memref_slice %arg10[%sub3A_413, %dma_start3A_604] : memref<256x128xf32, #tpu.memory_space<vmem>> -> memref<128x128xf32, #tpu.memory_space<vmem>>
        %dma_start3A_606 = arith.constant 0 : i32
        %dma_start3A_607 = tpu.memref_slice %arg8[%sub3A_603, %dma_start3A_606] : memref<2x128xi32, #tpu.memory_space<vmem>> -> memref<1x128xi32, #tpu.memory_space<vmem>>
        %dma_start3A_608 = tpu.memref_squeeze %dma_start3A_607 : memref<1x128xi32, #tpu.memory_space<vmem>> -> memref<128xi32, #tpu.memory_space<vmem>>
        %dma_start3A_609 = arith.constant 0 : i32
        %dma_start3A_610 = arith.constant 0 : i32
        %dma_start3A_611 = tpu.memref_slice %arg2[%dma_start3A_609, %dma_start3A_610] : memref<10000x128xf32, #tpu.memory_space<hbm>> -> memref<10000x128xf32, #tpu.memory_space<hbm>>
        tpu.enqueue_indirect_dma source(%dma_start3A_611 : memref<10000x128xf32, #tpu.memory_space<hbm>>) target(%dma_start3A_605 : memref<128x128xf32, #tpu.memory_space<vmem>>) offsets(%dma_start3A_608 : memref<128xi32, #tpu.memory_space<vmem>>) semaphore(%arg11 : memref<!tpu.dma_semaphore, #tpu.memory_space<semaphore_mem>>)
      } else {
      }
      %dma_start3A_430 = arith.constant 0 : i32
      %dma_start3A_431 = tpu.memref_slice %arg10[%mul3A_412, %dma_start3A_430] : memref<256x128xf32, #tpu.memory_space<vmem>> -> memref<128x128xf32, #tpu.memory_space<vmem>>
      %dma_start3A_432 = arith.constant 0 : i32
      %dma_start3A_433 = tpu.memref_slice %arg9[%and3A_410, %dma_start3A_432] : memref<2x128xi32, #tpu.memory_space<vmem>> -> memref<1x128xi32, #tpu.memory_space<vmem>>
      %dma_start3A_434 = tpu.memref_squeeze %dma_start3A_433 : memref<1x128xi32, #tpu.memory_space<vmem>> -> memref<128xi32, #tpu.memory_space<vmem>>
      %dma_start3A_435 = arith.constant 0 : i32
      %dma_start3A_436 = arith.constant 0 : i32
      %dma_start3A_437 = tpu.memref_slice %arg13[%dma_start3A_435, %dma_start3A_436] : memref<10112x128xf32, #tpu.memory_space<vmem_shared>> -> memref<10112x128xf32, #tpu.memory_space<vmem_shared>>
      tpu.enqueue_indirect_dma source(%dma_start3A_431 : memref<128x128xf32, #tpu.memory_space<vmem>>) target(%dma_start3A_437 : memref<10112x128xf32, #tpu.memory_space<vmem_shared>>) offsets(%dma_start3A_434 : memref<128xi32, #tpu.memory_space<vmem>>) semaphore(%arg12 : memref<!tpu.dma_semaphore, #tpu.memory_space<semaphore_mem>>) {add = true}
      "tpu.region"() ({
        %run_scoped3A = tpu.sem_alloc : memref<!tpu.dma_semaphore, #tpu.memory_space<semaphore_mem>>
        %dma_start3A_438 = arith.constant 0 : i32
        %dma_start3A_439 = tpu.memref_slice %arg9[%and3A_410, %dma_start3A_438] : memref<2x128xi32, #tpu.memory_space<vmem>> -> memref<1x128xi32, #tpu.memory_space<vmem>>
        %dma_start3A_440 = tpu.memref_squeeze %dma_start3A_439 : memref<1x128xi32, #tpu.memory_space<vmem>> -> memref<128xi32, #tpu.memory_space<vmem>>
        %dma_start3A_441 = arith.constant 0 : i32
        %dma_start3A_442 = tpu.memref_slice %arg16[%dma_start3A_441] : memref<10112xf32, #tpu.memory_space<vmem_shared>> -> memref<10112xf32, #tpu.memory_space<vmem_shared>>
        tpu.enqueue_indirect_dma source(%arg14 : memref<128xf32, #tpu.memory_space<vmem>>) target(%dma_start3A_442 : memref<10112xf32, #tpu.memory_space<vmem_shared>>) offsets(%dma_start3A_440 : memref<128xi32, #tpu.memory_space<vmem>>) semaphore(%run_scoped3A : memref<!tpu.dma_semaphore, #tpu.memory_space<semaphore_mem>>) {add = true}
        %dma_wait3A_443 = arith.constant 0 : i32
        %dma_wait3A_444 = tpu.memref_slice %arg9[%and3A_410, %dma_wait3A_443] : memref<2x128xi32, #tpu.memory_space<vmem>> -> memref<1x128xi32, #tpu.memory_space<vmem>>
        %dma_wait3A_445 = tpu.memref_squeeze %dma_wait3A_444 : memref<1x128xi32, #tpu.memory_space<vmem>> -> memref<128xi32, #tpu.memory_space<vmem>>
        %dma_wait3A_446 = arith.constant 0 : i32
        %dma_wait3A_447 = tpu.memref_slice %arg16[%dma_wait3A_446] : memref<10112xf32, #tpu.memory_space<vmem_shared>> -> memref<10112xf32, #tpu.memory_space<vmem_shared>>
        tpu.wait_indirect_dma semaphore(%run_scoped3A : memref<!tpu.dma_semaphore, #tpu.memory_space<semaphore_mem>>) src(%arg14 : memref<128xf32, #tpu.memory_space<vmem>>) dst(%dma_wait3A_447 : memref<10112xf32, #tpu.memory_space<vmem_shared>>)
        tpu.yield
      }) : () -> ()
    }
    %scan3A_390 = arith.constant 80 : i32
    %dma_wait3A = arith.constant 1 : i32
    %dma_wait3A_391 = arith.constant 128 : i32
    %dma_wait3A_392 = arith.constant 0 : i32
    %dma_wait3A_393 = tpu.memref_slice %arg10[%dma_wait3A_391, %dma_wait3A_392] : memref<256x128xf32, #tpu.memory_space<vmem>> -> memref<128x128xf32, #tpu.memory_space<vmem>>
    %dma_wait3A_394 = arith.constant 0 : i32
    %dma_wait3A_395 = tpu.memref_slice %arg9[%dma_wait3A, %dma_wait3A_394] : memref<2x128xi32, #tpu.memory_space<vmem>> -> memref<1x128xi32, #tpu.memory_space<vmem>>
    %dma_wait3A_396 = tpu.memref_squeeze %dma_wait3A_395 : memref<1x128xi32, #tpu.memory_space<vmem>> -> memref<128xi32, #tpu.memory_space<vmem>>
    %dma_wait3A_397 = arith.constant 0 : i32
    %dma_wait3A_398 = arith.constant 0 : i32
    %dma_wait3A_399 = tpu.memref_slice %arg13[%dma_wait3A_397, %dma_wait3A_398] : memref<10112x128xf32, #tpu.memory_space<vmem_shared>> -> memref<10112x128xf32, #tpu.memory_space<vmem_shared>>
    tpu.wait_indirect_dma semaphore(%arg12 : memref<!tpu.dma_semaphore, #tpu.memory_space<semaphore_mem>>) src(%dma_wait3A_393 : memref<128x128xf32, #tpu.memory_space<vmem>>) dst(%dma_wait3A_399 : memref<10112x128xf32, #tpu.memory_space<vmem_shared>>)
    %barrier3A_400 = arith.constant 0 : index
    tpu.barrier barrier_id(%barrier3A_400)
    "tpu.region"() ({
      %run_scoped3A = tpu.sem_alloc : memref<!tpu.dma_semaphore, #tpu.memory_space<semaphore_mem>>
      %dma_start3A_404 = arith.constant 0 : i32
      %dma_start3A_405 = tpu.memref_slice %arg5[%arg0, %mul3A_2, %dma_start3A_404] : memref<2x10112x128xf32, #tpu.memory_space<hbm>> -> memref<1x632x128xf32, #tpu.memory_space<hbm>>
      %dma_start3A_406 = tpu.memref_squeeze %dma_start3A_405 : memref<1x632x128xf32, #tpu.memory_space<hbm>> -> memref<632x128xf32, #tpu.memory_space<hbm>>
      %dma_start3A_407 = arith.constant 0 : i32
      %dma_start3A_408 = tpu.memref_slice %arg13[%mul3A_2, %dma_start3A_407] : memref<10112x128xf32, #tpu.memory_space<vmem_shared>> -> memref<632x128xf32, #tpu.memory_space<vmem_shared>>
      tpu.enqueue_dma source(%dma_start3A_408 : memref<632x128xf32, #tpu.memory_space<vmem_shared>>) target(%dma_start3A_406 : memref<632x128xf32, #tpu.memory_space<hbm>>) target_semaphore(%run_scoped3A : memref<!tpu.dma_semaphore, #tpu.memory_space<semaphore_mem>>)
      %dma_wait3A_409 = arith.constant 0 : i32
      %dma_wait3A_410 = tpu.memref_slice %arg5[%arg0, %mul3A_2, %dma_wait3A_409] : memref<2x10112x128xf32, #tpu.memory_space<hbm>> -> memref<1x632x128xf32, #tpu.memory_space<hbm>>
      %dma_wait3A_411 = tpu.memref_squeeze %dma_wait3A_410 : memref<1x632x128xf32, #tpu.memory_space<hbm>> -> memref<632x128xf32, #tpu.memory_space<hbm>>
      %dma_wait3A_412 = arith.constant 0 : i32
      %dma_wait3A_413 = tpu.memref_slice %arg13[%mul3A_2, %dma_wait3A_412] : memref<10112x128xf32, #tpu.memory_space<vmem_shared>> -> memref<632x128xf32, #tpu.memory_space<vmem_shared>>
      tpu.wait_dma2 semaphore(%run_scoped3A : memref<!tpu.dma_semaphore, #tpu.memory_space<semaphore_mem>>) src(%dma_wait3A_413 : memref<632x128xf32, #tpu.memory_space<vmem_shared>>) dst(%dma_wait3A_411 : memref<632x128xf32, #tpu.memory_space<hbm>>)
      tpu.yield
    }) : () -> ()
    "tpu.region"() ({
      %run_scoped3A = tpu.sem_alloc : memref<!tpu.dma_semaphore, #tpu.memory_space<semaphore_mem>>
      %dma_start3A_404 = tpu.memref_slice %arg16[%mul3A_2] : memref<10112xf32, #tpu.memory_space<vmem_shared>> -> memref<632xf32, #tpu.memory_space<vmem_shared>>
      %dma_start3A_405 = tpu.memref_slice %arg16[%mul3A_2] : memref<10112xf32, #tpu.memory_space<vmem_shared>> -> memref<632xf32, #tpu.memory_space<vmem_shared>>
      tpu.enqueue_dma source(%dma_start3A_405 : memref<632xf32, #tpu.memory_space<vmem_shared>>) target(%arg15 : memref<632xf32, #tpu.memory_space<vmem>>) target_semaphore(%run_scoped3A : memref<!tpu.dma_semaphore, #tpu.memory_space<semaphore_mem>>)
      %dma_wait3A_406 = tpu.memref_slice %arg16[%mul3A_2] : memref<10112xf32, #tpu.memory_space<vmem_shared>> -> memref<632xf32, #tpu.memory_space<vmem_shared>>
      %dma_wait3A_407 = tpu.memref_slice %arg16[%mul3A_2] : memref<10112xf32, #tpu.memory_space<vmem_shared>> -> memref<632xf32, #tpu.memory_space<vmem_shared>>
      tpu.wait_dma2 semaphore(%run_scoped3A : memref<!tpu.dma_semaphore, #tpu.memory_space<semaphore_mem>>) src(%dma_wait3A_407 : memref<632xf32, #tpu.memory_space<vmem_shared>>) dst(%arg15 : memref<632xf32, #tpu.memory_space<vmem>>)
      tpu.yield
    }) : () -> ()
    %mul3A_401 = arith.constant 10112 : i32
    %mul3A_402 = arith.muli %arg0, %mul3A_401 : i32
    %add3A_403 = arith.addi %mul3A_402, %mul3A_2 : i32
    "tpu.region"() ({
      %run_scoped3A = tpu.sem_alloc : memref<!tpu.dma_semaphore, #tpu.memory_space<semaphore_mem>>
      %dma_start3A_404 = tpu.memref_slice %arg6[%add3A_403] : memref<20224xf32, #tpu.memory_space<hbm>> -> memref<632xf32, #tpu.memory_space<hbm>>
      %dma_start3A_405 = tpu.memref_slice %arg6[%add3A_403] : memref<20224xf32, #tpu.memory_space<hbm>> -> memref<632xf32, #tpu.memory_space<hbm>>
      tpu.enqueue_dma source(%arg15 : memref<632xf32, #tpu.memory_space<vmem>>) target(%dma_start3A_405 : memref<632xf32, #tpu.memory_space<hbm>>) target_semaphore(%run_scoped3A : memref<!tpu.dma_semaphore, #tpu.memory_space<semaphore_mem>>)
      %dma_wait3A_406 = tpu.memref_slice %arg6[%add3A_403] : memref<20224xf32, #tpu.memory_space<hbm>> -> memref<632xf32, #tpu.memory_space<hbm>>
      %dma_wait3A_407 = tpu.memref_slice %arg6[%add3A_403] : memref<20224xf32, #tpu.memory_space<hbm>> -> memref<632xf32, #tpu.memory_space<hbm>>
      tpu.wait_dma2 semaphore(%run_scoped3A : memref<!tpu.dma_semaphore, #tpu.memory_space<semaphore_mem>>) src(%arg15 : memref<632xf32, #tpu.memory_space<vmem>>) dst(%dma_wait3A_407 : memref<632xf32, #tpu.memory_space<hbm>>)
      tpu.yield
    }) : () -> ()
    return
  }
}

#map = affine_map<(d0, d1) -> (0, 0)>
#map1 = affine_map<(d0, d1) -> (0, 0, 0)>
module attributes {stable_mosaic.version = 14 : i64} {
  func.func @body(%arg0: i32, %arg1: i32, %arg2: memref<10000x128xf32, #tpu.memory_space<hbm>>, %arg3: memref<32x80x128xi32, #tpu.memory_space<hbm>>, %arg4: memref<10112x128xf32, #tpu.memory_space<hbm>>, %arg5: memref<2x10112x128xf32, #tpu.memory_space<hbm>>, %arg6: memref<80x128xi32, #tpu.memory_space<vmem>>, %arg7: memref<2x128xi32, #tpu.memory_space<vmem>>, %arg8: memref<2x128xi32, #tpu.memory_space<vmem>>, %arg9: memref<256x128xf32, #tpu.memory_space<vmem>>, %arg10: memref<!tpu.dma_semaphore, #tpu.memory_space<semaphore_mem>>, %arg11: memref<!tpu.dma_semaphore, #tpu.memory_space<semaphore_mem>>, %arg12: memref<10112x128xf32, #tpu.memory_space<vmem_shared>>) attributes {dimension_semantics = [#tpu.dimension_semantics<core_parallel>, #tpu.dimension_semantics<subcore_parallel>], iteration_bounds = array<i64: 2, 16>, scalar_prefetch = 0 : i64, scratch_operands = 7 : i64, tpu.core_type = #tpu.core_type<sc_vector_subcore>, window_params = [{transform_indices = #map}, {transform_indices = #map1}, {transform_indices = #map}, {transform_indices = #map1}]} {
    %mul3A = arith.constant 16 : i32
    %mul3A_0 = arith.muli %arg0, %mul3A : i32
    %add3A = arith.addi %mul3A_0, %arg1 : i32
    %mul3A_1 = arith.constant 632 : i32
    %mul3A_2 = arith.muli %arg1, %mul3A_1 : i32
    "tpu.region"() ({
      %run_scoped3A = tpu.sem_alloc : memref<!tpu.dma_semaphore, #tpu.memory_space<semaphore_mem>>
      %dma_start3A_206 = arith.constant 0 : i32
      %dma_start3A_207 = tpu.memref_slice %arg12[%mul3A_2, %dma_start3A_206] : memref<10112x128xf32, #tpu.memory_space<vmem_shared>> -> memref<632x128xf32, #tpu.memory_space<vmem_shared>>
      %dma_start3A_208 = arith.constant 0 : i32
      %dma_start3A_209 = tpu.memref_slice %arg4[%mul3A_2, %dma_start3A_208] : memref<10112x128xf32, #tpu.memory_space<hbm>> -> memref<632x128xf32, #tpu.memory_space<hbm>>
      tpu.enqueue_dma source(%dma_start3A_209 : memref<632x128xf32, #tpu.memory_space<hbm>>) target(%dma_start3A_207 : memref<632x128xf32, #tpu.memory_space<vmem_shared>>) target_semaphore(%run_scoped3A : memref<!tpu.dma_semaphore, #tpu.memory_space<semaphore_mem>>)
      %dma_wait3A_210 = arith.constant 0 : i32
      %dma_wait3A_211 = tpu.memref_slice %arg12[%mul3A_2, %dma_wait3A_210] : memref<10112x128xf32, #tpu.memory_space<vmem_shared>> -> memref<632x128xf32, #tpu.memory_space<vmem_shared>>
      %dma_wait3A_212 = arith.constant 0 : i32
      %dma_wait3A_213 = tpu.memref_slice %arg4[%mul3A_2, %dma_wait3A_212] : memref<10112x128xf32, #tpu.memory_space<hbm>> -> memref<632x128xf32, #tpu.memory_space<hbm>>
      tpu.wait_dma2 semaphore(%run_scoped3A : memref<!tpu.dma_semaphore, #tpu.memory_space<semaphore_mem>>) src(%dma_wait3A_213 : memref<632x128xf32, #tpu.memory_space<hbm>>) dst(%dma_wait3A_211 : memref<632x128xf32, #tpu.memory_space<vmem_shared>>)
      tpu.yield
    }) : () -> ()
    %barrier3A = arith.constant 0 : index
    tpu.barrier barrier_id(%barrier3A)
    "tpu.region"() ({
      %run_scoped3A = tpu.sem_alloc : memref<!tpu.dma_semaphore, #tpu.memory_space<semaphore_mem>>
      %dma_start3A_206 = arith.constant 0 : i32
      %dma_start3A_207 = arith.constant 0 : i32
      %dma_start3A_208 = tpu.memref_slice %arg3[%add3A, %dma_start3A_206, %dma_start3A_207] : memref<32x80x128xi32, #tpu.memory_space<hbm>> -> memref<1x80x128xi32, #tpu.memory_space<hbm>>
      %dma_start3A_209 = tpu.memref_squeeze %dma_start3A_208 : memref<1x80x128xi32, #tpu.memory_space<hbm>> -> memref<80x128xi32, #tpu.memory_space<hbm>>
      %dma_start3A_210 = arith.constant 0 : i32
      %dma_start3A_211 = arith.constant 0 : i32
      %dma_start3A_212 = tpu.memref_slice %arg3[%add3A, %dma_start3A_210, %dma_start3A_211] : memref<32x80x128xi32, #tpu.memory_space<hbm>> -> memref<1x80x128xi32, #tpu.memory_space<hbm>>
      %dma_start3A_213 = tpu.memref_squeeze %dma_start3A_212 : memref<1x80x128xi32, #tpu.memory_space<hbm>> -> memref<80x128xi32, #tpu.memory_space<hbm>>
      tpu.enqueue_dma source(%dma_start3A_213 : memref<80x128xi32, #tpu.memory_space<hbm>>) target(%arg6 : memref<80x128xi32, #tpu.memory_space<vmem>>) target_semaphore(%run_scoped3A : memref<!tpu.dma_semaphore, #tpu.memory_space<semaphore_mem>>)
      %dma_wait3A_214 = arith.constant 0 : i32
      %dma_wait3A_215 = arith.constant 0 : i32
      %dma_wait3A_216 = tpu.memref_slice %arg3[%add3A, %dma_wait3A_214, %dma_wait3A_215] : memref<32x80x128xi32, #tpu.memory_space<hbm>> -> memref<1x80x128xi32, #tpu.memory_space<hbm>>
      %dma_wait3A_217 = tpu.memref_squeeze %dma_wait3A_216 : memref<1x80x128xi32, #tpu.memory_space<hbm>> -> memref<80x128xi32, #tpu.memory_space<hbm>>
      %dma_wait3A_218 = arith.constant 0 : i32
      %dma_wait3A_219 = arith.constant 0 : i32
      %dma_wait3A_220 = tpu.memref_slice %arg3[%add3A, %dma_wait3A_218, %dma_wait3A_219] : memref<32x80x128xi32, #tpu.memory_space<hbm>> -> memref<1x80x128xi32, #tpu.memory_space<hbm>>
      %dma_wait3A_221 = tpu.memref_squeeze %dma_wait3A_220 : memref<1x80x128xi32, #tpu.memory_space<hbm>> -> memref<80x128xi32, #tpu.memory_space<hbm>>
      tpu.wait_dma2 semaphore(%run_scoped3A : memref<!tpu.dma_semaphore, #tpu.memory_space<semaphore_mem>>) src(%dma_wait3A_221 : memref<80x128xi32, #tpu.memory_space<hbm>>) dst(%arg6 : memref<80x128xi32, #tpu.memory_space<vmem>>)
      tpu.yield
    }) : () -> ()
    %get3A = arith.constant 0 : i32
    %get3A_3 = arith.index_cast %get3A : i32 to index
    %get3A_4 = arith.constant 0 : index
    %get3A_5 = tpu.vector_load %arg6[%get3A_3, %get3A_4] {strides = array<i32>} : memref<80x128xi32, #tpu.memory_space<vmem>>, vector<1x16xi32>,
    %get3A_6 = vector.shape_cast %get3A_5 : vector<1x16xi32> to vector<16xi32>
    %and3A = arith.constant 65535 : i32
    %and3A_7 = vector.broadcast %and3A : i32 to vector<16xi32>
    %and3A_8 = arith.andi %get3A_6, %and3A_7 : vector<16xi32>
    %swap3A = arith.constant 0 : i32
    %swap3A_9 = arith.index_cast %swap3A : i32 to index
    %swap3A_10 = arith.constant 0 : index
    %swap3A_11 = tpu.vector_load %arg7[%swap3A_9, %swap3A_10] {strides = array<i32>} : memref<2x128xi32, #tpu.memory_space<vmem>>, vector<1x16xi32>,
    %swap3A_12 = vector.shape_cast %swap3A_11 : vector<1x16xi32> to vector<16xi32>
    %swap3A_13 = vector.shape_cast %and3A_8 : vector<16xi32> to vector<1x16xi32>
    tpu.vector_store %arg7[%swap3A_9, %swap3A_10], %swap3A_13 {strides = array<i32>} : memref<2x128xi32, #tpu.memory_space<vmem>>, vector<1x16xi32>,
    %shift_right_logical3A = arith.constant 16 : i32
    %shift_right_logical3A_14 = vector.broadcast %shift_right_logical3A : i32 to vector<16xi32>
    %shift_right_logical3A_15 = arith.shrui %get3A_6, %shift_right_logical3A_14 : vector<16xi32>
    %swap3A_16 = arith.constant 0 : i32
    %swap3A_17 = arith.index_cast %swap3A_16 : i32 to index
    %swap3A_18 = arith.constant 0 : index
    %swap3A_19 = tpu.vector_load %arg8[%swap3A_17, %swap3A_18] {strides = array<i32>} : memref<2x128xi32, #tpu.memory_space<vmem>>, vector<1x16xi32>,
    %swap3A_20 = vector.shape_cast %swap3A_19 : vector<1x16xi32> to vector<16xi32>
    %swap3A_21 = vector.shape_cast %shift_right_logical3A_15 : vector<16xi32> to vector<1x16xi32>
    tpu.vector_store %arg8[%swap3A_17, %swap3A_18], %swap3A_21 {strides = array<i32>} : memref<2x128xi32, #tpu.memory_space<vmem>>, vector<1x16xi32>,
    %get3A_22 = arith.constant 0 : i32
    %get3A_23 = arith.index_cast %get3A_22 : i32 to index
    %get3A_24 = arith.constant 16 : index
    %get3A_25 = tpu.vector_load %arg6[%get3A_23, %get3A_24] {strides = array<i32>} : memref<80x128xi32, #tpu.memory_space<vmem>>, vector<1x16xi32>,
    %get3A_26 = vector.shape_cast %get3A_25 : vector<1x16xi32> to vector<16xi32>
    %and3A_27 = arith.constant 65535 : i32
    %and3A_28 = vector.broadcast %and3A_27 : i32 to vector<16xi32>
    %and3A_29 = arith.andi %get3A_26, %and3A_28 : vector<16xi32>
    %swap3A_30 = arith.constant 0 : i32
    %swap3A_31 = arith.index_cast %swap3A_30 : i32 to index
    %swap3A_32 = arith.constant 16 : index
    %swap3A_33 = tpu.vector_load %arg7[%swap3A_31, %swap3A_32] {strides = array<i32>} : memref<2x128xi32, #tpu.memory_space<vmem>>, vector<1x16xi32>,
    %swap3A_34 = vector.shape_cast %swap3A_33 : vector<1x16xi32> to vector<16xi32>
    %swap3A_35 = vector.shape_cast %and3A_29 : vector<16xi32> to vector<1x16xi32>
    tpu.vector_store %arg7[%swap3A_31, %swap3A_32], %swap3A_35 {strides = array<i32>} : memref<2x128xi32, #tpu.memory_space<vmem>>, vector<1x16xi32>,
    %shift_right_logical3A_36 = arith.constant 16 : i32
    %shift_right_logical3A_37 = vector.broadcast %shift_right_logical3A_36 : i32 to vector<16xi32>
    %shift_right_logical3A_38 = arith.shrui %get3A_26, %shift_right_logical3A_37 : vector<16xi32>
    %swap3A_39 = arith.constant 0 : i32
    %swap3A_40 = arith.index_cast %swap3A_39 : i32 to index
    %swap3A_41 = arith.constant 16 : index
    %swap3A_42 = tpu.vector_load %arg8[%swap3A_40, %swap3A_41] {strides = array<i32>} : memref<2x128xi32, #tpu.memory_space<vmem>>, vector<1x16xi32>,
    %swap3A_43 = vector.shape_cast %swap3A_42 : vector<1x16xi32> to vector<16xi32>
    %swap3A_44 = vector.shape_cast %shift_right_logical3A_38 : vector<16xi32> to vector<1x16xi32>
    tpu.vector_store %arg8[%swap3A_40, %swap3A_41], %swap3A_44 {strides = array<i32>} : memref<2x128xi32, #tpu.memory_space<vmem>>, vector<1x16xi32>,
    %get3A_45 = arith.constant 0 : i32
    %get3A_46 = arith.index_cast %get3A_45 : i32 to index
    %get3A_47 = arith.constant 32 : index
    %get3A_48 = tpu.vector_load %arg6[%get3A_46, %get3A_47] {strides = array<i32>} : memref<80x128xi32, #tpu.memory_space<vmem>>, vector<1x16xi32>,
    %get3A_49 = vector.shape_cast %get3A_48 : vector<1x16xi32> to vector<16xi32>
    %and3A_50 = arith.constant 65535 : i32
    %and3A_51 = vector.broadcast %and3A_50 : i32 to vector<16xi32>
    %and3A_52 = arith.andi %get3A_49, %and3A_51 : vector<16xi32>
    %swap3A_53 = arith.constant 0 : i32
    %swap3A_54 = arith.index_cast %swap3A_53 : i32 to index
    %swap3A_55 = arith.constant 32 : index
    %swap3A_56 = tpu.vector_load %arg7[%swap3A_54, %swap3A_55] {strides = array<i32>} : memref<2x128xi32, #tpu.memory_space<vmem>>, vector<1x16xi32>,
    %swap3A_57 = vector.shape_cast %swap3A_56 : vector<1x16xi32> to vector<16xi32>
    %swap3A_58 = vector.shape_cast %and3A_52 : vector<16xi32> to vector<1x16xi32>
    tpu.vector_store %arg7[%swap3A_54, %swap3A_55], %swap3A_58 {strides = array<i32>} : memref<2x128xi32, #tpu.memory_space<vmem>>, vector<1x16xi32>,
    %shift_right_logical3A_59 = arith.constant 16 : i32
    %shift_right_logical3A_60 = vector.broadcast %shift_right_logical3A_59 : i32 to vector<16xi32>
    %shift_right_logical3A_61 = arith.shrui %get3A_49, %shift_right_logical3A_60 : vector<16xi32>
    %swap3A_62 = arith.constant 0 : i32
    %swap3A_63 = arith.index_cast %swap3A_62 : i32 to index
    %swap3A_64 = arith.constant 32 : index
    %swap3A_65 = tpu.vector_load %arg8[%swap3A_63, %swap3A_64] {strides = array<i32>} : memref<2x128xi32, #tpu.memory_space<vmem>>, vector<1x16xi32>,
    %swap3A_66 = vector.shape_cast %swap3A_65 : vector<1x16xi32> to vector<16xi32>
    %swap3A_67 = vector.shape_cast %shift_right_logical3A_61 : vector<16xi32> to vector<1x16xi32>
    tpu.vector_store %arg8[%swap3A_63, %swap3A_64], %swap3A_67 {strides = array<i32>} : memref<2x128xi32, #tpu.memory_space<vmem>>, vector<1x16xi32>,
    %get3A_68 = arith.constant 0 : i32
    %get3A_69 = arith.index_cast %get3A_68 : i32 to index
    %get3A_70 = arith.constant 48 : index
    %get3A_71 = tpu.vector_load %arg6[%get3A_69, %get3A_70] {strides = array<i32>} : memref<80x128xi32, #tpu.memory_space<vmem>>, vector<1x16xi32>,
    %get3A_72 = vector.shape_cast %get3A_71 : vector<1x16xi32> to vector<16xi32>
    %and3A_73 = arith.constant 65535 : i32
    %and3A_74 = vector.broadcast %and3A_73 : i32 to vector<16xi32>
    %and3A_75 = arith.andi %get3A_72, %and3A_74 : vector<16xi32>
    %swap3A_76 = arith.constant 0 : i32
    %swap3A_77 = arith.index_cast %swap3A_76 : i32 to index
    %swap3A_78 = arith.constant 48 : index
    %swap3A_79 = tpu.vector_load %arg7[%swap3A_77, %swap3A_78] {strides = array<i32>} : memref<2x128xi32, #tpu.memory_space<vmem>>, vector<1x16xi32>,
    %swap3A_80 = vector.shape_cast %swap3A_79 : vector<1x16xi32> to vector<16xi32>
    %swap3A_81 = vector.shape_cast %and3A_75 : vector<16xi32> to vector<1x16xi32>
    tpu.vector_store %arg7[%swap3A_77, %swap3A_78], %swap3A_81 {strides = array<i32>} : memref<2x128xi32, #tpu.memory_space<vmem>>, vector<1x16xi32>,
    %shift_right_logical3A_82 = arith.constant 16 : i32
    %shift_right_logical3A_83 = vector.broadcast %shift_right_logical3A_82 : i32 to vector<16xi32>
    %shift_right_logical3A_84 = arith.shrui %get3A_72, %shift_right_logical3A_83 : vector<16xi32>
    %swap3A_85 = arith.constant 0 : i32
    %swap3A_86 = arith.index_cast %swap3A_85 : i32 to index
    %swap3A_87 = arith.constant 48 : index
    %swap3A_88 = tpu.vector_load %arg8[%swap3A_86, %swap3A_87] {strides = array<i32>} : memref<2x128xi32, #tpu.memory_space<vmem>>, vector<1x16xi32>,
    %swap3A_89 = vector.shape_cast %swap3A_88 : vector<1x16xi32> to vector<16xi32>
    %swap3A_90 = vector.shape_cast %shift_right_logical3A_84 : vector<16xi32> to vector<1x16xi32>
    tpu.vector_store %arg8[%swap3A_86, %swap3A_87], %swap3A_90 {strides = array<i32>} : memref<2x128xi32, #tpu.memory_space<vmem>>, vector<1x16xi32>,
    %get3A_91 = arith.constant 0 : i32
    %get3A_92 = arith.index_cast %get3A_91 : i32 to index
    %get3A_93 = arith.constant 64 : index
    %get3A_94 = tpu.vector_load %arg6[%get3A_92, %get3A_93] {strides = array<i32>} : memref<80x128xi32, #tpu.memory_space<vmem>>, vector<1x16xi32>,
    %get3A_95 = vector.shape_cast %get3A_94 : vector<1x16xi32> to vector<16xi32>
    %and3A_96 = arith.constant 65535 : i32
    %and3A_97 = vector.broadcast %and3A_96 : i32 to vector<16xi32>
    %and3A_98 = arith.andi %get3A_95, %and3A_97 : vector<16xi32>
    %swap3A_99 = arith.constant 0 : i32
    %swap3A_100 = arith.index_cast %swap3A_99 : i32 to index
    %swap3A_101 = arith.constant 64 : index
    %swap3A_102 = tpu.vector_load %arg7[%swap3A_100, %swap3A_101] {strides = array<i32>} : memref<2x128xi32, #tpu.memory_space<vmem>>, vector<1x16xi32>,
    %swap3A_103 = vector.shape_cast %swap3A_102 : vector<1x16xi32> to vector<16xi32>
    %swap3A_104 = vector.shape_cast %and3A_98 : vector<16xi32> to vector<1x16xi32>
    tpu.vector_store %arg7[%swap3A_100, %swap3A_101], %swap3A_104 {strides = array<i32>} : memref<2x128xi32, #tpu.memory_space<vmem>>, vector<1x16xi32>,
    %shift_right_logical3A_105 = arith.constant 16 : i32
    %shift_right_logical3A_106 = vector.broadcast %shift_right_logical3A_105 : i32 to vector<16xi32>
    %shift_right_logical3A_107 = arith.shrui %get3A_95, %shift_right_logical3A_106 : vector<16xi32>
    %swap3A_108 = arith.constant 0 : i32
    %swap3A_109 = arith.index_cast %swap3A_108 : i32 to index
    %swap3A_110 = arith.constant 64 : index
    %swap3A_111 = tpu.vector_load %arg8[%swap3A_109, %swap3A_110] {strides = array<i32>} : memref<2x128xi32, #tpu.memory_space<vmem>>, vector<1x16xi32>,
    %swap3A_112 = vector.shape_cast %swap3A_111 : vector<1x16xi32> to vector<16xi32>
    %swap3A_113 = vector.shape_cast %shift_right_logical3A_107 : vector<16xi32> to vector<1x16xi32>
    tpu.vector_store %arg8[%swap3A_109, %swap3A_110], %swap3A_113 {strides = array<i32>} : memref<2x128xi32, #tpu.memory_space<vmem>>, vector<1x16xi32>,
    %get3A_114 = arith.constant 0 : i32
    %get3A_115 = arith.index_cast %get3A_114 : i32 to index
    %get3A_116 = arith.constant 80 : index
    %get3A_117 = tpu.vector_load %arg6[%get3A_115, %get3A_116] {strides = array<i32>} : memref<80x128xi32, #tpu.memory_space<vmem>>, vector<1x16xi32>,
    %get3A_118 = vector.shape_cast %get3A_117 : vector<1x16xi32> to vector<16xi32>
    %and3A_119 = arith.constant 65535 : i32
    %and3A_120 = vector.broadcast %and3A_119 : i32 to vector<16xi32>
    %and3A_121 = arith.andi %get3A_118, %and3A_120 : vector<16xi32>
    %swap3A_122 = arith.constant 0 : i32
    %swap3A_123 = arith.index_cast %swap3A_122 : i32 to index
    %swap3A_124 = arith.constant 80 : index
    %swap3A_125 = tpu.vector_load %arg7[%swap3A_123, %swap3A_124] {strides = array<i32>} : memref<2x128xi32, #tpu.memory_space<vmem>>, vector<1x16xi32>,
    %swap3A_126 = vector.shape_cast %swap3A_125 : vector<1x16xi32> to vector<16xi32>
    %swap3A_127 = vector.shape_cast %and3A_121 : vector<16xi32> to vector<1x16xi32>
    tpu.vector_store %arg7[%swap3A_123, %swap3A_124], %swap3A_127 {strides = array<i32>} : memref<2x128xi32, #tpu.memory_space<vmem>>, vector<1x16xi32>,
    %shift_right_logical3A_128 = arith.constant 16 : i32
    %shift_right_logical3A_129 = vector.broadcast %shift_right_logical3A_128 : i32 to vector<16xi32>
    %shift_right_logical3A_130 = arith.shrui %get3A_118, %shift_right_logical3A_129 : vector<16xi32>
    %swap3A_131 = arith.constant 0 : i32
    %swap3A_132 = arith.index_cast %swap3A_131 : i32 to index
    %swap3A_133 = arith.constant 80 : index
    %swap3A_134 = tpu.vector_load %arg8[%swap3A_132, %swap3A_133] {strides = array<i32>} : memref<2x128xi32, #tpu.memory_space<vmem>>, vector<1x16xi32>,
    %swap3A_135 = vector.shape_cast %swap3A_134 : vector<1x16xi32> to vector<16xi32>
    %swap3A_136 = vector.shape_cast %shift_right_logical3A_130 : vector<16xi32> to vector<1x16xi32>
    tpu.vector_store %arg8[%swap3A_132, %swap3A_133], %swap3A_136 {strides = array<i32>} : memref<2x128xi32, #tpu.memory_space<vmem>>, vector<1x16xi32>,
    %get3A_137 = arith.constant 0 : i32
    %get3A_138 = arith.index_cast %get3A_137 : i32 to index
    %get3A_139 = arith.constant 96 : index
    %get3A_140 = tpu.vector_load %arg6[%get3A_138, %get3A_139] {strides = array<i32>} : memref<80x128xi32, #tpu.memory_space<vmem>>, vector<1x16xi32>,
    %get3A_141 = vector.shape_cast %get3A_140 : vector<1x16xi32> to vector<16xi32>
    %and3A_142 = arith.constant 65535 : i32
    %and3A_143 = vector.broadcast %and3A_142 : i32 to vector<16xi32>
    %and3A_144 = arith.andi %get3A_141, %and3A_143 : vector<16xi32>
    %swap3A_145 = arith.constant 0 : i32
    %swap3A_146 = arith.index_cast %swap3A_145 : i32 to index
    %swap3A_147 = arith.constant 96 : index
    %swap3A_148 = tpu.vector_load %arg7[%swap3A_146, %swap3A_147] {strides = array<i32>} : memref<2x128xi32, #tpu.memory_space<vmem>>, vector<1x16xi32>,
    %swap3A_149 = vector.shape_cast %swap3A_148 : vector<1x16xi32> to vector<16xi32>
    %swap3A_150 = vector.shape_cast %and3A_144 : vector<16xi32> to vector<1x16xi32>
    tpu.vector_store %arg7[%swap3A_146, %swap3A_147], %swap3A_150 {strides = array<i32>} : memref<2x128xi32, #tpu.memory_space<vmem>>, vector<1x16xi32>,
    %shift_right_logical3A_151 = arith.constant 16 : i32
    %shift_right_logical3A_152 = vector.broadcast %shift_right_logical3A_151 : i32 to vector<16xi32>
    %shift_right_logical3A_153 = arith.shrui %get3A_141, %shift_right_logical3A_152 : vector<16xi32>
    %swap3A_154 = arith.constant 0 : i32
    %swap3A_155 = arith.index_cast %swap3A_154 : i32 to index
    %swap3A_156 = arith.constant 96 : index
    %swap3A_157 = tpu.vector_load %arg8[%swap3A_155, %swap3A_156] {strides = array<i32>} : memref<2x128xi32, #tpu.memory_space<vmem>>, vector<1x16xi32>,
    %swap3A_158 = vector.shape_cast %swap3A_157 : vector<1x16xi32> to vector<16xi32>
    %swap3A_159 = vector.shape_cast %shift_right_logical3A_153 : vector<16xi32> to vector<1x16xi32>
    tpu.vector_store %arg8[%swap3A_155, %swap3A_156], %swap3A_159 {strides = array<i32>} : memref<2x128xi32, #tpu.memory_space<vmem>>, vector<1x16xi32>,
    %get3A_160 = arith.constant 0 : i32
    %get3A_161 = arith.index_cast %get3A_160 : i32 to index
    %get3A_162 = arith.constant 112 : index
    %get3A_163 = tpu.vector_load %arg6[%get3A_161, %get3A_162] {strides = array<i32>} : memref<80x128xi32, #tpu.memory_space<vmem>>, vector<1x16xi32>,
    %get3A_164 = vector.shape_cast %get3A_163 : vector<1x16xi32> to vector<16xi32>
    %and3A_165 = arith.constant 65535 : i32
    %and3A_166 = vector.broadcast %and3A_165 : i32 to vector<16xi32>
    %and3A_167 = arith.andi %get3A_164, %and3A_166 : vector<16xi32>
    %swap3A_168 = arith.constant 0 : i32
    %swap3A_169 = arith.index_cast %swap3A_168 : i32 to index
    %swap3A_170 = arith.constant 112 : index
    %swap3A_171 = tpu.vector_load %arg7[%swap3A_169, %swap3A_170] {strides = array<i32>} : memref<2x128xi32, #tpu.memory_space<vmem>>, vector<1x16xi32>,
    %swap3A_172 = vector.shape_cast %swap3A_171 : vector<1x16xi32> to vector<16xi32>
    %swap3A_173 = vector.shape_cast %and3A_167 : vector<16xi32> to vector<1x16xi32>
    tpu.vector_store %arg7[%swap3A_169, %swap3A_170], %swap3A_173 {strides = array<i32>} : memref<2x128xi32, #tpu.memory_space<vmem>>, vector<1x16xi32>,
    %shift_right_logical3A_174 = arith.constant 16 : i32
    %shift_right_logical3A_175 = vector.broadcast %shift_right_logical3A_174 : i32 to vector<16xi32>
    %shift_right_logical3A_176 = arith.shrui %get3A_164, %shift_right_logical3A_175 : vector<16xi32>
    %swap3A_177 = arith.constant 0 : i32
    %swap3A_178 = arith.index_cast %swap3A_177 : i32 to index
    %swap3A_179 = arith.constant 112 : index
    %swap3A_180 = tpu.vector_load %arg8[%swap3A_178, %swap3A_179] {strides = array<i32>} : memref<2x128xi32, #tpu.memory_space<vmem>>, vector<1x16xi32>,
    %swap3A_181 = vector.shape_cast %swap3A_180 : vector<1x16xi32> to vector<16xi32>
    %swap3A_182 = vector.shape_cast %shift_right_logical3A_176 : vector<16xi32> to vector<1x16xi32>
    tpu.vector_store %arg8[%swap3A_178, %swap3A_179], %swap3A_182 {strides = array<i32>} : memref<2x128xi32, #tpu.memory_space<vmem>>, vector<1x16xi32>,
    %dma_start3A = arith.constant 0 : i32
    %dma_start3A_183 = arith.constant 0 : i32
    %dma_start3A_184 = arith.constant 0 : i32
    %dma_start3A_185 = tpu.memref_slice %arg9[%dma_start3A_183, %dma_start3A_184] : memref<256x128xf32, #tpu.memory_space<vmem>> -> memref<128x128xf32, #tpu.memory_space<vmem>>
    %dma_start3A_186 = arith.constant 0 : i32
    %dma_start3A_187 = tpu.memref_slice %arg7[%dma_start3A, %dma_start3A_186] : memref<2x128xi32, #tpu.memory_space<vmem>> -> memref<1x128xi32, #tpu.memory_space<vmem>>
    %dma_start3A_188 = tpu.memref_squeeze %dma_start3A_187 : memref<1x128xi32, #tpu.memory_space<vmem>> -> memref<128xi32, #tpu.memory_space<vmem>>
    %dma_start3A_189 = arith.constant 0 : i32
    %dma_start3A_190 = arith.constant 0 : i32
    %dma_start3A_191 = tpu.memref_slice %arg2[%dma_start3A_189, %dma_start3A_190] : memref<10000x128xf32, #tpu.memory_space<hbm>> -> memref<10000x128xf32, #tpu.memory_space<hbm>>
    tpu.enqueue_indirect_dma source(%dma_start3A_191 : memref<10000x128xf32, #tpu.memory_space<hbm>>) target(%dma_start3A_185 : memref<128x128xf32, #tpu.memory_space<vmem>>) offsets(%dma_start3A_188 : memref<128xi32, #tpu.memory_space<vmem>>) semaphore(%arg10 : memref<!tpu.dma_semaphore, #tpu.memory_space<semaphore_mem>>)
    %scan3A = arith.constant 0 : i32
    %scan3A_192 = arith.constant 80 : i32
    %scan3A_193 = arith.addi %scan3A, %scan3A_192 : i32
    %scan3A_194 = arith.constant 1 : i32
    scf.for %scan3A_206 = %scan3A to %scan3A_193 step %scan3A_194  : i32 {
      %mul3A_207 = arith.constant 1 : i32
      %mul3A_208 = arith.muli %scan3A_206, %mul3A_207 : i32
      %add3A_209 = arith.constant 0 : i32
      %add3A_210 = arith.addi %add3A_209, %mul3A_208 : i32
      %and3A_211 = arith.constant 1 : i32
      %and3A_212 = arith.andi %add3A_210, %and3A_211 : i32
      %mul3A_213 = arith.constant 128 : i32
      %mul3A_214 = arith.muli %and3A_212, %mul3A_213 : i32
      %sub3A = arith.constant 128 : i32
      %sub3A_215 = arith.subi %sub3A, %mul3A_214 : i32
      %dma_wait3A_216 = arith.constant 0 : i32
      %dma_wait3A_217 = tpu.memref_slice %arg9[%mul3A_214, %dma_wait3A_216] : memref<256x128xf32, #tpu.memory_space<vmem>> -> memref<128x128xf32, #tpu.memory_space<vmem>>
      %dma_wait3A_218 = arith.constant 0 : i32
      %dma_wait3A_219 = tpu.memref_slice %arg7[%and3A_212, %dma_wait3A_218] : memref<2x128xi32, #tpu.memory_space<vmem>> -> memref<1x128xi32, #tpu.memory_space<vmem>>
      %dma_wait3A_220 = tpu.memref_squeeze %dma_wait3A_219 : memref<1x128xi32, #tpu.memory_space<vmem>> -> memref<128xi32, #tpu.memory_space<vmem>>
      %dma_wait3A_221 = arith.constant 0 : i32
      %dma_wait3A_222 = arith.constant 0 : i32
      %dma_wait3A_223 = tpu.memref_slice %arg2[%dma_wait3A_221, %dma_wait3A_222] : memref<10000x128xf32, #tpu.memory_space<hbm>> -> memref<10000x128xf32, #tpu.memory_space<hbm>>
      tpu.wait_indirect_dma semaphore(%arg10 : memref<!tpu.dma_semaphore, #tpu.memory_space<semaphore_mem>>) src(%dma_wait3A_223 : memref<10000x128xf32, #tpu.memory_space<hbm>>) dst(%dma_wait3A_217 : memref<128x128xf32, #tpu.memory_space<vmem>>)
      %ge3A = arith.constant 1 : i32
      %ge3A_224 = arith.cmpi sge, %add3A_210, %ge3A : i32
      %convert_element_type3A = arith.extui %ge3A_224 : i1 to i32
      %cond3A = arith.constant 0 : i32
      %cond3A_225 = arith.cmpi ne, %convert_element_type3A, %cond3A : i32
      scf.if %cond3A_225 {
        %sub3A_240 = arith.constant 1 : i32
        %sub3A_241 = arith.subi %sub3A_240, %and3A_212 : i32
        %dma_wait3A_242 = arith.constant 0 : i32
        %dma_wait3A_243 = tpu.memref_slice %arg9[%sub3A_215, %dma_wait3A_242] : memref<256x128xf32, #tpu.memory_space<vmem>> -> memref<128x128xf32, #tpu.memory_space<vmem>>
        %dma_wait3A_244 = arith.constant 0 : i32
        %dma_wait3A_245 = tpu.memref_slice %arg8[%sub3A_241, %dma_wait3A_244] : memref<2x128xi32, #tpu.memory_space<vmem>> -> memref<1x128xi32, #tpu.memory_space<vmem>>
        %dma_wait3A_246 = tpu.memref_squeeze %dma_wait3A_245 : memref<1x128xi32, #tpu.memory_space<vmem>> -> memref<128xi32, #tpu.memory_space<vmem>>
        %dma_wait3A_247 = arith.constant 0 : i32
        %dma_wait3A_248 = arith.constant 0 : i32
        %dma_wait3A_249 = tpu.memref_slice %arg12[%dma_wait3A_247, %dma_wait3A_248] : memref<10112x128xf32, #tpu.memory_space<vmem_shared>> -> memref<10112x128xf32, #tpu.memory_space<vmem_shared>>
        tpu.wait_indirect_dma semaphore(%arg11 : memref<!tpu.dma_semaphore, #tpu.memory_space<semaphore_mem>>) src(%dma_wait3A_243 : memref<128x128xf32, #tpu.memory_space<vmem>>) dst(%dma_wait3A_249 : memref<10112x128xf32, #tpu.memory_space<vmem_shared>>)
      } else {
      }
      %add3A_226 = arith.constant 1 : i32
      %add3A_227 = arith.addi %add3A_210, %add3A_226 : i32
      %lt3A = arith.constant 80 : i32
      %lt3A_228 = arith.cmpi slt, %add3A_227, %lt3A : i32
      %convert_element_type3A_229 = arith.extui %lt3A_228 : i1 to i32
      %cond3A_230 = arith.constant 0 : i32
      %cond3A_231 = arith.cmpi ne, %convert_element_type3A_229, %cond3A_230 : i32
      scf.if %cond3A_231 {
        %add3A_240 = arith.constant 1 : i32
        %add3A_241 = arith.addi %add3A_210, %add3A_240 : i32
        %sub3A_242 = arith.constant 1 : i32
        %sub3A_243 = arith.subi %sub3A_242, %and3A_212 : i32
        %get3A_244 = arith.index_cast %add3A_241 : i32 to index
        %get3A_245 = arith.constant 0 : index
        %get3A_246 = tpu.vector_load %arg6[%get3A_244, %get3A_245] {strides = array<i32>} : memref<80x128xi32, #tpu.memory_space<vmem>>, vector<1x16xi32>,
        %get3A_247 = vector.shape_cast %get3A_246 : vector<1x16xi32> to vector<16xi32>
        %and3A_248 = arith.constant 65535 : i32
        %and3A_249 = vector.broadcast %and3A_248 : i32 to vector<16xi32>
        %and3A_250 = arith.andi %get3A_247, %and3A_249 : vector<16xi32>
        %swap3A_251 = arith.index_cast %sub3A_243 : i32 to index
        %swap3A_252 = arith.constant 0 : index
        %swap3A_253 = tpu.vector_load %arg7[%swap3A_251, %swap3A_252] {strides = array<i32>} : memref<2x128xi32, #tpu.memory_space<vmem>>, vector<1x16xi32>,
        %swap3A_254 = vector.shape_cast %swap3A_253 : vector<1x16xi32> to vector<16xi32>
        %swap3A_255 = vector.shape_cast %and3A_250 : vector<16xi32> to vector<1x16xi32>
        tpu.vector_store %arg7[%swap3A_251, %swap3A_252], %swap3A_255 {strides = array<i32>} : memref<2x128xi32, #tpu.memory_space<vmem>>, vector<1x16xi32>,
        %shift_right_logical3A_256 = arith.constant 16 : i32
        %shift_right_logical3A_257 = vector.broadcast %shift_right_logical3A_256 : i32 to vector<16xi32>
        %shift_right_logical3A_258 = arith.shrui %get3A_247, %shift_right_logical3A_257 : vector<16xi32>
        %swap3A_259 = arith.index_cast %sub3A_243 : i32 to index
        %swap3A_260 = arith.constant 0 : index
        %swap3A_261 = tpu.vector_load %arg8[%swap3A_259, %swap3A_260] {strides = array<i32>} : memref<2x128xi32, #tpu.memory_space<vmem>>, vector<1x16xi32>,
        %swap3A_262 = vector.shape_cast %swap3A_261 : vector<1x16xi32> to vector<16xi32>
        %swap3A_263 = vector.shape_cast %shift_right_logical3A_258 : vector<16xi32> to vector<1x16xi32>
        tpu.vector_store %arg8[%swap3A_259, %swap3A_260], %swap3A_263 {strides = array<i32>} : memref<2x128xi32, #tpu.memory_space<vmem>>, vector<1x16xi32>,
        %get3A_264 = arith.index_cast %add3A_241 : i32 to index
        %get3A_265 = arith.constant 16 : index
        %get3A_266 = tpu.vector_load %arg6[%get3A_264, %get3A_265] {strides = array<i32>} : memref<80x128xi32, #tpu.memory_space<vmem>>, vector<1x16xi32>,
        %get3A_267 = vector.shape_cast %get3A_266 : vector<1x16xi32> to vector<16xi32>
        %and3A_268 = arith.constant 65535 : i32
        %and3A_269 = vector.broadcast %and3A_268 : i32 to vector<16xi32>
        %and3A_270 = arith.andi %get3A_267, %and3A_269 : vector<16xi32>
        %swap3A_271 = arith.index_cast %sub3A_243 : i32 to index
        %swap3A_272 = arith.constant 16 : index
        %swap3A_273 = tpu.vector_load %arg7[%swap3A_271, %swap3A_272] {strides = array<i32>} : memref<2x128xi32, #tpu.memory_space<vmem>>, vector<1x16xi32>,
        %swap3A_274 = vector.shape_cast %swap3A_273 : vector<1x16xi32> to vector<16xi32>
        %swap3A_275 = vector.shape_cast %and3A_270 : vector<16xi32> to vector<1x16xi32>
        tpu.vector_store %arg7[%swap3A_271, %swap3A_272], %swap3A_275 {strides = array<i32>} : memref<2x128xi32, #tpu.memory_space<vmem>>, vector<1x16xi32>,
        %shift_right_logical3A_276 = arith.constant 16 : i32
        %shift_right_logical3A_277 = vector.broadcast %shift_right_logical3A_276 : i32 to vector<16xi32>
        %shift_right_logical3A_278 = arith.shrui %get3A_267, %shift_right_logical3A_277 : vector<16xi32>
        %swap3A_279 = arith.index_cast %sub3A_243 : i32 to index
        %swap3A_280 = arith.constant 16 : index
        %swap3A_281 = tpu.vector_load %arg8[%swap3A_279, %swap3A_280] {strides = array<i32>} : memref<2x128xi32, #tpu.memory_space<vmem>>, vector<1x16xi32>,
        %swap3A_282 = vector.shape_cast %swap3A_281 : vector<1x16xi32> to vector<16xi32>
        %swap3A_283 = vector.shape_cast %shift_right_logical3A_278 : vector<16xi32> to vector<1x16xi32>
        tpu.vector_store %arg8[%swap3A_279, %swap3A_280], %swap3A_283 {strides = array<i32>} : memref<2x128xi32, #tpu.memory_space<vmem>>, vector<1x16xi32>,
        %get3A_284 = arith.index_cast %add3A_241 : i32 to index
        %get3A_285 = arith.constant 32 : index
        %get3A_286 = tpu.vector_load %arg6[%get3A_284, %get3A_285] {strides = array<i32>} : memref<80x128xi32, #tpu.memory_space<vmem>>, vector<1x16xi32>,
        %get3A_287 = vector.shape_cast %get3A_286 : vector<1x16xi32> to vector<16xi32>
        %and3A_288 = arith.constant 65535 : i32
        %and3A_289 = vector.broadcast %and3A_288 : i32 to vector<16xi32>
        %and3A_290 = arith.andi %get3A_287, %and3A_289 : vector<16xi32>
        %swap3A_291 = arith.index_cast %sub3A_243 : i32 to index
        %swap3A_292 = arith.constant 32 : index
        %swap3A_293 = tpu.vector_load %arg7[%swap3A_291, %swap3A_292] {strides = array<i32>} : memref<2x128xi32, #tpu.memory_space<vmem>>, vector<1x16xi32>,
        %swap3A_294 = vector.shape_cast %swap3A_293 : vector<1x16xi32> to vector<16xi32>
        %swap3A_295 = vector.shape_cast %and3A_290 : vector<16xi32> to vector<1x16xi32>
        tpu.vector_store %arg7[%swap3A_291, %swap3A_292], %swap3A_295 {strides = array<i32>} : memref<2x128xi32, #tpu.memory_space<vmem>>, vector<1x16xi32>,
        %shift_right_logical3A_296 = arith.constant 16 : i32
        %shift_right_logical3A_297 = vector.broadcast %shift_right_logical3A_296 : i32 to vector<16xi32>
        %shift_right_logical3A_298 = arith.shrui %get3A_287, %shift_right_logical3A_297 : vector<16xi32>
        %swap3A_299 = arith.index_cast %sub3A_243 : i32 to index
        %swap3A_300 = arith.constant 32 : index
        %swap3A_301 = tpu.vector_load %arg8[%swap3A_299, %swap3A_300] {strides = array<i32>} : memref<2x128xi32, #tpu.memory_space<vmem>>, vector<1x16xi32>,
        %swap3A_302 = vector.shape_cast %swap3A_301 : vector<1x16xi32> to vector<16xi32>
        %swap3A_303 = vector.shape_cast %shift_right_logical3A_298 : vector<16xi32> to vector<1x16xi32>
        tpu.vector_store %arg8[%swap3A_299, %swap3A_300], %swap3A_303 {strides = array<i32>} : memref<2x128xi32, #tpu.memory_space<vmem>>, vector<1x16xi32>,
        %get3A_304 = arith.index_cast %add3A_241 : i32 to index
        %get3A_305 = arith.constant 48 : index
        %get3A_306 = tpu.vector_load %arg6[%get3A_304, %get3A_305] {strides = array<i32>} : memref<80x128xi32, #tpu.memory_space<vmem>>, vector<1x16xi32>,
        %get3A_307 = vector.shape_cast %get3A_306 : vector<1x16xi32> to vector<16xi32>
        %and3A_308 = arith.constant 65535 : i32
        %and3A_309 = vector.broadcast %and3A_308 : i32 to vector<16xi32>
        %and3A_310 = arith.andi %get3A_307, %and3A_309 : vector<16xi32>
        %swap3A_311 = arith.index_cast %sub3A_243 : i32 to index
        %swap3A_312 = arith.constant 48 : index
        %swap3A_313 = tpu.vector_load %arg7[%swap3A_311, %swap3A_312] {strides = array<i32>} : memref<2x128xi32, #tpu.memory_space<vmem>>, vector<1x16xi32>,
        %swap3A_314 = vector.shape_cast %swap3A_313 : vector<1x16xi32> to vector<16xi32>
        %swap3A_315 = vector.shape_cast %and3A_310 : vector<16xi32> to vector<1x16xi32>
        tpu.vector_store %arg7[%swap3A_311, %swap3A_312], %swap3A_315 {strides = array<i32>} : memref<2x128xi32, #tpu.memory_space<vmem>>, vector<1x16xi32>,
        %shift_right_logical3A_316 = arith.constant 16 : i32
        %shift_right_logical3A_317 = vector.broadcast %shift_right_logical3A_316 : i32 to vector<16xi32>
        %shift_right_logical3A_318 = arith.shrui %get3A_307, %shift_right_logical3A_317 : vector<16xi32>
        %swap3A_319 = arith.index_cast %sub3A_243 : i32 to index
        %swap3A_320 = arith.constant 48 : index
        %swap3A_321 = tpu.vector_load %arg8[%swap3A_319, %swap3A_320] {strides = array<i32>} : memref<2x128xi32, #tpu.memory_space<vmem>>, vector<1x16xi32>,
        %swap3A_322 = vector.shape_cast %swap3A_321 : vector<1x16xi32> to vector<16xi32>
        %swap3A_323 = vector.shape_cast %shift_right_logical3A_318 : vector<16xi32> to vector<1x16xi32>
        tpu.vector_store %arg8[%swap3A_319, %swap3A_320], %swap3A_323 {strides = array<i32>} : memref<2x128xi32, #tpu.memory_space<vmem>>, vector<1x16xi32>,
        %get3A_324 = arith.index_cast %add3A_241 : i32 to index
        %get3A_325 = arith.constant 64 : index
        %get3A_326 = tpu.vector_load %arg6[%get3A_324, %get3A_325] {strides = array<i32>} : memref<80x128xi32, #tpu.memory_space<vmem>>, vector<1x16xi32>,
        %get3A_327 = vector.shape_cast %get3A_326 : vector<1x16xi32> to vector<16xi32>
        %and3A_328 = arith.constant 65535 : i32
        %and3A_329 = vector.broadcast %and3A_328 : i32 to vector<16xi32>
        %and3A_330 = arith.andi %get3A_327, %and3A_329 : vector<16xi32>
        %swap3A_331 = arith.index_cast %sub3A_243 : i32 to index
        %swap3A_332 = arith.constant 64 : index
        %swap3A_333 = tpu.vector_load %arg7[%swap3A_331, %swap3A_332] {strides = array<i32>} : memref<2x128xi32, #tpu.memory_space<vmem>>, vector<1x16xi32>,
        %swap3A_334 = vector.shape_cast %swap3A_333 : vector<1x16xi32> to vector<16xi32>
        %swap3A_335 = vector.shape_cast %and3A_330 : vector<16xi32> to vector<1x16xi32>
        tpu.vector_store %arg7[%swap3A_331, %swap3A_332], %swap3A_335 {strides = array<i32>} : memref<2x128xi32, #tpu.memory_space<vmem>>, vector<1x16xi32>,
        %shift_right_logical3A_336 = arith.constant 16 : i32
        %shift_right_logical3A_337 = vector.broadcast %shift_right_logical3A_336 : i32 to vector<16xi32>
        %shift_right_logical3A_338 = arith.shrui %get3A_327, %shift_right_logical3A_337 : vector<16xi32>
        %swap3A_339 = arith.index_cast %sub3A_243 : i32 to index
        %swap3A_340 = arith.constant 64 : index
        %swap3A_341 = tpu.vector_load %arg8[%swap3A_339, %swap3A_340] {strides = array<i32>} : memref<2x128xi32, #tpu.memory_space<vmem>>, vector<1x16xi32>,
        %swap3A_342 = vector.shape_cast %swap3A_341 : vector<1x16xi32> to vector<16xi32>
        %swap3A_343 = vector.shape_cast %shift_right_logical3A_338 : vector<16xi32> to vector<1x16xi32>
        tpu.vector_store %arg8[%swap3A_339, %swap3A_340], %swap3A_343 {strides = array<i32>} : memref<2x128xi32, #tpu.memory_space<vmem>>, vector<1x16xi32>,
        %get3A_344 = arith.index_cast %add3A_241 : i32 to index
        %get3A_345 = arith.constant 80 : index
        %get3A_346 = tpu.vector_load %arg6[%get3A_344, %get3A_345] {strides = array<i32>} : memref<80x128xi32, #tpu.memory_space<vmem>>, vector<1x16xi32>,
        %get3A_347 = vector.shape_cast %get3A_346 : vector<1x16xi32> to vector<16xi32>
        %and3A_348 = arith.constant 65535 : i32
        %and3A_349 = vector.broadcast %and3A_348 : i32 to vector<16xi32>
        %and3A_350 = arith.andi %get3A_347, %and3A_349 : vector<16xi32>
        %swap3A_351 = arith.index_cast %sub3A_243 : i32 to index
        %swap3A_352 = arith.constant 80 : index
        %swap3A_353 = tpu.vector_load %arg7[%swap3A_351, %swap3A_352] {strides = array<i32>} : memref<2x128xi32, #tpu.memory_space<vmem>>, vector<1x16xi32>,
        %swap3A_354 = vector.shape_cast %swap3A_353 : vector<1x16xi32> to vector<16xi32>
        %swap3A_355 = vector.shape_cast %and3A_350 : vector<16xi32> to vector<1x16xi32>
        tpu.vector_store %arg7[%swap3A_351, %swap3A_352], %swap3A_355 {strides = array<i32>} : memref<2x128xi32, #tpu.memory_space<vmem>>, vector<1x16xi32>,
        %shift_right_logical3A_356 = arith.constant 16 : i32
        %shift_right_logical3A_357 = vector.broadcast %shift_right_logical3A_356 : i32 to vector<16xi32>
        %shift_right_logical3A_358 = arith.shrui %get3A_347, %shift_right_logical3A_357 : vector<16xi32>
        %swap3A_359 = arith.index_cast %sub3A_243 : i32 to index
        %swap3A_360 = arith.constant 80 : index
        %swap3A_361 = tpu.vector_load %arg8[%swap3A_359, %swap3A_360] {strides = array<i32>} : memref<2x128xi32, #tpu.memory_space<vmem>>, vector<1x16xi32>,
        %swap3A_362 = vector.shape_cast %swap3A_361 : vector<1x16xi32> to vector<16xi32>
        %swap3A_363 = vector.shape_cast %shift_right_logical3A_358 : vector<16xi32> to vector<1x16xi32>
        tpu.vector_store %arg8[%swap3A_359, %swap3A_360], %swap3A_363 {strides = array<i32>} : memref<2x128xi32, #tpu.memory_space<vmem>>, vector<1x16xi32>,
        %get3A_364 = arith.index_cast %add3A_241 : i32 to index
        %get3A_365 = arith.constant 96 : index
        %get3A_366 = tpu.vector_load %arg6[%get3A_364, %get3A_365] {strides = array<i32>} : memref<80x128xi32, #tpu.memory_space<vmem>>, vector<1x16xi32>,
        %get3A_367 = vector.shape_cast %get3A_366 : vector<1x16xi32> to vector<16xi32>
        %and3A_368 = arith.constant 65535 : i32
        %and3A_369 = vector.broadcast %and3A_368 : i32 to vector<16xi32>
        %and3A_370 = arith.andi %get3A_367, %and3A_369 : vector<16xi32>
        %swap3A_371 = arith.index_cast %sub3A_243 : i32 to index
        %swap3A_372 = arith.constant 96 : index
        %swap3A_373 = tpu.vector_load %arg7[%swap3A_371, %swap3A_372] {strides = array<i32>} : memref<2x128xi32, #tpu.memory_space<vmem>>, vector<1x16xi32>,
        %swap3A_374 = vector.shape_cast %swap3A_373 : vector<1x16xi32> to vector<16xi32>
        %swap3A_375 = vector.shape_cast %and3A_370 : vector<16xi32> to vector<1x16xi32>
        tpu.vector_store %arg7[%swap3A_371, %swap3A_372], %swap3A_375 {strides = array<i32>} : memref<2x128xi32, #tpu.memory_space<vmem>>, vector<1x16xi32>,
        %shift_right_logical3A_376 = arith.constant 16 : i32
        %shift_right_logical3A_377 = vector.broadcast %shift_right_logical3A_376 : i32 to vector<16xi32>
        %shift_right_logical3A_378 = arith.shrui %get3A_367, %shift_right_logical3A_377 : vector<16xi32>
        %swap3A_379 = arith.index_cast %sub3A_243 : i32 to index
        %swap3A_380 = arith.constant 96 : index
        %swap3A_381 = tpu.vector_load %arg8[%swap3A_379, %swap3A_380] {strides = array<i32>} : memref<2x128xi32, #tpu.memory_space<vmem>>, vector<1x16xi32>,
        %swap3A_382 = vector.shape_cast %swap3A_381 : vector<1x16xi32> to vector<16xi32>
        %swap3A_383 = vector.shape_cast %shift_right_logical3A_378 : vector<16xi32> to vector<1x16xi32>
        tpu.vector_store %arg8[%swap3A_379, %swap3A_380], %swap3A_383 {strides = array<i32>} : memref<2x128xi32, #tpu.memory_space<vmem>>, vector<1x16xi32>,
        %get3A_384 = arith.index_cast %add3A_241 : i32 to index
        %get3A_385 = arith.constant 112 : index
        %get3A_386 = tpu.vector_load %arg6[%get3A_384, %get3A_385] {strides = array<i32>} : memref<80x128xi32, #tpu.memory_space<vmem>>, vector<1x16xi32>,
        %get3A_387 = vector.shape_cast %get3A_386 : vector<1x16xi32> to vector<16xi32>
        %and3A_388 = arith.constant 65535 : i32
        %and3A_389 = vector.broadcast %and3A_388 : i32 to vector<16xi32>
        %and3A_390 = arith.andi %get3A_387, %and3A_389 : vector<16xi32>
        %swap3A_391 = arith.index_cast %sub3A_243 : i32 to index
        %swap3A_392 = arith.constant 112 : index
        %swap3A_393 = tpu.vector_load %arg7[%swap3A_391, %swap3A_392] {strides = array<i32>} : memref<2x128xi32, #tpu.memory_space<vmem>>, vector<1x16xi32>,
        %swap3A_394 = vector.shape_cast %swap3A_393 : vector<1x16xi32> to vector<16xi32>
        %swap3A_395 = vector.shape_cast %and3A_390 : vector<16xi32> to vector<1x16xi32>
        tpu.vector_store %arg7[%swap3A_391, %swap3A_392], %swap3A_395 {strides = array<i32>} : memref<2x128xi32, #tpu.memory_space<vmem>>, vector<1x16xi32>,
        %shift_right_logical3A_396 = arith.constant 16 : i32
        %shift_right_logical3A_397 = vector.broadcast %shift_right_logical3A_396 : i32 to vector<16xi32>
        %shift_right_logical3A_398 = arith.shrui %get3A_387, %shift_right_logical3A_397 : vector<16xi32>
        %swap3A_399 = arith.index_cast %sub3A_243 : i32 to index
        %swap3A_400 = arith.constant 112 : index
        %swap3A_401 = tpu.vector_load %arg8[%swap3A_399, %swap3A_400] {strides = array<i32>} : memref<2x128xi32, #tpu.memory_space<vmem>>, vector<1x16xi32>,
        %swap3A_402 = vector.shape_cast %swap3A_401 : vector<1x16xi32> to vector<16xi32>
        %swap3A_403 = vector.shape_cast %shift_right_logical3A_398 : vector<16xi32> to vector<1x16xi32>
        tpu.vector_store %arg8[%swap3A_399, %swap3A_400], %swap3A_403 {strides = array<i32>} : memref<2x128xi32, #tpu.memory_space<vmem>>, vector<1x16xi32>,
        %sub3A_404 = arith.constant 1 : i32
        %sub3A_405 = arith.subi %sub3A_404, %and3A_212 : i32
        %dma_start3A_406 = arith.constant 0 : i32
        %dma_start3A_407 = tpu.memref_slice %arg9[%sub3A_215, %dma_start3A_406] : memref<256x128xf32, #tpu.memory_space<vmem>> -> memref<128x128xf32, #tpu.memory_space<vmem>>
        %dma_start3A_408 = arith.constant 0 : i32
        %dma_start3A_409 = tpu.memref_slice %arg7[%sub3A_405, %dma_start3A_408] : memref<2x128xi32, #tpu.memory_space<vmem>> -> memref<1x128xi32, #tpu.memory_space<vmem>>
        %dma_start3A_410 = tpu.memref_squeeze %dma_start3A_409 : memref<1x128xi32, #tpu.memory_space<vmem>> -> memref<128xi32, #tpu.memory_space<vmem>>
        %dma_start3A_411 = arith.constant 0 : i32
        %dma_start3A_412 = arith.constant 0 : i32
        %dma_start3A_413 = tpu.memref_slice %arg2[%dma_start3A_411, %dma_start3A_412] : memref<10000x128xf32, #tpu.memory_space<hbm>> -> memref<10000x128xf32, #tpu.memory_space<hbm>>
        tpu.enqueue_indirect_dma source(%dma_start3A_413 : memref<10000x128xf32, #tpu.memory_space<hbm>>) target(%dma_start3A_407 : memref<128x128xf32, #tpu.memory_space<vmem>>) offsets(%dma_start3A_410 : memref<128xi32, #tpu.memory_space<vmem>>) semaphore(%arg10 : memref<!tpu.dma_semaphore, #tpu.memory_space<semaphore_mem>>)
      } else {
      }
      %dma_start3A_232 = arith.constant 0 : i32
      %dma_start3A_233 = tpu.memref_slice %arg9[%mul3A_214, %dma_start3A_232] : memref<256x128xf32, #tpu.memory_space<vmem>> -> memref<128x128xf32, #tpu.memory_space<vmem>>
      %dma_start3A_234 = arith.constant 0 : i32
      %dma_start3A_235 = tpu.memref_slice %arg8[%and3A_212, %dma_start3A_234] : memref<2x128xi32, #tpu.memory_space<vmem>> -> memref<1x128xi32, #tpu.memory_space<vmem>>
      %dma_start3A_236 = tpu.memref_squeeze %dma_start3A_235 : memref<1x128xi32, #tpu.memory_space<vmem>> -> memref<128xi32, #tpu.memory_space<vmem>>
      %dma_start3A_237 = arith.constant 0 : i32
      %dma_start3A_238 = arith.constant 0 : i32
      %dma_start3A_239 = tpu.memref_slice %arg12[%dma_start3A_237, %dma_start3A_238] : memref<10112x128xf32, #tpu.memory_space<vmem_shared>> -> memref<10112x128xf32, #tpu.memory_space<vmem_shared>>
      tpu.enqueue_indirect_dma source(%dma_start3A_233 : memref<128x128xf32, #tpu.memory_space<vmem>>) target(%dma_start3A_239 : memref<10112x128xf32, #tpu.memory_space<vmem_shared>>) offsets(%dma_start3A_236 : memref<128xi32, #tpu.memory_space<vmem>>) semaphore(%arg11 : memref<!tpu.dma_semaphore, #tpu.memory_space<semaphore_mem>>) {add = true}
    }
    %scan3A_195 = arith.constant 80 : i32
    %dma_wait3A = arith.constant 1 : i32
    %dma_wait3A_196 = arith.constant 128 : i32
    %dma_wait3A_197 = arith.constant 0 : i32
    %dma_wait3A_198 = tpu.memref_slice %arg9[%dma_wait3A_196, %dma_wait3A_197] : memref<256x128xf32, #tpu.memory_space<vmem>> -> memref<128x128xf32, #tpu.memory_space<vmem>>
    %dma_wait3A_199 = arith.constant 0 : i32
    %dma_wait3A_200 = tpu.memref_slice %arg8[%dma_wait3A, %dma_wait3A_199] : memref<2x128xi32, #tpu.memory_space<vmem>> -> memref<1x128xi32, #tpu.memory_space<vmem>>
    %dma_wait3A_201 = tpu.memref_squeeze %dma_wait3A_200 : memref<1x128xi32, #tpu.memory_space<vmem>> -> memref<128xi32, #tpu.memory_space<vmem>>
    %dma_wait3A_202 = arith.constant 0 : i32
    %dma_wait3A_203 = arith.constant 0 : i32
    %dma_wait3A_204 = tpu.memref_slice %arg12[%dma_wait3A_202, %dma_wait3A_203] : memref<10112x128xf32, #tpu.memory_space<vmem_shared>> -> memref<10112x128xf32, #tpu.memory_space<vmem_shared>>
    tpu.wait_indirect_dma semaphore(%arg11 : memref<!tpu.dma_semaphore, #tpu.memory_space<semaphore_mem>>) src(%dma_wait3A_198 : memref<128x128xf32, #tpu.memory_space<vmem>>) dst(%dma_wait3A_204 : memref<10112x128xf32, #tpu.memory_space<vmem_shared>>)
    %barrier3A_205 = arith.constant 0 : index
    tpu.barrier barrier_id(%barrier3A_205)
    "tpu.region"() ({
      %run_scoped3A = tpu.sem_alloc : memref<!tpu.dma_semaphore, #tpu.memory_space<semaphore_mem>>
      %dma_start3A_206 = arith.constant 0 : i32
      %dma_start3A_207 = tpu.memref_slice %arg5[%arg0, %mul3A_2, %dma_start3A_206] : memref<2x10112x128xf32, #tpu.memory_space<hbm>> -> memref<1x632x128xf32, #tpu.memory_space<hbm>>
      %dma_start3A_208 = tpu.memref_squeeze %dma_start3A_207 : memref<1x632x128xf32, #tpu.memory_space<hbm>> -> memref<632x128xf32, #tpu.memory_space<hbm>>
      %dma_start3A_209 = arith.constant 0 : i32
      %dma_start3A_210 = tpu.memref_slice %arg12[%mul3A_2, %dma_start3A_209] : memref<10112x128xf32, #tpu.memory_space<vmem_shared>> -> memref<632x128xf32, #tpu.memory_space<vmem_shared>>
      tpu.enqueue_dma source(%dma_start3A_210 : memref<632x128xf32, #tpu.memory_space<vmem_shared>>) target(%dma_start3A_208 : memref<632x128xf32, #tpu.memory_space<hbm>>) target_semaphore(%run_scoped3A : memref<!tpu.dma_semaphore, #tpu.memory_space<semaphore_mem>>)
      %dma_wait3A_211 = arith.constant 0 : i32
      %dma_wait3A_212 = tpu.memref_slice %arg5[%arg0, %mul3A_2, %dma_wait3A_211] : memref<2x10112x128xf32, #tpu.memory_space<hbm>> -> memref<1x632x128xf32, #tpu.memory_space<hbm>>
      %dma_wait3A_213 = tpu.memref_squeeze %dma_wait3A_212 : memref<1x632x128xf32, #tpu.memory_space<hbm>> -> memref<632x128xf32, #tpu.memory_space<hbm>>
      %dma_wait3A_214 = arith.constant 0 : i32
      %dma_wait3A_215 = tpu.memref_slice %arg12[%mul3A_2, %dma_wait3A_214] : memref<10112x128xf32, #tpu.memory_space<vmem_shared>> -> memref<632x128xf32, #tpu.memory_space<vmem_shared>>
      tpu.wait_dma2 semaphore(%run_scoped3A : memref<!tpu.dma_semaphore, #tpu.memory_space<semaphore_mem>>) src(%dma_wait3A_215 : memref<632x128xf32, #tpu.memory_space<vmem_shared>>) dst(%dma_wait3A_213 : memref<632x128xf32, #tpu.memory_space<hbm>>)
      tpu.yield
    }) : () -> ()
    return
  }
}

module attributes {stable_mosaic.version = 14 : i64} {
  func.func @body(%arg0: i32, %arg1: memref<1000x132xf32, #tpu.memory_space<vmem>>, %arg2: memref<132x128xf32, #tpu.memory_space<vmem>>, %arg3: memref<1x128xf32, #tpu.memory_space<vmem>>, %arg4: memref<1000x128xf32, #tpu.memory_space<vmem>>) attributes {dimension_semantics = [#tpu.dimension_semantics<arbitrary>], iteration_bounds = array<i64: 10>, scalar_prefetch = 0 : i64, scratch_operands = 0 : i64, tpu.core_type = #tpu.core_type<tc>, window_params = [{transform_indices = @transform_0, window_bounds = array<i64: 1000, 132>}, {pipeline_mode = #tpu.pipeline_mode<synchronous>, transform_indices = @transform_1, window_bounds = array<i64: 132, 128>}, {pipeline_mode = #tpu.pipeline_mode<synchronous>, transform_indices = @transform_2, window_bounds = array<i64: 1, 128>}, {transform_indices = @transform_3, window_bounds = array<i64: 1000, 128>}]} {
    %get3A = arith.constant 0 : index
    %get3A_0 = arith.constant 0 : index
    %get3A_1 = vector.load %arg1[%get3A, %get3A_0] : memref<1000x132xf32, #tpu.memory_space<vmem>>, vector<1000x132xf32>
    %get3A_2 = arith.constant 0 : index
    %get3A_3 = arith.constant 0 : index
    %get3A_4 = vector.load %arg2[%get3A_2, %get3A_3] : memref<132x128xf32, #tpu.memory_space<vmem>>, vector<132x128xf32>
    %dot_general3A = arith.constant dense<0.000000e+00> : vector<1000x128xf32>
    %dot_general3A_5 = tpu.matmul %get3A_1, %get3A_4, %dot_general3A {dimension_numbers = #tpu.dot_dimension_numbers<[1], [0], [0], [1], [0, 0, 1, 1], [], []>, transpose_lhs_hint = false} : vector<1000x132xf32>, vector<132x128xf32>, vector<1000x128xf32> -> vector<1000x128xf32>
    %get3A_6 = arith.constant 0 : index
    %get3A_7 = arith.constant 0 : index
    %get3A_8 = vector.load %arg3[%get3A_6, %get3A_7] : memref<1x128xf32, #tpu.memory_space<vmem>>, vector<1x128xf32>
    %add3A = vector.broadcast %get3A_8 : vector<1x128xf32> to vector<1000x128xf32>
    %add3A_9 = arith.addf %dot_general3A_5, %add3A : vector<1000x128xf32>
    %swap3A = arith.constant 0 : index
    %swap3A_10 = arith.constant 0 : index
    %swap3A_11 = vector.load %arg4[%swap3A, %swap3A_10] : memref<1000x128xf32, #tpu.memory_space<vmem>>, vector<1000x128xf32>
    tpu.vector_store %arg4[%swap3A, %swap3A_10], %add3A_9 {strides = array<i32>} : memref<1000x128xf32, #tpu.memory_space<vmem>>, vector<1000x128xf32>,
    return
  }
  func.func @transform_0(%arg0: i32) -> (i32, i32) {
    %c0_i32 = arith.constant 0 : i32
    %c0_i32_0 = arith.constant 0 : i32
    return %arg0, %c0_i32 : i32, i32
  }
  func.func @transform_1(%arg0: i32) -> (i32, i32) {
    %c0_i32 = arith.constant 0 : i32
    %c0_i32_0 = arith.constant 0 : i32
    %c0_i32_1 = arith.constant 0 : i32
    return %c0_i32, %c0_i32_0 : i32, i32
  }
  func.func @transform_2(%arg0: i32) -> (i32, i32) {
    %c0_i32 = arith.constant 0 : i32
    %c0_i32_0 = arith.constant 0 : i32
    %c0_i32_1 = arith.constant 0 : i32
    return %c0_i32, %c0_i32_0 : i32, i32
  }
  func.func @transform_3(%arg0: i32) -> (i32, i32) {
    %c0_i32 = arith.constant 0 : i32
    %c0_i32_0 = arith.constant 0 : i32
    return %arg0, %c0_i32 : i32, i32
  }
}

module attributes {stable_mosaic.version = 14 : i64} {
  func.func @body(%arg0: i32, %arg1: memref<2x1000x128xf32, #tpu.memory_space<vmem>>, %arg2: memref<1000x1xf32, #tpu.memory_space<vmem>>, %arg3: memref<1000x128xf32, #tpu.memory_space<vmem>>, %arg4: memref<128x128xf32, #tpu.memory_space<vmem>>, %arg5: memref<128x128xf32, #tpu.memory_space<vmem>>, %arg6: memref<1x128xf32, #tpu.memory_space<vmem>>, %arg7: memref<1000x128xf32, #tpu.memory_space<vmem>>) attributes {dimension_semantics = [#tpu.dimension_semantics<arbitrary>], iteration_bounds = array<i64: 10>, scalar_prefetch = 0 : i64, scratch_operands = 0 : i64, tpu.core_type = #tpu.core_type<tc>, window_params = [{transform_indices = @transform_0, window_bounds = array<i64: 2, 1000, 128>}, {transform_indices = @transform_1, window_bounds = array<i64: 1000, 1>}, {transform_indices = @transform_2, window_bounds = array<i64: 1000, 128>}, {pipeline_mode = #tpu.pipeline_mode<synchronous>, transform_indices = @transform_3, window_bounds = array<i64: 128, 128>}, {pipeline_mode = #tpu.pipeline_mode<synchronous>, transform_indices = @transform_4, window_bounds = array<i64: 128, 128>}, {pipeline_mode = #tpu.pipeline_mode<synchronous>, transform_indices = @transform_5, window_bounds = array<i64: 1, 128>}, {transform_indices = @transform_6, window_bounds = array<i64: 1000, 128>}]} {
    %get3A = arith.constant 0 : index
    %get3A_0 = arith.constant 0 : index
    %get3A_1 = arith.constant 0 : index
    %get3A_2 = vector.load %arg1[%get3A, %get3A_0, %get3A_1] : memref<2x1000x128xf32, #tpu.memory_space<vmem>>, vector<1x1000x128xf32>
    %get3A_3 = vector.shape_cast %get3A_2 : vector<1x1000x128xf32> to vector<1000x128xf32>
    %get3A_4 = arith.constant 1 : index
    %get3A_5 = arith.constant 0 : index
    %get3A_6 = arith.constant 0 : index
    %get3A_7 = vector.load %arg1[%get3A_4, %get3A_5, %get3A_6] : memref<2x1000x128xf32, #tpu.memory_space<vmem>>, vector<1x1000x128xf32>
    %get3A_8 = vector.shape_cast %get3A_7 : vector<1x1000x128xf32> to vector<1000x128xf32>
    %add3A = arith.addf %get3A_3, %get3A_8 : vector<1000x128xf32>
    %get3A_9 = arith.constant 0 : index
    %get3A_10 = arith.constant 0 : index
    %get3A_11 = vector.load %arg2[%get3A_9, %get3A_10] : memref<1000x1xf32, #tpu.memory_space<vmem>>, vector<1000x1xf32>
    %max3A = arith.constant 1.000000e+00 : f32
    %max3A_12 = vector.broadcast %max3A : f32 to vector<1000x1xf32>
    %max3A_13 = arith.maximumf %get3A_11, %max3A_12 : vector<1000x1xf32>
    %div3A = vector.broadcast %max3A_13 : vector<1000x1xf32> to vector<1000x128xf32>
    %div3A_14 = arith.divf %add3A, %div3A : vector<1000x128xf32>
    %get3A_15 = arith.constant 0 : index
    %get3A_16 = arith.constant 0 : index
    %get3A_17 = vector.load %arg4[%get3A_15, %get3A_16] : memref<128x128xf32, #tpu.memory_space<vmem>>, vector<128x128xf32>
    %dot_general3A = arith.constant dense<0.000000e+00> : vector<1000x128xf32>
    %dot_general3A_18 = tpu.matmul %div3A_14, %get3A_17, %dot_general3A {dimension_numbers = #tpu.dot_dimension_numbers<[1], [0], [0], [1], [0, 0, 1, 1], [], []>, transpose_lhs_hint = false} : vector<1000x128xf32>, vector<128x128xf32>, vector<1000x128xf32> -> vector<1000x128xf32>
    %get3A_19 = arith.constant 0 : index
    %get3A_20 = arith.constant 0 : index
    %get3A_21 = vector.load %arg3[%get3A_19, %get3A_20] : memref<1000x128xf32, #tpu.memory_space<vmem>>, vector<1000x128xf32>
    %get3A_22 = arith.constant 0 : index
    %get3A_23 = arith.constant 0 : index
    %get3A_24 = vector.load %arg5[%get3A_22, %get3A_23] : memref<128x128xf32, #tpu.memory_space<vmem>>, vector<128x128xf32>
    %dot_general3A_25 = arith.constant dense<0.000000e+00> : vector<1000x128xf32>
    %dot_general3A_26 = tpu.matmul %get3A_21, %get3A_24, %dot_general3A_25 {dimension_numbers = #tpu.dot_dimension_numbers<[1], [0], [0], [1], [0, 0, 1, 1], [], []>, transpose_lhs_hint = false} : vector<1000x128xf32>, vector<128x128xf32>, vector<1000x128xf32> -> vector<1000x128xf32>
    %add3A_27 = arith.addf %dot_general3A_18, %dot_general3A_26 : vector<1000x128xf32>
    %get3A_28 = arith.constant 0 : index
    %get3A_29 = arith.constant 0 : index
    %get3A_30 = vector.load %arg6[%get3A_28, %get3A_29] : memref<1x128xf32, #tpu.memory_space<vmem>>, vector<1x128xf32>
    %add3A_31 = vector.broadcast %get3A_30 : vector<1x128xf32> to vector<1000x128xf32>
    %add3A_32 = arith.addf %add3A_27, %add3A_31 : vector<1000x128xf32>
    %max3A_33 = arith.constant 0.000000e+00 : f32
    %max3A_34 = vector.broadcast %max3A_33 : f32 to vector<1000x128xf32>
    %max3A_35 = arith.maximumf %add3A_32, %max3A_34 : vector<1000x128xf32>
    %swap3A = arith.constant 0 : index
    %swap3A_36 = arith.constant 0 : index
    %swap3A_37 = vector.load %arg7[%swap3A, %swap3A_36] : memref<1000x128xf32, #tpu.memory_space<vmem>>, vector<1000x128xf32>
    tpu.vector_store %arg7[%swap3A, %swap3A_36], %max3A_35 {strides = array<i32>} : memref<1000x128xf32, #tpu.memory_space<vmem>>, vector<1000x128xf32>,
    return
  }
  func.func @transform_0(%arg0: i32) -> (i32, i32, i32) {
    %c0_i32 = arith.constant 0 : i32
    %c0_i32_0 = arith.constant 0 : i32
    %c0_i32_1 = arith.constant 0 : i32
    return %c0_i32, %arg0, %c0_i32_0 : i32, i32, i32
  }
  func.func @transform_1(%arg0: i32) -> (i32, i32) {
    %c0_i32 = arith.constant 0 : i32
    %c0_i32_0 = arith.constant 0 : i32
    return %arg0, %c0_i32 : i32, i32
  }
  func.func @transform_2(%arg0: i32) -> (i32, i32) {
    %c0_i32 = arith.constant 0 : i32
    %c0_i32_0 = arith.constant 0 : i32
    return %arg0, %c0_i32 : i32, i32
  }
  func.func @transform_3(%arg0: i32) -> (i32, i32) {
    %c0_i32 = arith.constant 0 : i32
    %c0_i32_0 = arith.constant 0 : i32
    %c0_i32_1 = arith.constant 0 : i32
    return %c0_i32, %c0_i32_0 : i32, i32
  }
  func.func @transform_4(%arg0: i32) -> (i32, i32) {
    %c0_i32 = arith.constant 0 : i32
    %c0_i32_0 = arith.constant 0 : i32
    %c0_i32_1 = arith.constant 0 : i32
    return %c0_i32, %c0_i32_0 : i32, i32
  }
  func.func @transform_5(%arg0: i32) -> (i32, i32) {
    %c0_i32 = arith.constant 0 : i32
    %c0_i32_0 = arith.constant 0 : i32
    %c0_i32_1 = arith.constant 0 : i32
    return %c0_i32, %c0_i32_0 : i32, i32
  }
  func.func @transform_6(%arg0: i32) -> (i32, i32) {
    %c0_i32 = arith.constant 0 : i32
    %c0_i32_0 = arith.constant 0 : i32
    return %arg0, %c0_i32 : i32, i32
  }
}

module attributes {stable_mosaic.version = 14 : i64} {
  func.func @body(%arg0: i32, %arg1: memref<2x1000x128xf32, #tpu.memory_space<vmem>>, %arg2: memref<1000x1xf32, #tpu.memory_space<vmem>>, %arg3: memref<1000x128xf32, #tpu.memory_space<vmem>>, %arg4: memref<128x128xf32, #tpu.memory_space<vmem>>, %arg5: memref<128x128xf32, #tpu.memory_space<vmem>>, %arg6: memref<1x128xf32, #tpu.memory_space<vmem>>, %arg7: memref<1000x128xf32, #tpu.memory_space<vmem>>) attributes {dimension_semantics = [#tpu.dimension_semantics<arbitrary>], iteration_bounds = array<i64: 10>, scalar_prefetch = 0 : i64, scratch_operands = 0 : i64, tpu.core_type = #tpu.core_type<tc>, window_params = [{transform_indices = @transform_0, window_bounds = array<i64: 2, 1000, 128>}, {transform_indices = @transform_1, window_bounds = array<i64: 1000, 1>}, {transform_indices = @transform_2, window_bounds = array<i64: 1000, 128>}, {pipeline_mode = #tpu.pipeline_mode<synchronous>, transform_indices = @transform_3, window_bounds = array<i64: 128, 128>}, {pipeline_mode = #tpu.pipeline_mode<synchronous>, transform_indices = @transform_4, window_bounds = array<i64: 128, 128>}, {pipeline_mode = #tpu.pipeline_mode<synchronous>, transform_indices = @transform_5, window_bounds = array<i64: 1, 128>}, {transform_indices = @transform_6, window_bounds = array<i64: 1000, 128>}]} {
    %get3A = arith.constant 0 : index
    %get3A_0 = arith.constant 0 : index
    %get3A_1 = arith.constant 0 : index
    %get3A_2 = vector.load %arg1[%get3A, %get3A_0, %get3A_1] : memref<2x1000x128xf32, #tpu.memory_space<vmem>>, vector<1x1000x128xf32>
    %get3A_3 = vector.shape_cast %get3A_2 : vector<1x1000x128xf32> to vector<1000x128xf32>
    %get3A_4 = arith.constant 1 : index
    %get3A_5 = arith.constant 0 : index
    %get3A_6 = arith.constant 0 : index
    %get3A_7 = vector.load %arg1[%get3A_4, %get3A_5, %get3A_6] : memref<2x1000x128xf32, #tpu.memory_space<vmem>>, vector<1x1000x128xf32>
    %get3A_8 = vector.shape_cast %get3A_7 : vector<1x1000x128xf32> to vector<1000x128xf32>
    %add3A = arith.addf %get3A_3, %get3A_8 : vector<1000x128xf32>
    %get3A_9 = arith.constant 0 : index
    %get3A_10 = arith.constant 0 : index
    %get3A_11 = vector.load %arg2[%get3A_9, %get3A_10] : memref<1000x1xf32, #tpu.memory_space<vmem>>, vector<1000x1xf32>
    %max3A = arith.constant 1.000000e+00 : f32
    %max3A_12 = vector.broadcast %max3A : f32 to vector<1000x1xf32>
    %max3A_13 = arith.maximumf %get3A_11, %max3A_12 : vector<1000x1xf32>
    %div3A = vector.broadcast %max3A_13 : vector<1000x1xf32> to vector<1000x128xf32>
    %div3A_14 = arith.divf %add3A, %div3A : vector<1000x128xf32>
    %get3A_15 = arith.constant 0 : index
    %get3A_16 = arith.constant 0 : index
    %get3A_17 = vector.load %arg4[%get3A_15, %get3A_16] : memref<128x128xf32, #tpu.memory_space<vmem>>, vector<128x128xf32>
    %dot_general3A = arith.constant dense<0.000000e+00> : vector<1000x128xf32>
    %dot_general3A_18 = tpu.matmul %div3A_14, %get3A_17, %dot_general3A {dimension_numbers = #tpu.dot_dimension_numbers<[1], [0], [0], [1], [0, 0, 1, 1], [], []>, transpose_lhs_hint = false} : vector<1000x128xf32>, vector<128x128xf32>, vector<1000x128xf32> -> vector<1000x128xf32>
    %get3A_19 = arith.constant 0 : index
    %get3A_20 = arith.constant 0 : index
    %get3A_21 = vector.load %arg3[%get3A_19, %get3A_20] : memref<1000x128xf32, #tpu.memory_space<vmem>>, vector<1000x128xf32>
    %get3A_22 = arith.constant 0 : index
    %get3A_23 = arith.constant 0 : index
    %get3A_24 = vector.load %arg5[%get3A_22, %get3A_23] : memref<128x128xf32, #tpu.memory_space<vmem>>, vector<128x128xf32>
    %dot_general3A_25 = arith.constant dense<0.000000e+00> : vector<1000x128xf32>
    %dot_general3A_26 = tpu.matmul %get3A_21, %get3A_24, %dot_general3A_25 {dimension_numbers = #tpu.dot_dimension_numbers<[1], [0], [0], [1], [0, 0, 1, 1], [], []>, transpose_lhs_hint = false} : vector<1000x128xf32>, vector<128x128xf32>, vector<1000x128xf32> -> vector<1000x128xf32>
    %add3A_27 = arith.addf %dot_general3A_18, %dot_general3A_26 : vector<1000x128xf32>
    %get3A_28 = arith.constant 0 : index
    %get3A_29 = arith.constant 0 : index
    %get3A_30 = vector.load %arg6[%get3A_28, %get3A_29] : memref<1x128xf32, #tpu.memory_space<vmem>>, vector<1x128xf32>
    %add3A_31 = vector.broadcast %get3A_30 : vector<1x128xf32> to vector<1000x128xf32>
    %add3A_32 = arith.addf %add3A_27, %add3A_31 : vector<1000x128xf32>
    %swap3A = arith.constant 0 : index
    %swap3A_33 = arith.constant 0 : index
    %swap3A_34 = vector.load %arg7[%swap3A, %swap3A_33] : memref<1000x128xf32, #tpu.memory_space<vmem>>, vector<1000x128xf32>
    tpu.vector_store %arg7[%swap3A, %swap3A_33], %add3A_32 {strides = array<i32>} : memref<1000x128xf32, #tpu.memory_space<vmem>>, vector<1000x128xf32>,
    return
  }
  func.func @transform_0(%arg0: i32) -> (i32, i32, i32) {
    %c0_i32 = arith.constant 0 : i32
    %c0_i32_0 = arith.constant 0 : i32
    %c0_i32_1 = arith.constant 0 : i32
    return %c0_i32, %arg0, %c0_i32_0 : i32, i32, i32
  }
  func.func @transform_1(%arg0: i32) -> (i32, i32) {
    %c0_i32 = arith.constant 0 : i32
    %c0_i32_0 = arith.constant 0 : i32
    return %arg0, %c0_i32 : i32, i32
  }
  func.func @transform_2(%arg0: i32) -> (i32, i32) {
    %c0_i32 = arith.constant 0 : i32
    %c0_i32_0 = arith.constant 0 : i32
    return %arg0, %c0_i32 : i32, i32
  }
  func.func @transform_3(%arg0: i32) -> (i32, i32) {
    %c0_i32 = arith.constant 0 : i32
    %c0_i32_0 = arith.constant 0 : i32
    %c0_i32_1 = arith.constant 0 : i32
    return %c0_i32, %c0_i32_0 : i32, i32
  }
  func.func @transform_4(%arg0: i32) -> (i32, i32) {
    %c0_i32 = arith.constant 0 : i32
    %c0_i32_0 = arith.constant 0 : i32
    %c0_i32_1 = arith.constant 0 : i32
    return %c0_i32, %c0_i32_0 : i32, i32
  }
  func.func @transform_5(%arg0: i32) -> (i32, i32) {
    %c0_i32 = arith.constant 0 : i32
    %c0_i32_0 = arith.constant 0 : i32
    %c0_i32_1 = arith.constant 0 : i32
    return %c0_i32, %c0_i32_0 : i32, i32
  }
  func.func @transform_6(%arg0: i32) -> (i32, i32) {
    %c0_i32 = arith.constant 0 : i32
    %c0_i32_0 = arith.constant 0 : i32
    return %arg0, %c0_i32 : i32, i32
  }
}

module attributes {stable_mosaic.version = 14 : i64} {
  func.func @body(%arg0: i32, %arg1: memref<4096x128xf32, #tpu.memory_space<vmem>>, %arg2: memref<4096x128xf32, #tpu.memory_space<vmem>>, %arg3: memref<4096x1xf32, #tpu.memory_space<vmem>>) attributes {dimension_semantics = [#tpu.dimension_semantics<arbitrary>], iteration_bounds = array<i64: 49>, scalar_prefetch = 0 : i64, scratch_operands = 0 : i64, tpu.core_type = #tpu.core_type<tc>, window_params = [{transform_indices = @transform_0, window_bounds = array<i64: 4096, 128>}, {transform_indices = @transform_1, window_bounds = array<i64: 4096, 128>}, {transform_indices = @transform_2, window_bounds = array<i64: 4096, 1>}]} {
    %get3A = arith.constant 0 : index
    %get3A_0 = arith.constant 0 : index
    %get3A_1 = vector.load %arg1[%get3A, %get3A_0] : memref<4096x128xf32, #tpu.memory_space<vmem>>, vector<4096x128xf32>
    %get3A_2 = arith.constant 0 : index
    %get3A_3 = arith.constant 0 : index
    %get3A_4 = vector.load %arg2[%get3A_2, %get3A_3] : memref<4096x128xf32, #tpu.memory_space<vmem>>, vector<4096x128xf32>
    %mul3A = arith.mulf %get3A_1, %get3A_4 : vector<4096x128xf32>
    %reduce_sum3A = arith.constant dense<0.000000e+00> : vector<4096xf32>
    %reduce_sum3A_5 = vector.multi_reduction <add>, %mul3A, %reduce_sum3A [1] : vector<4096x128xf32> to vector<4096xf32>
    %broadcast_in_dim3A = vector.shape_cast %reduce_sum3A_5 : vector<4096xf32> to vector<4096x1xf32>
    %swap3A = arith.constant 0 : index
    %swap3A_6 = arith.constant 0 : index
    %swap3A_7 = vector.load %arg3[%swap3A, %swap3A_6] : memref<4096x1xf32, #tpu.memory_space<vmem>>, vector<4096x1xf32>
    tpu.vector_store %arg3[%swap3A, %swap3A_6], %broadcast_in_dim3A {strides = array<i32>} : memref<4096x1xf32, #tpu.memory_space<vmem>>, vector<4096x1xf32>,
    return
  }
  func.func @transform_0(%arg0: i32) -> (i32, i32) {
    %c0_i32 = arith.constant 0 : i32
    %c0_i32_0 = arith.constant 0 : i32
    return %arg0, %c0_i32 : i32, i32
  }
  func.func @transform_1(%arg0: i32) -> (i32, i32) {
    %c0_i32 = arith.constant 0 : i32
    %c0_i32_0 = arith.constant 0 : i32
    return %arg0, %c0_i32 : i32, i32
  }
  func.func @transform_2(%arg0: i32) -> (i32, i32) {
    %c0_i32 = arith.constant 0 : i32
    %c0_i32_0 = arith.constant 0 : i32
    return %arg0, %c0_i32 : i32, i32
  }
}

</mosaic_0001>

<sc_bundles>
// kernel: kernel.12.cloned.1.call-start
scs
__scs_entry_jumppad:
0x0: {  	(pc) =	sbr.rel $0x88, $3  }
0x1: {  	(tag) =	ssettag $0x0;
	lr =	simm.s32 $0x1  }
0x2: {  	[smem:$0x3F96] =	sst lr;
	_ =	strace $0xD0000000  }
0x3: {  	_ = 	snop  }
0x4: {  	_ = 	snop  }
0x5: {  	_ = 	snop  }
0x6: {  	_ = 	snop  }
0x7: {  	_ = 	snop  }
__scs_overlays_trampoline_lowered:
0x8: {  	[smem:$0x3FA5] =	sst s0  }
0x9: {  	[smem:$0x3FA6] =	sst s1  }
0xa: {  	[smem:$0x3FA7] =	sst s2  }
0xb: {  	[smem:$0x3FA8] =	sst s3  }
0xc: {  	[smem:$0x3FA9] =	sst s4  }
0xd: {  	[smem:$0x3FAA] =	sst s5  }
0xe: {  	[smem:$0x3FAB] =	sst s6  }
0xf: {  	[smem:$0x3FAC] =	sst s7  }
0x10: {  	[smem:$0x3FAD] =	sst s8  }
0x11: {  	[smem:$0x3FAE] =	sst s9;
	s0 =	simm.s32 @!p0 $0x0  }
0x12: {  	s1 =	sld [smem:$0x3F94];
	s0 =	simm.s32 @p0 $0x1  }
0x13: {  	[smem:$0x3FAF] =	sst s0;
	s0 =	simm.s32 @!p1 $0x0  }
0x14: {  	s2 =	sld [smem:$0x3F93];
	s0 =	simm.s32 @p1 $0x1  }
0x15: {  	[smem:$0x3FB0] =	sst s0;
	s0 =	simm.s32 @!p2 $0x0  }
0x16: {  	s3 =	sld [smem:$0x3FDB];
	s0 =	simm.s32 @p2 $0x1  }
0x17: {  	s4 =	simm.s32 $0x1BF5;
	[smem:$0x3FB2] =	sst s0  }
0x18: {  	s0 =	sld [smem:$0x3F95];
	_ =	swait.ge [sflag:s4], $0x0  }
0x19: {  	s7 =	sld [smem:$0x3F96]  }
0x1a: {  	s8 =	sadd.s32 $0xFFFFE003, lr  }
0x1b: {  	s9 =	sadd.s32 $0xFFFFFEF7, lr;
	s5 =	simm.s32 $0xFFFFFFFF;
	p2 =	slt.u32 s8, $0xFFFFF086  }
0x1c: {  	p1 =	slt.u32 s9, $0xF7A;
	s5 =	simm.s32 @!p2 $0x0  }
0x1d: {  	s5 =	simm.s32 @p1 $0x1;
	p0 =	seq.s32 s7, s2  }
0x1e: {  	s7 =	smul.u32 @!p0 $0xF7A, s2;
	p2 =	seq.s32 @!p0 s5, $0x0  }
0x1f: {  	s9 =	smul.u32 $0xF7A, s1;
	s8 =	simm.s32 @!p0 $0x1BF5;
	p2 =	por !p2, p0  }
0x20: {  	[sflag:s8] =	ssyncset.s32 @!p0 $0xFFFFF086;
	s6 =	sadd.s32 @!p0 s3, s7;
	s7 =	simm.s32 @!p0 $0x108  }
0x21: {  	s3 =	sadd.s32 s3, s9;
	s6 =	sadd.s32 @!p0 $0x88, s6;
	s7 =	simm.s32 @p2 $0x1082  }
0x22: {  	[simem:s7], [sflag:s8] =	dma.local @!p0 [hbm:s6], $0xF7A  }
0x23: {  	s9 =	sor.u32 $0xD0000000, s2;
	s6 =	simm.s32 $0x108;
	_ =	swait.ge @!p0 [sflag:s8], $0x0  }
0x24: {  	s3 =	sadd.s32 $0x88, s3;
	s6 =	simm.s32 @!p1 $0x1082;
	[sflag:s4] =	ssyncset.s32 $0xFFFFF086  }
0x25: {  	[simem:s6], [sflag:s4] =	dma.local [hbm:s3], $0xF7A  }
0x26: {  	[smem:$0x3F96] =	sst s1;
	(tag) =	ssettag s2;
	_ =	strace s9  }
0x27: {  	s1 =	sld [smem:$0x3FA6]  }
0x28: {  	s2 =	sld [smem:$0x3FA7]  }
0x29: {  	s4 =	sld [smem:$0x3FA9]  }
0x2a: {  	p0 =	seq.s32 s5, $0x0;
	s5 =	sld [smem:$0x3FAA]  }
0x2b: {  	s6 =	sld [smem:$0x3FAB]  }
0x2c: {  	s7 =	sld [smem:$0x3FAC]  }
0x2d: {  	s3 =	simm.s32 $0x108;
	s8 =	sld [smem:$0x3FAD]  }
0x2e: {  	s3 =	simm.s32 @!p0 $0x1082;
	s9 =	sld [smem:$0x3FAE]  }
0x2f: {  	lr =	sadd.s32 s0, s3;
	s0 =	sld [smem:$0x3FA5]  }
0x30: {  	s3 =	sld [smem:$0x3FA8]  }
0x31: {  	[smem:$0x3FB1] =	sst s10  }
0x32: {  	s10 =	sld [smem:$0x3FAF];
	_ =	sdelay $0x3  }
0x33: {  	p0 =	seq.s32 s10, $0x1;
	s10 =	sld [smem:$0x3FB1];
	_ =	sdelay $0x3  }
0x34: {  	[smem:$0x3FB1] =	sst s10  }
0x35: {  	s10 =	sld [smem:$0x3FB0];
	_ =	sdelay $0x3  }
0x36: {  	p1 =	seq.s32 s10, $0x1;
	s10 =	sld [smem:$0x3FB1];
	_ =	sdelay $0x3  }
0x37: {  	[smem:$0x3FB1] =	sst s10  }
0x38: {  	s10 =	sld [smem:$0x3FB2]  }
0x39: {  	_ = 	snop;
	(pc) =	sbr.ind lr, $3  }
0x3a: {  	_ = 	snop  }
0x3b: {  	_ = 	snop  }
0x3c: {  	p2 =	seq.s32 s10, $0x1;
	s10 =	sld [smem:$0x3FB1]  }
0x3d: {  	_ =	shalt  }
0x3e: {  	_ =	shalt  }
0x3f: {  	_ =	shalt  }
0x40: {  	_ =	shalt  }
0x41: {  	_ =	shalt  }
0x42: {  	_ =	shalt  }
0x43: {  	_ =	shalt  }
0x44: {  	_ =	shalt  }
0x45: {  	_ =	shalt  }
0x46: {  	_ =	shalt  }
0x47: {  	_ =	shalt  }
0x48: {  	_ =	shalt  }
0x49: {  	_ =	shalt  }
0x4a: {  	_ =	shalt  }
0x4b: {  	_ =	shalt  }
0x4c: {  	_ =	shalt  }
0x4d: {  	_ =	shalt  }
0x4e: {  	_ =	shalt  }
0x4f: {  	_ =	shalt  }
0x50: {  	_ =	shalt  }
0x51: {  	_ =	shalt  }
0x52: {  	_ =	shalt  }
0x53: {  	_ =	shalt  }
0x54: {  	_ =	shalt  }
0x55: {  	_ =	shalt  }
0x56: {  	_ =	shalt  }
0x57: {  	_ =	shalt  }
0x58: {  	_ =	shalt  }
0x59: {  	_ =	shalt  }
0x5a: {  	_ =	shalt  }
0x5b: {  	_ =	shalt  }
0x5c: {  	_ =	shalt  }
0x5d: {  	_ =	shalt  }
0x5e: {  	_ =	shalt  }
0x5f: {  	_ =	shalt  }
0x60: {  	_ =	shalt  }
0x61: {  	_ =	shalt  }
0x62: {  	_ =	shalt  }
0x63: {  	_ =	shalt  }
0x64: {  	_ =	shalt  }
0x65: {  	_ =	shalt  }
0x66: {  	_ =	shalt  }
0x67: {  	_ =	shalt  }
0x68: {  	_ =	shalt  }
0x69: {  	_ =	shalt  }
0x6a: {  	_ =	shalt  }
0x6b: {  	_ =	shalt  }
0x6c: {  	_ =	shalt  }
0x6d: {  	_ =	shalt  }
0x6e: {  	_ =	shalt  }
0x6f: {  	_ =	shalt  }
0x70: {  	_ =	shalt  }
0x71: {  	_ =	shalt  }
0x72: {  	_ =	shalt  }
0x73: {  	_ =	shalt  }
0x74: {  	_ =	shalt  }
0x75: {  	_ =	shalt  }
0x76: {  	_ =	shalt  }
0x77: {  	_ =	shalt  }
0x78: {  	_ =	shalt  }
0x79: {  	_ =	shalt  }
0x7a: {  	_ =	shalt  }
0x7b: {  	_ =	shalt  }
0x7c: {  	_ =	shalt  }
0x7d: {  	_ =	shalt  }
0x7e: {  	_ =	shalt  }
0x7f: {  	_ =	shalt  }
0x80: {  	_ =	shalt  }
0x81: {  	_ =	shalt  }
0x82: {  	_ =	shalt  }
0x83: {  	_ =	shalt  }
0x84: {  	_ =	shalt  }
0x85: {  	_ =	shalt  }
0x86: {  	_ =	shalt  }
0x87: {  	_ =	shalt  }
.Lfunc_end0:
.L_simem_size_0:
called_computation.1_lowered:
.L_overlay_start_0:
0x88: {  	s2 =	sld [smem:$0x3FD9]  }
0x89: {  	s3 =	sld [smem:$0x3FFE];
	_ =	sdelay $0x1  }
0x8a: {  	s1 =	srdreg.scid  }
0x8b: {  	s0 =	sand.u32 $0x1, s1  }
0x8c: {  	s16 =	sshll.u32 s0, $0xA;
	s2 =	sadd.s32 s3, s2  }
0x8d: {  	s2 =	sadd.s32 s2, s16  }
0x8e: {  	[smem:$0x3FBD] =	sst s2  }
0x8f: {  	_ = 	snop  }
0x90: {  	(tm) =	ssettm $0x1  }
0x91: {  	s17 =	sld [smem:$0x3FFB];
	_ =	sdelay $0x3  }
0x92: {  	_ =	strace s17  }
0x93: {  	s2 =	sld [smem:$0x3FFC];
	_ =	sdelay $0x3  }
0x94: {  	_ =	strace s2  }
0x95: {  	s2 =	sld [smem:$0x3FFD];
	_ =	sdelay $0x3  }
0x96: {  	_ =	strace s2  }
0x97: {  	_ =	strace $0x8FFFFFFF  }
0x98: {  	s18 =	sld [smem:$0x3FDB];
	_ =	sdelay $0x1  }
0x99: {  	s19 =	simm.s32 $_scs_section_size  }
0x9a: {  	s4 =	simm.s32 $_size__tile_overlayer_lowered;
	s5 =	simm.s32 $_tile_overlayer_lowered  }
0x9b: {  	s22 =	simm.s32 $0x1BFF;
	s21 =	sshll.u32 s5, $0x1;
	s2 =	sadd.s32 s19, s18  }
0x9c: {  	s6 =	simm.s32 $0x0;
	s20 =	sshll.u32 s4, $0x1;
	s4 =	sadd.s32 s21, s2  }
0x9d: {  	[timem:s6], [sflag:s22] =	dma.local [hbm:s4], s20  }
0x9e: {  	_ =	swait.ge [sflag:s22], s20  }
0x9f: {  	s3 =	ssub.s32 $0x0, s20;
	[sflag:s22] =	ssyncset.done $0x0  }
0xa0: {  	[sflag:s22] =	ssyncadd.s32 s3;
	_ =	sdelay $0x1  }
0xa1: {  	s23 =	simm.s32 $0x1B8B  }
0xa2: {  	_ =	swait.ge [sflag:s23], $0x1  }
0xa3: {  	[sflag:s23] =	ssyncset.done $0x0  }
0xa4: {  	s25 =	simm.s32 $0x1B8E;
	s24 =	sld [smem:$0x3FFE];
	[sflag:s23] =	ssyncadd.s32 $0xFFFFFFFF  }
0xa5: {  	s26 =	simm.s32 $execute0_lowered;
	[smem:$0x3FD2] =	sst s25  }
0xa6: {  	s4 =	sshll.u32 s26, $0x1;
	_ =	strace $0x80000049;
	[dreg:$0x1] =	wrdreg $0xFFFFFFFF  }
0xa7: {  	s28 =	simm.s32 $_size_execute0_lowered;
	s2 =	sadd.s32 s2, s4;
	[dreg:$0x0] =	wrdreg $0x0  }
0xa8: {  	s4 =	sshll.u32 s28, $0x1;
	[dreg:$0x2] =	wrdreg s2  }
0xa9: {  	[dreg:$0x3] =	wrdreg s4  }
0xaa: {  	[dreg:$0x4] =	wrdreg $0xC0  }
0xab: {  	_ =	task [dreg:s6], $0x5FFFF  }
0xac: {  	[dreg:$0x1] =	wrdreg $0xFFFFFFFF  }
0xad: {  	[dreg:$0x0] =	wrdreg $0x60  }
0xae: {  	[dreg:$0x2] =	wrdreg s24  }
0xaf: {  	[dreg:$0x3] =	wrdreg $0xAA000  }
0xb0: {  	[dreg:$0x4] =	wrdreg $0x9  }
0xb1: {  	_ =	task.clear_ibuf [dreg:s6], $0x5FFFF;
	_ =	strace $0x90000049  }
0xb2: {  	s29 =	simm.s32 $0x9;
	_ =	strace $0x8000004B  }
0xb3: {  	_ =	swait.ge [sflag:s29], $0x1  }
0xb4: {  	[sflag:s29] =	ssyncadd.s32 $0xFFFFFFFF  }
0xb5: {  	_ =	strace $0x9000004B  }
0xb6: {  	_ =	sfence  }
0xb7: {  	s30 =	sld [smem:$0x0];
	_ =	sdelay $0x2  }
0xb8: {  	s31 =	sshll.u32 s1, $0xD;
	s1 =	sshrl.u32 s1, $0x2  }
0xb9: {  	s3 =	sand.u32 $0x4000, s31;
	s1 =	sadd.s32 s1, s30  }
0xba: {  	s0 =	sor.u32 s3, s0;
	s1 =	sshll.u32 s1, $0x11  }
0xbb: {  	s0 =	sor.u32 s1, s0  }
0xbc: {  	s0 =	sadd.s32 $0x8F2B, s0  }
0xbd: {  	[sflag:s0] =	ssyncadd.remote.s32 $0x1  }
0xbe: {  	_ =	sfence.sel $0xFFFF  }
0xbf: {  	[dreg:$0x0] =	wrdreg $0xFFFFFFFF;
	(pc) =	sbr.abs _section_cstart, $3  }
0xc0: {  	[dreg:$0x1] =	wrdreg $0xFFFFFFFF  }
0xc1: {  	_ =	task.clear_ibuf [dreg:s6], $0x2FFFF;
	_ =	strace $0x9FFFFFFF  }
0xc2: {  	(tm) =	ssettm $0x7FFFFFFF  }
0xc3: {  	_ =	shalt  }
tec
execute0_lowered:
.L_overlay_start_1:
0x0: {  	(tag) =	ssettag $0x1  }
0x1: {  	s6 =	rddreg [dreg:$0x0]  }
0x2: {  	s0 =	srdreg.scid;
	s2 =	rddreg [dreg:$0x1];
	s3 =	simm.s32 $0x0  }
0x3: {  	s13 =	simm.s32 $0x2800;
	s14 =	simm.s32 $0x2A00;
	s15 =	simm.s32 $0x1  }
0x4: {  	s16 =	simm.s32 $0x2980;
	s5 =	sand.u32 $0x1, s0;
	s0 =	stileid.u32  }
0x5: {  	s17 =	simm.s32 $0x2;
	s18 =	simm.s32 $0x0;
	s8 =	smul.u32 $0x13C00, s0  }
0x6: {  	[smem:$0x7FF] =	sst s3;
	s4 =	sadd.s32 $0xB200, s6;
	s9 =	smul.u32 $0x13C000, s5  }
0x7: {  	s1 =	sshll.u32 s5, $0x4;
	s5 =	ssub.s32 $0x2, s5;
	s28 =	smul.u32 $0x4F000, s0  }
0x8: {  	s31 =	sshll.u32 s0, $0x6;
	s1 =	sor.u32 s0, s1;
	s29 =	sshrl.u32 s5, $0x1  }
0x9: {  	s7 =	smul.u32 $0x500, s1;
	s1 =	rddreg [dreg:$0x2];
	_ =	strace $0x8000004A  }
0xa: {  	s10 =	sshrl.u32 s8, $0x3;
	s8 =	sadd.s32 s8, s9;
	s11 =	ssub.s32 s5, s29  }
.Ltmp0:
0xb: {  	s30 =	sshrl.u32 s28, $0x2;
	s8 =	sshrl.u32 s8, $0x3;
	(pc) =	sbr.rel .LBB2_1-.Ltmp0, $4  }
0xc: {  	s10 =	sadd.s32 s10, s6;
	s12 =	sadd.s32 s30, s2;
	s9 =	smax.u32 s11, $0x1  }
0xd: {  	s11 =	simm.s32 $0x3;
	s7 =	sadd.s32 s7, s6;
	s8 =	sadd.s32 s8, s6  }
0xe: {  	s5 =	sadd.s32 $0x32400, s10;
	s6 =	sor.u32 $0x1C03, s31;
	s10 =	sshrl.u32 s12, $0x3  }
0xf: {  	s12 =	simm.s32 $0x80;
	s7 =	sadd.s32 $0x1200, s7;
	s8 =	sadd.s32 $0x59C00, s8  }
.LBB2_4:
0x10: {  	[spmem:s2] =	stream.indirect.scatter.add.f32 [tilespmem:s21], [sflag:$0x2], $0x80, s16, s12, $0xb8;
	[tilespmem:$0x1E600] =	vst v63  }
0x11: {  	_ =	swait.ge [sflag:s17], $0x4000  }
0x12: {  	s18 =	sadd.s32 $0x1, s18;
	[sflag:s17] =	ssyncset.done $0x0  }
0x13: {  	p0 =	sne.s32 s18, s9;
	[sflag:s17] =	ssyncadd.s32 $0xFFFFC000  }
.Ltmp1:
0x14: {  	[bflag:$0x0] =	sbarrier.arrive $0xFFFF;
	(pc) =	sbr.rel @!p0 .LBB2_5-.Ltmp1, $4  }
0x15: {  	[hbm:s8], [sflag:s6] =	dma.local [spmem:s10], $0x2780  }
0x16: {  	_ =	swait.ge [sflag:s11], $0x2780  }
0x17: {  	[sflag:s11] =	ssyncset.done $0x0  }
0x18: {  	[sflag:s11] =	ssyncadd.s32 $0xFFFFD880  }
.LBB2_1:
0x19: {  	[spmem:s10], [sflag:s6] =	dma.local [hbm:s5], $0x2780  }
0x1a: {  	_ =	swait.ge [sflag:s11], $0x2780  }
0x1b: {  	[sflag:s11] =	ssyncset.done $0x0  }
0x1c: {  	[sflag:s11] =	ssyncadd.s32 $0xFFFFD880  }
0x1d: {  	[bflag:$0x0] =	sbarrier.arrive $0xFFFF  }
0x1e: {  	[tilespmem:s3], [sflag:$0x3] =	stream.linear.gather [hbm4b:s7+s3], $0x2800, $0x38;
	[tilespmem:$0x1E600] =	vst v63  }
0x1f: {  	_ =	swait.ge [sflag:s11], $0x2800  }
0x20: {  	[sflag:s11] =	ssyncset.done $0x0  }
0x21: {  	[sflag:s11] =	ssyncadd.s32 $0xFFFFD800  }
0x22: {  	v0 =	vld [tilespmem:$0x0];
	_ =	sdelay $0x1  }
0x23: {  	v1 =	vld [tilespmem:$0x10];
	_ =	sdelay $0x1  }
0x24: {  	v2 =	vld [tilespmem:$0x20]  }
0x25: {  	v3 =	vand.u32 $0xFFFF, v0  }
0x26: {  	v45 =	vld [tilespmem:$0x30];
	v0 =	vshrl.u32 v0, $0x10;
	[tilespmem:$0x2800] =	vst v3  }
0x27: {  	v46 =	vand.u32 $0xFFFF, v1;
	[tilespmem:$0x2900] =	vst v0  }
0x28: {  	v48 =	vld [tilespmem:$0x40];
	v47 =	vshrl.u32 v1, $0x10;
	[tilespmem:$0x2810] =	vst v46  }
0x29: {  	v49 =	vand.u32 $0xFFFF, v2;
	[tilespmem:$0x2910] =	vst v47  }
0x2a: {  	v51 =	vld [tilespmem:$0x50];
	v50 =	vshrl.u32 v2, $0x10;
	[tilespmem:$0x2820] =	vst v49  }
0x2b: {  	v52 =	vand.u32 $0xFFFF, v45;
	[tilespmem:$0x2920] =	vst v50  }
0x2c: {  	v54 =	vld [tilespmem:$0x60];
	v53 =	vshrl.u32 v45, $0x10;
	[tilespmem:$0x2830] =	vst v52  }
0x2d: {  	v55 =	vand.u32 $0xFFFF, v48;
	[tilespmem:$0x2930] =	vst v53  }
0x2e: {  	v57 =	vld [tilespmem:$0x70];
	v56 =	vshrl.u32 v48, $0x10;
	[tilespmem:$0x2840] =	vst v55  }
0x2f: {  	v58 =	vand.u32 $0xFFFF, v51;
	[tilespmem:$0x2940] =	vst v56  }
0x30: {  	v59 =	vshrl.u32 v51, $0x10;
	[tilespmem:$0x2850] =	vst v58  }
0x31: {  	v60 =	vand.u32 $0xFFFF, v54;
	[tilespmem:$0x2950] =	vst v59  }
0x32: {  	v61 =	vshrl.u32 v54, $0x10;
	[tilespmem:$0x2860] =	vst v60  }
0x33: {  	v62 =	vand.u32 $0xFFFF, v57;
	[tilespmem:$0x2960] =	vst v61  }
0x34: {  	v63 =	vshrl.u32 v57, $0x10;
	[tilespmem:$0x2870] =	vst v62  }
0x35: {  	s19 =	simm.s32 $0xF0;
	s20 =	simm.s32 $0x0;
	[tilespmem:$0x2970] =	vst v63  }
0x36: {  	[tilespmem:s14], [sflag:$0x1] =	stream.indirect.gather [hbm4b:s4+s12], $0x80, s13, s12, $0xb8;
	[tilespmem:$0x1E600] =	vst v63  }
.LBB2_2:
0x37: {  	p0 =	seq.s32 s20, $0x0  }
0x38: {  	p1 =	seq.s32 @!p0 s20, $0x4F  }
0x39: {  	_ =	swait.ge [sflag:s15], $0x4000;
	p1 =	por p0, !p1  }
.Ltmp2:
0x3a: {  	[sflag:s15] =	ssyncset.done $0x0;
	(pc) =	sbr.rel @!p1 .LBB2_4-.Ltmp2, $4  }
0x3b: {  	s24 =	simm.s32 @!p0 $0x2;
	[sflag:s15] =	ssyncadd.s32 $0xFFFFC000  }
0x3c: {  	s23 =	sand.u32 $0x1, s20;
	_ =	swait.ge @!p0 [sflag:s24], $0x4000  }
0x3d: {  	s22 =	sshll.u32 s23, $0xE;
	[sflag:s24] =	ssyncset.done @!p0 $0x0  }
0x3e: {  	s21 =	sor.u32 $0x2A00, s22;
	[sflag:s24] =	ssyncadd.s32 @!p0 $0xFFFFC000  }
0x3f: {  	v0 =	vld [tilespmem:s19+$0xFFFFFF90];
	_ =	sdelay $0x3  }
0x40: {  	s23 =	sshll.u32 s23, $0x7  }
0x41: {  	s24 =	sxor.u32 $0x80, s23;
	v1 =	vand.u32 $0xFFFF, v0  }
0x42: {  	v0 =	vshrl.u32 v0, $0x10;
	[tilespmem:s24+$0x2800] =	vst v1  }
0x43: {  	[tilespmem:s24+$0x2900] =	vst v0  }
0x44: {  	v0 =	vld [tilespmem:s19+$0xFFFFFFA0];
	_ =	sdelay $0x4  }
0x45: {  	s25 =	sxor.u32 $0x2890, s23;
	v57 =	vand.u32 $0xFFFF, v0  }
0x46: {  	s28 =	sxor.u32 $0x2990, s23;
	v0 =	vshrl.u32 v0, $0x10;
	[tilespmem:s25+$0x0] =	vst v57  }
0x47: {  	[tilespmem:s28+$0x0] =	vst v0  }
0x48: {  	v0 =	vld [tilespmem:s19+$0xFFFFFFB0];
	_ =	sdelay $0x4  }
0x49: {  	s29 =	sxor.u32 $0x28A0, s23;
	v58 =	vand.u32 $0xFFFF, v0  }
0x4a: {  	s30 =	sxor.u32 $0x29A0, s23;
	v0 =	vshrl.u32 v0, $0x10;
	[tilespmem:s29+$0x0] =	vst v58  }
0x4b: {  	[tilespmem:s30+$0x0] =	vst v0  }
0x4c: {  	v0 =	vld [tilespmem:s19+$0xFFFFFFC0];
	_ =	sdelay $0x4  }
0x4d: {  	s31 =	sxor.u32 $0x28B0, s23;
	v59 =	vand.u32 $0xFFFF, v0  }
0x4e: {  	s26 =	sxor.u32 $0x29B0, s23;
	v0 =	vshrl.u32 v0, $0x10;
	[tilespmem:s31+$0x0] =	vst v59  }
0x4f: {  	[tilespmem:s26+$0x0] =	vst v0  }
0x50: {  	v0 =	vld [tilespmem:s19+$0xFFFFFFD0];
	_ =	sdelay $0x4  }
0x51: {  	s28 =	sxor.u32 $0x28C0, s23;
	v60 =	vand.u32 $0xFFFF, v0  }
0x52: {  	s29 =	sxor.u32 $0x29C0, s23;
	v0 =	vshrl.u32 v0, $0x10;
	[tilespmem:s28+$0x0] =	vst v60  }
0x53: {  	[tilespmem:s29+$0x0] =	vst v0  }
0x54: {  	v0 =	vld [tilespmem:s19+$0xFFFFFFE0];
	_ =	sdelay $0x4  }
0x55: {  	s30 =	sxor.u32 $0x28D0, s23;
	v61 =	vand.u32 $0xFFFF, v0  }
0x56: {  	s31 =	sxor.u32 $0x29D0, s23;
	v0 =	vshrl.u32 v0, $0x10;
	[tilespmem:s30+$0x0] =	vst v61  }
0x57: {  	[tilespmem:s31+$0x0] =	vst v0  }
0x58: {  	v0 =	vld [tilespmem:s19+$0xFFFFFFF0];
	_ =	sdelay $0x4  }
0x59: {  	s26 =	sxor.u32 $0x28E0, s23;
	v62 =	vand.u32 $0xFFFF, v0  }
0x5a: {  	s28 =	sxor.u32 $0x29E0, s23;
	v0 =	vshrl.u32 v0, $0x10;
	[tilespmem:s26+$0x0] =	vst v62  }
0x5b: {  	[tilespmem:s28+$0x0] =	vst v0  }
0x5c: {  	v0 =	vld [tilespmem:s19+$0x0];
	_ =	sdelay $0x4  }
0x5d: {  	s29 =	sxor.u32 $0x28F0, s23;
	v63 =	vand.u32 $0xFFFF, v0  }
.Ltmp3:
0x5e: {  	s30 =	sxor.u32 $0x29F0, s23;
	v0 =	vshrl.u32 v0, $0x10;
	[tilespmem:s29+$0x0] =	vst v63;
	(pc) =	sbr.rel .LBB2_2-.Ltmp3, $4  }
0x5f: {  	s22 =	sxor.u32 $0x6A00, s22;
	s24 =	sor.u32 $0x2800, s24;
	[tilespmem:s30+$0x0] =	vst v0  }
0x60: {  	[tilespmem:s22], [sflag:$0x1] =	stream.indirect.gather [hbm4b:s4+s12], $0x80, s24, s12, $0xb8;
	[tilespmem:$0x1E600] =	vst v63  }
0x61: {  	s20 =	sadd.s32 $0x1, s20;
	s31 =	sor.u32 $0x2900, s23;
	s19 =	sadd.s32 $0x80, s19  }
0x62: {  	[spmem:s2] =	stream.indirect.scatter.add.f32 [tilespmem:s21], [sflag:$0x2], $0x80, s31, s12, $0xb8;
	[tilespmem:$0x1E600] =	vst v63  }
.LBB2_5:
0x63: {  	_ =	sfence.sel $0x180000  }
0x64: {  	[bflag:$0x0] =	sbarrier.arrive $0xFFFF  }
0x65: {  	p0 =	sne.s32 s0, $0x0;
	_ =	strace $0x9000004A  }
0x66: {  	s0 =	sadd.s32 @!p0 $0x100000, s1;
	[bflag:$0x2] =	sbarrier.arrive $0xFFFF  }
0x67: {  	[sflag:s0] =	ssyncadd.tile.s32 @!p0 $0x1;
	_ =	shalt  }
.Lfunc_end2:
_tile_overlayer_lowered:
.L_overlay_start_2:
0x68: {  	(tag) =	ssettag $0x2  }
0x69: {  	s0 =	rddreg [dreg:$0x0];
	s2 =	stileid.u32  }
0x6a: {  	s1 =	rddreg [dreg:$0x1];
	p0 =	sne.s32 s2, $0x0  }
0x6b: {  	s3 =	rddreg [dreg:$0x2];
	[bflag:$0x3] =	sbarrier.arrive $0xFFFF;
	s2 =	simm.s32 @!p0 $0x1C03  }
0x6c: {  	[timem:s3], [sflag:s2] =	dma.local @!p0 [hbm:s0], s1  }
0x6d: {  	s0 =	simm.s32 @!p0 $0x3  }
0x6e: {  	_ =	swait.ge @!p0 [sflag:s0], s1  }
0x6f: {  	s1 =	ssub.s32 @!p0 $0x0, s1;
	[sflag:s0] =	ssyncset.done @!p0 $0x0  }
0x70: {  	[sflag:s0] =	ssyncadd.s32 @!p0 s1  }
0x71: {  	[bflag:$0x3] =	sbarrier.arrive $0xFFFF  }
0x72: {  	_ =	shalt  }

// kernel: kernel.15.cloned.1.call-start
scs
__scs_entry_jumppad:
0x0: {  	(pc) =	sbr.rel $0x88, $3  }
0x1: {  	(tag) =	ssettag $0x0;
	lr =	simm.s32 $0x1  }
0x2: {  	[smem:$0x3F96] =	sst lr;
	_ =	strace $0xD0000000  }
0x3: {  	_ = 	snop  }
0x4: {  	_ = 	snop  }
0x5: {  	_ = 	snop  }
0x6: {  	_ = 	snop  }
0x7: {  	_ = 	snop  }
__scs_overlays_trampoline_lowered:
0x8: {  	[smem:$0x3FA5] =	sst s0  }
0x9: {  	[smem:$0x3FA6] =	sst s1  }
0xa: {  	[smem:$0x3FA7] =	sst s2  }
0xb: {  	[smem:$0x3FA8] =	sst s3  }
0xc: {  	[smem:$0x3FA9] =	sst s4  }
0xd: {  	[smem:$0x3FAA] =	sst s5  }
0xe: {  	[smem:$0x3FAB] =	sst s6  }
0xf: {  	[smem:$0x3FAC] =	sst s7  }
0x10: {  	[smem:$0x3FAD] =	sst s8  }
0x11: {  	[smem:$0x3FAE] =	sst s9;
	s0 =	simm.s32 @!p0 $0x0  }
0x12: {  	s1 =	sld [smem:$0x3F94];
	s0 =	simm.s32 @p0 $0x1  }
0x13: {  	[smem:$0x3FAF] =	sst s0;
	s0 =	simm.s32 @!p1 $0x0  }
0x14: {  	s2 =	sld [smem:$0x3F93];
	s0 =	simm.s32 @p1 $0x1  }
0x15: {  	[smem:$0x3FB0] =	sst s0;
	s0 =	simm.s32 @!p2 $0x0  }
0x16: {  	s3 =	sld [smem:$0x3FDB];
	s0 =	simm.s32 @p2 $0x1  }
0x17: {  	s4 =	simm.s32 $0x1BF5;
	[smem:$0x3FB2] =	sst s0  }
0x18: {  	s0 =	sld [smem:$0x3F95];
	_ =	swait.ge [sflag:s4], $0x0  }
0x19: {  	s7 =	sld [smem:$0x3F96]  }
0x1a: {  	s8 =	sadd.s32 $0xFFFFE003, lr  }
0x1b: {  	s9 =	sadd.s32 $0xFFFFFEF7, lr;
	s5 =	simm.s32 $0xFFFFFFFF;
	p2 =	slt.u32 s8, $0xFFFFF086  }
0x1c: {  	p1 =	slt.u32 s9, $0xF7A;
	s5 =	simm.s32 @!p2 $0x0  }
0x1d: {  	s5 =	simm.s32 @p1 $0x1;
	p0 =	seq.s32 s7, s2  }
0x1e: {  	s7 =	smul.u32 @!p0 $0xF7A, s2;
	p2 =	seq.s32 @!p0 s5, $0x0  }
0x1f: {  	s9 =	smul.u32 $0xF7A, s1;
	s8 =	simm.s32 @!p0 $0x1BF5;
	p2 =	por !p2, p0  }
0x20: {  	[sflag:s8] =	ssyncset.s32 @!p0 $0xFFFFF086;
	s6 =	sadd.s32 @!p0 s3, s7;
	s7 =	simm.s32 @!p0 $0x108  }
0x21: {  	s3 =	sadd.s32 s3, s9;
	s6 =	sadd.s32 @!p0 $0x88, s6;
	s7 =	simm.s32 @p2 $0x1082  }
0x22: {  	[simem:s7], [sflag:s8] =	dma.local @!p0 [hbm:s6], $0xF7A  }
0x23: {  	s9 =	sor.u32 $0xD0000000, s2;
	s6 =	simm.s32 $0x108;
	_ =	swait.ge @!p0 [sflag:s8], $0x0  }
0x24: {  	s3 =	sadd.s32 $0x88, s3;
	s6 =	simm.s32 @!p1 $0x1082;
	[sflag:s4] =	ssyncset.s32 $0xFFFFF086  }
0x25: {  	[simem:s6], [sflag:s4] =	dma.local [hbm:s3], $0xF7A  }
0x26: {  	[smem:$0x3F96] =	sst s1;
	(tag) =	ssettag s2;
	_ =	strace s9  }
0x27: {  	s1 =	sld [smem:$0x3FA6]  }
0x28: {  	s2 =	sld [smem:$0x3FA7]  }
0x29: {  	s4 =	sld [smem:$0x3FA9]  }
0x2a: {  	p0 =	seq.s32 s5, $0x0;
	s5 =	sld [smem:$0x3FAA]  }
0x2b: {  	s6 =	sld [smem:$0x3FAB]  }
0x2c: {  	s7 =	sld [smem:$0x3FAC]  }
0x2d: {  	s3 =	simm.s32 $0x108;
	s8 =	sld [smem:$0x3FAD]  }
0x2e: {  	s3 =	simm.s32 @!p0 $0x1082;
	s9 =	sld [smem:$0x3FAE]  }
0x2f: {  	lr =	sadd.s32 s0, s3;
	s0 =	sld [smem:$0x3FA5]  }
0x30: {  	s3 =	sld [smem:$0x3FA8]  }
0x31: {  	[smem:$0x3FB1] =	sst s10  }
0x32: {  	s10 =	sld [smem:$0x3FAF];
	_ =	sdelay $0x3  }
0x33: {  	p0 =	seq.s32 s10, $0x1;
	s10 =	sld [smem:$0x3FB1];
	_ =	sdelay $0x3  }
0x34: {  	[smem:$0x3FB1] =	sst s10  }
0x35: {  	s10 =	sld [smem:$0x3FB0];
	_ =	sdelay $0x3  }
0x36: {  	p1 =	seq.s32 s10, $0x1;
	s10 =	sld [smem:$0x3FB1];
	_ =	sdelay $0x3  }
0x37: {  	[smem:$0x3FB1] =	sst s10  }
0x38: {  	s10 =	sld [smem:$0x3FB2]  }
0x39: {  	_ = 	snop;
	(pc) =	sbr.ind lr, $3  }
0x3a: {  	_ = 	snop  }
0x3b: {  	_ = 	snop  }
0x3c: {  	p2 =	seq.s32 s10, $0x1;
	s10 =	sld [smem:$0x3FB1]  }
0x3d: {  	_ =	shalt  }
0x3e: {  	_ =	shalt  }
0x3f: {  	_ =	shalt  }
0x40: {  	_ =	shalt  }
0x41: {  	_ =	shalt  }
0x42: {  	_ =	shalt  }
0x43: {  	_ =	shalt  }
0x44: {  	_ =	shalt  }
0x45: {  	_ =	shalt  }
0x46: {  	_ =	shalt  }
0x47: {  	_ =	shalt  }
0x48: {  	_ =	shalt  }
0x49: {  	_ =	shalt  }
0x4a: {  	_ =	shalt  }
0x4b: {  	_ =	shalt  }
0x4c: {  	_ =	shalt  }
0x4d: {  	_ =	shalt  }
0x4e: {  	_ =	shalt  }
0x4f: {  	_ =	shalt  }
0x50: {  	_ =	shalt  }
0x51: {  	_ =	shalt  }
0x52: {  	_ =	shalt  }
0x53: {  	_ =	shalt  }
0x54: {  	_ =	shalt  }
0x55: {  	_ =	shalt  }
0x56: {  	_ =	shalt  }
0x57: {  	_ =	shalt  }
0x58: {  	_ =	shalt  }
0x59: {  	_ =	shalt  }
0x5a: {  	_ =	shalt  }
0x5b: {  	_ =	shalt  }
0x5c: {  	_ =	shalt  }
0x5d: {  	_ =	shalt  }
0x5e: {  	_ =	shalt  }
0x5f: {  	_ =	shalt  }
0x60: {  	_ =	shalt  }
0x61: {  	_ =	shalt  }
0x62: {  	_ =	shalt  }
0x63: {  	_ =	shalt  }
0x64: {  	_ =	shalt  }
0x65: {  	_ =	shalt  }
0x66: {  	_ =	shalt  }
0x67: {  	_ =	shalt  }
0x68: {  	_ =	shalt  }
0x69: {  	_ =	shalt  }
0x6a: {  	_ =	shalt  }
0x6b: {  	_ =	shalt  }
0x6c: {  	_ =	shalt  }
0x6d: {  	_ =	shalt  }
0x6e: {  	_ =	shalt  }
0x6f: {  	_ =	shalt  }
0x70: {  	_ =	shalt  }
0x71: {  	_ =	shalt  }
0x72: {  	_ =	shalt  }
0x73: {  	_ =	shalt  }
0x74: {  	_ =	shalt  }
0x75: {  	_ =	shalt  }
0x76: {  	_ =	shalt  }
0x77: {  	_ =	shalt  }
0x78: {  	_ =	shalt  }
0x79: {  	_ =	shalt  }
0x7a: {  	_ =	shalt  }
0x7b: {  	_ =	shalt  }
0x7c: {  	_ =	shalt  }
0x7d: {  	_ =	shalt  }
0x7e: {  	_ =	shalt  }
0x7f: {  	_ =	shalt  }
0x80: {  	_ =	shalt  }
0x81: {  	_ =	shalt  }
0x82: {  	_ =	shalt  }
0x83: {  	_ =	shalt  }
0x84: {  	_ =	shalt  }
0x85: {  	_ =	shalt  }
0x86: {  	_ =	shalt  }
0x87: {  	_ =	shalt  }
.Lfunc_end0:
.L_simem_size_0:
called_computation.2_lowered:
.L_overlay_start_0:
0x88: {  	s2 =	sld [smem:$0x3FD9]  }
0x89: {  	s3 =	sld [smem:$0x3FFE];
	_ =	sdelay $0x1  }
0x8a: {  	s1 =	srdreg.scid  }
0x8b: {  	s0 =	sand.u32 $0x1, s1  }
0x8c: {  	s16 =	sshll.u32 s0, $0xA;
	s2 =	sadd.s32 s3, s2  }
0x8d: {  	s2 =	sadd.s32 s2, s16  }
0x8e: {  	[smem:$0x3FBD] =	sst s2  }
0x8f: {  	_ = 	snop  }
0x90: {  	(tm) =	ssettm $0x1  }
0x91: {  	s17 =	sld [smem:$0x3FFB];
	_ =	sdelay $0x3  }
0x92: {  	_ =	strace s17  }
0x93: {  	s2 =	sld [smem:$0x3FFC];
	_ =	sdelay $0x3  }
0x94: {  	_ =	strace s2  }
0x95: {  	s2 =	sld [smem:$0x3FFD];
	_ =	sdelay $0x3  }
0x96: {  	_ =	strace s2  }
0x97: {  	_ =	strace $0x8FFFFFFF  }
0x98: {  	s18 =	sld [smem:$0x3FDB];
	_ =	sdelay $0x1  }
0x99: {  	s19 =	simm.s32 $_scs_section_size  }
0x9a: {  	s4 =	simm.s32 $_size__tile_overlayer_lowered;
	s5 =	simm.s32 $_tile_overlayer_lowered  }
0x9b: {  	s22 =	simm.s32 $0x1BFF;
	s21 =	sshll.u32 s5, $0x1;
	s2 =	sadd.s32 s19, s18  }
0x9c: {  	s6 =	simm.s32 $0x0;
	s20 =	sshll.u32 s4, $0x1;
	s4 =	sadd.s32 s21, s2  }
0x9d: {  	[timem:s6], [sflag:s22] =	dma.local [hbm:s4], s20  }
0x9e: {  	_ =	swait.ge [sflag:s22], s20  }
0x9f: {  	s3 =	ssub.s32 $0x0, s20;
	[sflag:s22] =	ssyncset.done $0x0  }
0xa0: {  	[sflag:s22] =	ssyncadd.s32 s3;
	_ =	sdelay $0x1  }
0xa1: {  	s23 =	simm.s32 $0x1B8B  }
0xa2: {  	_ =	swait.ge [sflag:s23], $0x1  }
0xa3: {  	[sflag:s23] =	ssyncset.done $0x0  }
0xa4: {  	s25 =	simm.s32 $0x1B8E;
	s24 =	sld [smem:$0x3FFE];
	[sflag:s23] =	ssyncadd.s32 $0xFFFFFFFF  }
0xa5: {  	s26 =	simm.s32 $execute0_lowered;
	[smem:$0x3FD2] =	sst s25  }
0xa6: {  	s4 =	sshll.u32 s26, $0x1;
	_ =	strace $0x8000004C;
	[dreg:$0x1] =	wrdreg $0xFFFFFFFF  }
0xa7: {  	s28 =	simm.s32 $_size_execute0_lowered;
	s2 =	sadd.s32 s2, s4;
	[dreg:$0x0] =	wrdreg $0x0  }
0xa8: {  	s4 =	sshll.u32 s28, $0x1;
	[dreg:$0x2] =	wrdreg s2  }
0xa9: {  	[dreg:$0x3] =	wrdreg s4  }
0xaa: {  	[dreg:$0x4] =	wrdreg $0xC0  }
0xab: {  	_ =	task [dreg:s6], $0x5FFFF  }
0xac: {  	[dreg:$0x1] =	wrdreg $0xFFFFFFFF  }
0xad: {  	[dreg:$0x0] =	wrdreg $0x60  }
0xae: {  	[dreg:$0x2] =	wrdreg s24  }
0xaf: {  	[dreg:$0x3] =	wrdreg $0x9  }
0xb0: {  	_ =	task.clear_ibuf [dreg:s6], $0x4FFFF;
	_ =	strace $0x9000004C  }
0xb1: {  	s29 =	simm.s32 $0x9;
	_ =	strace $0x8000004E  }
0xb2: {  	_ =	swait.ge [sflag:s29], $0x1  }
0xb3: {  	[sflag:s29] =	ssyncadd.s32 $0xFFFFFFFF  }
0xb4: {  	_ =	strace $0x9000004E  }
0xb5: {  	_ =	sfence  }
0xb6: {  	s30 =	sld [smem:$0x0];
	_ =	sdelay $0x2  }
0xb7: {  	s31 =	sshll.u32 s1, $0xD;
	s1 =	sshrl.u32 s1, $0x2  }
0xb8: {  	s3 =	sand.u32 $0x4000, s31;
	s1 =	sadd.s32 s1, s30  }
0xb9: {  	s0 =	sor.u32 s3, s0;
	s1 =	sshll.u32 s1, $0x11  }
0xba: {  	s0 =	sor.u32 s1, s0  }
0xbb: {  	s0 =	sadd.s32 $0x8F2B, s0  }
0xbc: {  	[sflag:s0] =	ssyncadd.remote.s32 $0x1  }
0xbd: {  	_ =	sfence.sel $0xFFFF  }
0xbe: {  	[dreg:$0x0] =	wrdreg $0xFFFFFFFF;
	(pc) =	sbr.abs _section_cstart, $3  }
0xbf: {  	[dreg:$0x1] =	wrdreg $0xFFFFFFFF  }
0xc0: {  	_ =	task.clear_ibuf [dreg:s6], $0x2FFFF;
	_ =	strace $0x9FFFFFFF  }
0xc1: {  	(tm) =	ssettm $0x7FFFFFFF  }
tec
execute0_lowered:
.L_overlay_start_1:
0x0: {  	(tag) =	ssettag $0x1  }
0x1: {  	s0 =	srdreg.scid  }
0x2: {  	s4 =	rddreg [dreg:$0x0];
	s1 =	stileid.u32;
	s2 =	simm.s32 $0x0  }
0x3: {  	s14 =	simm.s32 $0x3800;
	s15 =	simm.s32 $0xB800;
	s16 =	simm.s32 $0x7800  }
0x4: {  	s17 =	simm.s32 $0xF800;
	s18 =	simm.s32 $0x1;
	s19 =	simm.s32 $0x2  }
0x5: {  	s20 =	simm.s32 $0x3;
	s21 =	simm.s32 $0x4;
	s22 =	simm.s32 $0x1800  }
0x6: {  	s23 =	simm.s32 $0x3400;
	s24 =	simm.s32 $0x0;
	s5 =	sand.u32 $0x1, s0  }
0x7: {  	s0 =	rddreg [dreg:$0x1];
	s13 =	smul.u32 $0x18800, s1;
	s3 =	sshll.u32 s5, $0x4  }
0x8: {  	[smem:$0x7FF] =	sst s2;
	s12 =	smul.u32 $0x188000, s5;
	s6 =	sor.u32 s1, s3  }
0x9: {  	s10 =	sadd.s32 $0xB6C00, s4;
	s8 =	ssub.s32 $0x2, s5;
	s7 =	smul.u32 $0x380, s6  }
0xa: {  	s11 =	sadd.s32 $0x3C6C00, s4;
	s9 =	sshrl.u32 s8, $0x1;
	s6 =	smul.u32 $0xC4000, s6  }
0xb: {  	_ =	strace $0x8000004D;
	s3 =	sadd.s32 $0x1200, s4;
	s8 =	ssub.s32 s8, s9  }
0xc: {  	s31 =	sadd.s32 s12, s11;
	s8 =	smax.u32 s8, $0x1;
	s6 =	sshrl.u32 s6, $0x3  }
0xd: {  	s9 =	sadd.s32 s13, s31;
	s7 =	sadd.s32 s7, s4;
	s30 =	sadd.s32 $0x18000, s6  }
0xe: {  	s4 =	sadd.s32 $0xA8C00, s7;
	s5 =	sadd.s32 $0xAFC00, s7;
	s6 =	sadd.s32 s10, s30  }
0xf: {  	s7 =	sadd.s32 s11, s30;
	s10 =	sadd.s32 s12, s10;
	s11 =	simm.s32 $0x5  }
0x10: {  	s12 =	simm.s32 $0x1C00;
	s10 =	sadd.s32 s13, s10;
	s13 =	simm.s32 $0x80  }
.LBB2_1:
0x11: {  	[tilespmem:s2], [sflag:$0x5] =	stream.linear.gather [hbm4b:s4+s2], $0x1880, $0x38;
	[tilespmem:$0x13800] =	vst v63  }
0x12: {  	_ =	swait.ge [sflag:s11], $0x1880  }
0x13: {  	[sflag:s11] =	ssyncset.done $0x0  }
0x14: {  	[sflag:s11] =	ssyncadd.s32 $0xFFFFE780  }
0x15: {  	[tilespmem:s12], [sflag:$0x5] =	stream.linear.gather [hbm4b:s5+s2], $0x1880, $0x38;
	[tilespmem:$0x13800] =	vst v63  }
0x16: {  	_ =	swait.ge [sflag:s11], $0x1880  }
0x17: {  	[sflag:s11] =	ssyncset.done $0x0  }
0x18: {  	s25 =	simm.s32 $0x0;
	[sflag:s11] =	ssyncadd.s32 $0xFFFFE780  }
0x19: {  	[tilespmem:s14], [sflag:$0x1] =	stream.indirect.gather [hbm4b:s3+s13], $0x80, s25, s13, $0xb8;
	[tilespmem:$0x13800] =	vst v63  }
0x1a: {  	s29 =	simm.s32 $0x1C00  }
0x1b: {  	[tilespmem:s15], [sflag:$0x1] =	stream.indirect.gather [hbm4b:s3+s13], $0x80, s29, s13, $0xb8;
	[tilespmem:$0x13800] =	vst v63  }
0x1c: {  	s31 =	simm.s32 $0x80  }
0x1d: {  	[tilespmem:s16], [sflag:$0x2] =	stream.indirect.gather [hbm4b:s3+s13], $0x80, s31, s13, $0xb8;
	[tilespmem:$0x13800] =	vst v63  }
0x1e: {  	s26 =	simm.s32 $0x1C80  }
0x1f: {  	[tilespmem:s17], [sflag:$0x2] =	stream.indirect.gather [hbm4b:s3+s13], $0x80, s26, s13, $0xb8;
	[tilespmem:$0x13800] =	vst v63  }
0x20: {  	_ =	swait.ge [sflag:s18], $0x4000  }
0x21: {  	[sflag:s18] =	ssyncset.done $0x0  }
0x22: {  	[sflag:s18] =	ssyncadd.s32 $0xFFFFC000  }
0x23: {  	_ =	swait.ge [sflag:s18], $0x4000  }
0x24: {  	[sflag:s18] =	ssyncset.done $0x0  }
0x25: {  	[sflag:s18] =	ssyncadd.s32 $0xFFFFC000  }
0x26: {  	[hbm4b:s10+s2] =	stream.linear.scatter [tilespmem:s14], [sflag:$0x3], $0x4000, $0x38;
	[tilespmem:$0x13800] =	vst v63  }
0x27: {  	_ = 	snop  }
0x28: {  	[hbm4b:s9+s2] =	stream.linear.scatter [tilespmem:s15], [sflag:$0x3], $0x4000, $0x38;
	[tilespmem:$0x13800] =	vst v63  }
0x29: {  	_ =	swait.ge [sflag:s19], $0x4000  }
0x2a: {  	[sflag:s19] =	ssyncset.done $0x0  }
0x2b: {  	[sflag:s19] =	ssyncadd.s32 $0xFFFFC000  }
0x2c: {  	_ =	swait.ge [sflag:s19], $0x4000  }
0x2d: {  	[sflag:s19] =	ssyncset.done $0x0  }
0x2e: {  	s29 =	sadd.s32 $0x800, s10;
	[sflag:s19] =	ssyncadd.s32 $0xFFFFC000  }
0x2f: {  	[hbm4b:s29+s2] =	stream.linear.scatter [tilespmem:s16], [sflag:$0x4], $0x4000, $0x38;
	[tilespmem:$0x13800] =	vst v63  }
0x30: {  	s31 =	sadd.s32 $0x800, s9  }
0x31: {  	[hbm4b:s31+s2] =	stream.linear.scatter [tilespmem:s17], [sflag:$0x4], $0x4000, $0x38;
	[tilespmem:$0x13800] =	vst v63  }
0x32: {  	_ =	swait.ge [sflag:s20], $0x4000  }
0x33: {  	[sflag:s20] =	ssyncset.done $0x0  }
0x34: {  	[sflag:s20] =	ssyncadd.s32 $0xFFFFC000  }
0x35: {  	_ =	swait.ge [sflag:s20], $0x4000  }
0x36: {  	[sflag:s20] =	ssyncset.done $0x0  }
0x37: {  	[sflag:s20] =	ssyncadd.s32 $0xFFFFC000  }
0x38: {  	_ =	swait.ge [sflag:s21], $0x4000  }
0x39: {  	[sflag:s21] =	ssyncset.done $0x0  }
0x3a: {  	[sflag:s21] =	ssyncadd.s32 $0xFFFFC000  }
0x3b: {  	s28 =	simm.s32 $0x400;
	s30 =	simm.s32 $0x800;
	_ =	swait.ge [sflag:s21], $0x4000  }
0x3c: {  	s25 =	sadd.s32 $0x1000, s9;
	s26 =	sadd.s32 $0x1000, s10;
	[sflag:s21] =	ssyncset.done $0x0  }
.LBB2_2:
0x3d: {  	s31 =	sshra.s32 s28, $0x2  }
0x3e: {  	[sflag:s21] =	ssyncadd.s32 $0xFFFFC000;
	s28 =	smov.u32 s30;
	s29 =	sadd.s32 $0x400, s30  }
0x3f: {  	[tilespmem:s14], [sflag:$0x1] =	stream.indirect.gather [hbm4b:s3+s13], $0x80, s31, s13, $0xb8;
	[tilespmem:$0x13800] =	vst v63  }
0x40: {  	p0 =	sne.s32 s30, $0x5C00;
	s30 =	sadd.s32 $0x1C00, s31  }
0x41: {  	[tilespmem:s15], [sflag:$0x1] =	stream.indirect.gather [hbm4b:s3+s13], $0x80, s30, s13, $0xb8;
	[tilespmem:$0x13800] =	vst v63  }
0x42: {  	s30 =	sadd.s32 $0x80, s31  }
0x43: {  	[tilespmem:s16], [sflag:$0x2] =	stream.indirect.gather [hbm4b:s3+s13], $0x80, s30, s13, $0xb8;
	[tilespmem:$0x13800] =	vst v63  }
0x44: {  	s30 =	sadd.s32 $0x1C80, s31  }
0x45: {  	[tilespmem:s17], [sflag:$0x2] =	stream.indirect.gather [hbm4b:s3+s13], $0x80, s30, s13, $0xb8;
	[tilespmem:$0x13800] =	vst v63  }
0x46: {  	_ =	swait.ge [sflag:s18], $0x4000  }
0x47: {  	[sflag:s18] =	ssyncset.done $0x0  }
0x48: {  	[sflag:s18] =	ssyncadd.s32 $0xFFFFC000  }
0x49: {  	_ =	swait.ge [sflag:s18], $0x4000  }
0x4a: {  	[sflag:s18] =	ssyncset.done $0x0  }
0x4b: {  	[sflag:s18] =	ssyncadd.s32 $0xFFFFC000  }
0x4c: {  	[hbm4b:s26+s2] =	stream.linear.scatter [tilespmem:s14], [sflag:$0x3], $0x4000, $0x38;
	[tilespmem:$0x13800] =	vst v63  }
0x4d: {  	_ = 	snop  }
0x4e: {  	[hbm4b:s25+s2] =	stream.linear.scatter [tilespmem:s15], [sflag:$0x3], $0x4000, $0x38;
	[tilespmem:$0x13800] =	vst v63  }
0x4f: {  	_ =	swait.ge [sflag:s19], $0x4000  }
0x50: {  	[sflag:s19] =	ssyncset.done $0x0  }
0x51: {  	[sflag:s19] =	ssyncadd.s32 $0xFFFFC000  }
0x52: {  	_ =	swait.ge [sflag:s19], $0x4000  }
0x53: {  	[sflag:s19] =	ssyncset.done $0x0  }
0x54: {  	s30 =	sadd.s32 $0x800, s26;
	[sflag:s19] =	ssyncadd.s32 $0xFFFFC000  }
0x55: {  	[hbm4b:s30+s2] =	stream.linear.scatter [tilespmem:s16], [sflag:$0x4], $0x4000, $0x38;
	[tilespmem:$0x13800] =	vst v63  }
0x56: {  	s30 =	sadd.s32 $0x800, s25  }
0x57: {  	[hbm4b:s30+s2] =	stream.linear.scatter [tilespmem:s17], [sflag:$0x4], $0x4000, $0x38;
	[tilespmem:$0x13800] =	vst v63  }
0x58: {  	_ =	swait.ge [sflag:s20], $0x4000  }
0x59: {  	[sflag:s20] =	ssyncset.done $0x0  }
0x5a: {  	[sflag:s20] =	ssyncadd.s32 $0xFFFFC000  }
0x5b: {  	_ =	swait.ge [sflag:s20], $0x4000  }
0x5c: {  	[sflag:s20] =	ssyncset.done $0x0  }
0x5d: {  	[sflag:s20] =	ssyncadd.s32 $0xFFFFC000  }
.Ltmp0:
0x5e: {  	_ =	swait.ge [sflag:s21], $0x4000;
	(pc) =	sbr.rel @p0 .LBB2_2-.Ltmp0, $4  }
0x5f: {  	[sflag:s21] =	ssyncset.done $0x0  }
0x60: {  	[sflag:s21] =	ssyncadd.s32 $0xFFFFC000  }
0x61: {  	s26 =	sadd.s32 $0x1000, s26;
	_ =	swait.ge [sflag:s21], $0x4000  }
0x62: {  	s25 =	sadd.s32 $0x1000, s25;
	s30 =	smov.u32 s29;
	[sflag:s21] =	ssyncset.done $0x0  }
0x63: {  	s28 =	sshra.s32 s28, $0x2;
	[sflag:s21] =	ssyncadd.s32 $0xFFFFC000  }
0x64: {  	[tilespmem:s14], [sflag:$0x1] =	stream.indirect.gather [hbm4b:s3+s13], $0x80, s28, s13, $0xb8;
	[tilespmem:$0x13800] =	vst v63  }
0x65: {  	s29 =	sadd.s32 $0x1C00, s28  }
0x66: {  	[tilespmem:s15], [sflag:$0x1] =	stream.indirect.gather [hbm4b:s3+s13], $0x80, s29, s13, $0xb8;
	[tilespmem:$0x13800] =	vst v63  }
0x67: {  	s31 =	sadd.s32 $0x80, s28  }
0x68: {  	[tilespmem:s16], [sflag:$0x2] =	stream.indirect.gather [hbm4b:s3+s13], $0x80, s31, s13, $0xb8;
	[tilespmem:$0x13800] =	vst v63  }
0x69: {  	s28 =	sadd.s32 $0x1C80, s28  }
0x6a: {  	[tilespmem:s17], [sflag:$0x2] =	stream.indirect.gather [hbm4b:s3+s13], $0x80, s28, s13, $0xb8;
	[tilespmem:$0x13800] =	vst v63  }
0x6b: {  	_ =	swait.ge [sflag:s18], $0x4000  }
0x6c: {  	[sflag:s18] =	ssyncset.done $0x0  }
0x6d: {  	[sflag:s18] =	ssyncadd.s32 $0xFFFFC000  }
0x6e: {  	_ =	swait.ge [sflag:s18], $0x4000  }
0x6f: {  	[sflag:s18] =	ssyncset.done $0x0  }
0x70: {  	[sflag:s18] =	ssyncadd.s32 $0xFFFFC000  }
0x71: {  	[hbm4b:s26+s2] =	stream.linear.scatter [tilespmem:s14], [sflag:$0x3], $0x4000, $0x38;
	[tilespmem:$0x13800] =	vst v63  }
0x72: {  	_ = 	snop  }
0x73: {  	[hbm4b:s25+s2] =	stream.linear.scatter [tilespmem:s15], [sflag:$0x3], $0x4000, $0x38;
	[tilespmem:$0x13800] =	vst v63  }
0x74: {  	_ =	swait.ge [sflag:s19], $0x4000  }
0x75: {  	[sflag:s19] =	ssyncset.done $0x0  }
0x76: {  	[sflag:s19] =	ssyncadd.s32 $0xFFFFC000  }
0x77: {  	_ =	swait.ge [sflag:s19], $0x4000  }
0x78: {  	[sflag:s19] =	ssyncset.done $0x0  }
0x79: {  	s30 =	sadd.s32 $0x800, s26;
	[sflag:s19] =	ssyncadd.s32 $0xFFFFC000  }
0x7a: {  	[hbm4b:s30+s2] =	stream.linear.scatter [tilespmem:s16], [sflag:$0x4], $0x4000, $0x38;
	[tilespmem:$0x13800] =	vst v63  }
0x7b: {  	s31 =	sadd.s32 $0x800, s25  }
0x7c: {  	[hbm4b:s31+s2] =	stream.linear.scatter [tilespmem:s17], [sflag:$0x4], $0x4000, $0x38;
	[tilespmem:$0x13800] =	vst v63  }
0x7d: {  	_ =	swait.ge [sflag:s20], $0x4000  }
0x7e: {  	[sflag:s20] =	ssyncset.done $0x0  }
0x7f: {  	[sflag:s20] =	ssyncadd.s32 $0xFFFFC000  }
0x80: {  	_ =	swait.ge [sflag:s20], $0x4000  }
0x81: {  	[sflag:s20] =	ssyncset.done $0x0  }
0x82: {  	[sflag:s20] =	ssyncadd.s32 $0xFFFFC000  }
0x83: {  	_ =	swait.ge [sflag:s21], $0x4000  }
0x84: {  	[sflag:s21] =	ssyncset.done $0x0  }
0x85: {  	[sflag:s21] =	ssyncadd.s32 $0xFFFFC000  }
0x86: {  	_ =	swait.ge [sflag:s21], $0x4000  }
0x87: {  	[sflag:s21] =	ssyncset.done $0x0  }
0x88: {  	[sflag:s21] =	ssyncadd.s32 $0xFFFFC000  }
0x89: {  	[tilespmem:s14], [sflag:$0x5] =	stream.indirect.gather [hbm4b:s3+s13], $0x80, s22, s13, $0xb8;
	[tilespmem:$0x13800] =	vst v63  }
0x8a: {  	_ =	swait.ge [sflag:s11], $0x4000  }
0x8b: {  	[sflag:s11] =	ssyncset.done $0x0  }
0x8c: {  	[sflag:s11] =	ssyncadd.s32 $0xFFFFC000  }
0x8d: {  	[tilespmem:s15], [sflag:$0x5] =	stream.indirect.gather [hbm4b:s3+s13], $0x80, s23, s13, $0xb8;
	[tilespmem:$0x13800] =	vst v63  }
0x8e: {  	_ =	swait.ge [sflag:s11], $0x4000  }
0x8f: {  	[sflag:s11] =	ssyncset.done $0x0  }
0x90: {  	[sflag:s11] =	ssyncadd.s32 $0xFFFFC000  }
0x91: {  	[hbm4b:s6+s2] =	stream.linear.scatter [tilespmem:s14], [sflag:$0x5], $0x4000, $0x38;
	[tilespmem:$0x13800] =	vst v63  }
0x92: {  	s24 =	sadd.s32 $0x1, s24;
	_ =	swait.ge [sflag:s11], $0x4000  }
0x93: {  	p0 =	sne.s32 s24, s8;
	[sflag:s11] =	ssyncset.done $0x0  }
.Ltmp1:
0x94: {  	[sflag:s11] =	ssyncadd.s32 $0xFFFFC000;
	(pc) =	sbr.rel @p0 .LBB2_1-.Ltmp1, $4  }
0x95: {  	[hbm4b:s7+s2] =	stream.linear.scatter [tilespmem:s15], [sflag:$0x5], $0x4000, $0x38;
	[tilespmem:$0x13800] =	vst v63  }
0x96: {  	_ =	swait.ge [sflag:s11], $0x4000  }
0x97: {  	[sflag:s11] =	ssyncset.done $0x0  }
0x98: {  	[sflag:s11] =	ssyncadd.s32 $0xFFFFC000  }
0x99: {  	_ =	sfence.sel $0x180000  }
0x9a: {  	[bflag:$0x0] =	sbarrier.arrive $0xFFFF  }
0x9b: {  	p0 =	sne.s32 s1, $0x0;
	_ =	strace $0x9000004D  }
0x9c: {  	s0 =	sadd.s32 @!p0 $0x100000, s0;
	[bflag:$0x2] =	sbarrier.arrive $0xFFFF  }
0x9d: {  	[sflag:s0] =	ssyncadd.tile.s32 @!p0 $0x1;
	_ =	shalt  }
.Lfunc_end2:
_tile_overlayer_lowered:
.L_overlay_start_2:
0x9e: {  	(tag) =	ssettag $0x2  }
0x9f: {  	s0 =	rddreg [dreg:$0x0];
	s2 =	stileid.u32  }
0xa0: {  	s1 =	rddreg [dreg:$0x1];
	p0 =	sne.s32 s2, $0x0  }
0xa1: {  	s3 =	rddreg [dreg:$0x2];
	[bflag:$0x3] =	sbarrier.arrive $0xFFFF;
	s2 =	simm.s32 @!p0 $0x1C05  }
0xa2: {  	[timem:s3], [sflag:s2] =	dma.local @!p0 [hbm:s0], s1  }
0xa3: {  	s0 =	simm.s32 @!p0 $0x5  }
0xa4: {  	_ =	swait.ge @!p0 [sflag:s0], s1  }
0xa5: {  	s1 =	ssub.s32 @!p0 $0x0, s1;
	[sflag:s0] =	ssyncset.done @!p0 $0x0  }
0xa6: {  	[sflag:s0] =	ssyncadd.s32 @!p0 s1  }
0xa7: {  	[bflag:$0x3] =	sbarrier.arrive $0xFFFF  }
0xa8: {  	_ =	shalt  }

// kernel: kernel.9.cloned.1.call-start
scs
__scs_entry_jumppad:
0x0: {  	(pc) =	sbr.rel $0x88, $3  }
0x1: {  	(tag) =	ssettag $0x0;
	lr =	simm.s32 $0x1  }
0x2: {  	[smem:$0x3F96] =	sst lr;
	_ =	strace $0xD0000000  }
0x3: {  	_ = 	snop  }
0x4: {  	_ = 	snop  }
0x5: {  	_ = 	snop  }
0x6: {  	_ = 	snop  }
0x7: {  	_ = 	snop  }
__scs_overlays_trampoline_lowered:
0x8: {  	[smem:$0x3FA5] =	sst s0  }
0x9: {  	[smem:$0x3FA6] =	sst s1  }
0xa: {  	[smem:$0x3FA7] =	sst s2  }
0xb: {  	[smem:$0x3FA8] =	sst s3  }
0xc: {  	[smem:$0x3FA9] =	sst s4  }
0xd: {  	[smem:$0x3FAA] =	sst s5  }
0xe: {  	[smem:$0x3FAB] =	sst s6  }
0xf: {  	[smem:$0x3FAC] =	sst s7  }
0x10: {  	[smem:$0x3FAD] =	sst s8  }
0x11: {  	[smem:$0x3FAE] =	sst s9;
	s0 =	simm.s32 @!p0 $0x0  }
0x12: {  	s1 =	sld [smem:$0x3F94];
	s0 =	simm.s32 @p0 $0x1  }
0x13: {  	[smem:$0x3FAF] =	sst s0;
	s0 =	simm.s32 @!p1 $0x0  }
0x14: {  	s2 =	sld [smem:$0x3F93];
	s0 =	simm.s32 @p1 $0x1  }
0x15: {  	[smem:$0x3FB0] =	sst s0;
	s0 =	simm.s32 @!p2 $0x0  }
0x16: {  	s3 =	sld [smem:$0x3FDB];
	s0 =	simm.s32 @p2 $0x1  }
0x17: {  	s4 =	simm.s32 $0x1BF5;
	[smem:$0x3FB2] =	sst s0  }
0x18: {  	s0 =	sld [smem:$0x3F95];
	_ =	swait.ge [sflag:s4], $0x0  }
0x19: {  	s7 =	sld [smem:$0x3F96]  }
0x1a: {  	s8 =	sadd.s32 $0xFFFFE003, lr  }
0x1b: {  	s9 =	sadd.s32 $0xFFFFFEF7, lr;
	s5 =	simm.s32 $0xFFFFFFFF;
	p2 =	slt.u32 s8, $0xFFFFF086  }
0x1c: {  	p1 =	slt.u32 s9, $0xF7A;
	s5 =	simm.s32 @!p2 $0x0  }
0x1d: {  	s5 =	simm.s32 @p1 $0x1;
	p0 =	seq.s32 s7, s2  }
0x1e: {  	s7 =	smul.u32 @!p0 $0xF7A, s2;
	p2 =	seq.s32 @!p0 s5, $0x0  }
0x1f: {  	s9 =	smul.u32 $0xF7A, s1;
	s8 =	simm.s32 @!p0 $0x1BF5;
	p2 =	por !p2, p0  }
0x20: {  	[sflag:s8] =	ssyncset.s32 @!p0 $0xFFFFF086;
	s6 =	sadd.s32 @!p0 s3, s7;
	s7 =	simm.s32 @!p0 $0x108  }
0x21: {  	s3 =	sadd.s32 s3, s9;
	s6 =	sadd.s32 @!p0 $0x88, s6;
	s7 =	simm.s32 @p2 $0x1082  }
0x22: {  	[simem:s7], [sflag:s8] =	dma.local @!p0 [hbm:s6], $0xF7A  }
0x23: {  	s9 =	sor.u32 $0xD0000000, s2;
	s6 =	simm.s32 $0x108;
	_ =	swait.ge @!p0 [sflag:s8], $0x0  }
0x24: {  	s3 =	sadd.s32 $0x88, s3;
	s6 =	simm.s32 @!p1 $0x1082;
	[sflag:s4] =	ssyncset.s32 $0xFFFFF086  }
0x25: {  	[simem:s6], [sflag:s4] =	dma.local [hbm:s3], $0xF7A  }
0x26: {  	[smem:$0x3F96] =	sst s1;
	(tag) =	ssettag s2;
	_ =	strace s9  }
0x27: {  	s1 =	sld [smem:$0x3FA6]  }
0x28: {  	s2 =	sld [smem:$0x3FA7]  }
0x29: {  	s4 =	sld [smem:$0x3FA9]  }
0x2a: {  	p0 =	seq.s32 s5, $0x0;
	s5 =	sld [smem:$0x3FAA]  }
0x2b: {  	s6 =	sld [smem:$0x3FAB]  }
0x2c: {  	s7 =	sld [smem:$0x3FAC]  }
0x2d: {  	s3 =	simm.s32 $0x108;
	s8 =	sld [smem:$0x3FAD]  }
0x2e: {  	s3 =	simm.s32 @!p0 $0x1082;
	s9 =	sld [smem:$0x3FAE]  }
0x2f: {  	lr =	sadd.s32 s0, s3;
	s0 =	sld [smem:$0x3FA5]  }
0x30: {  	s3 =	sld [smem:$0x3FA8]  }
0x31: {  	[smem:$0x3FB1] =	sst s10  }
0x32: {  	s10 =	sld [smem:$0x3FAF];
	_ =	sdelay $0x3  }
0x33: {  	p0 =	seq.s32 s10, $0x1;
	s10 =	sld [smem:$0x3FB1];
	_ =	sdelay $0x3  }
0x34: {  	[smem:$0x3FB1] =	sst s10  }
0x35: {  	s10 =	sld [smem:$0x3FB0];
	_ =	sdelay $0x3  }
0x36: {  	p1 =	seq.s32 s10, $0x1;
	s10 =	sld [smem:$0x3FB1];
	_ =	sdelay $0x3  }
0x37: {  	[smem:$0x3FB1] =	sst s10  }
0x38: {  	s10 =	sld [smem:$0x3FB2]  }
0x39: {  	_ = 	snop;
	(pc) =	sbr.ind lr, $3  }
0x3a: {  	_ = 	snop  }
0x3b: {  	_ = 	snop  }
0x3c: {  	p2 =	seq.s32 s10, $0x1;
	s10 =	sld [smem:$0x3FB1]  }
0x3d: {  	_ =	shalt  }
0x3e: {  	_ =	shalt  }
0x3f: {  	_ =	shalt  }
0x40: {  	_ =	shalt  }
0x41: {  	_ =	shalt  }
0x42: {  	_ =	shalt  }
0x43: {  	_ =	shalt  }
0x44: {  	_ =	shalt  }
0x45: {  	_ =	shalt  }
0x46: {  	_ =	shalt  }
0x47: {  	_ =	shalt  }
0x48: {  	_ =	shalt  }
0x49: {  	_ =	shalt  }
0x4a: {  	_ =	shalt  }
0x4b: {  	_ =	shalt  }
0x4c: {  	_ =	shalt  }
0x4d: {  	_ =	shalt  }
0x4e: {  	_ =	shalt  }
0x4f: {  	_ =	shalt  }
0x50: {  	_ =	shalt  }
0x51: {  	_ =	shalt  }
0x52: {  	_ =	shalt  }
0x53: {  	_ =	shalt  }
0x54: {  	_ =	shalt  }
0x55: {  	_ =	shalt  }
0x56: {  	_ =	shalt  }
0x57: {  	_ =	shalt  }
0x58: {  	_ =	shalt  }
0x59: {  	_ =	shalt  }
0x5a: {  	_ =	shalt  }
0x5b: {  	_ =	shalt  }
0x5c: {  	_ =	shalt  }
0x5d: {  	_ =	shalt  }
0x5e: {  	_ =	shalt  }
0x5f: {  	_ =	shalt  }
0x60: {  	_ =	shalt  }
0x61: {  	_ =	shalt  }
0x62: {  	_ =	shalt  }
0x63: {  	_ =	shalt  }
0x64: {  	_ =	shalt  }
0x65: {  	_ =	shalt  }
0x66: {  	_ =	shalt  }
0x67: {  	_ =	shalt  }
0x68: {  	_ =	shalt  }
0x69: {  	_ =	shalt  }
0x6a: {  	_ =	shalt  }
0x6b: {  	_ =	shalt  }
0x6c: {  	_ =	shalt  }
0x6d: {  	_ =	shalt  }
0x6e: {  	_ =	shalt  }
0x6f: {  	_ =	shalt  }
0x70: {  	_ =	shalt  }
0x71: {  	_ =	shalt  }
0x72: {  	_ =	shalt  }
0x73: {  	_ =	shalt  }
0x74: {  	_ =	shalt  }
0x75: {  	_ =	shalt  }
0x76: {  	_ =	shalt  }
0x77: {  	_ =	shalt  }
0x78: {  	_ =	shalt  }
0x79: {  	_ =	shalt  }
0x7a: {  	_ =	shalt  }
0x7b: {  	_ =	shalt  }
0x7c: {  	_ =	shalt  }
0x7d: {  	_ =	shalt  }
0x7e: {  	_ =	shalt  }
0x7f: {  	_ =	shalt  }
0x80: {  	_ =	shalt  }
0x81: {  	_ =	shalt  }
0x82: {  	_ =	shalt  }
0x83: {  	_ =	shalt  }
0x84: {  	_ =	shalt  }
0x85: {  	_ =	shalt  }
0x86: {  	_ =	shalt  }
0x87: {  	_ =	shalt  }
.Lfunc_end0:
.L_simem_size_0:
called_computation_lowered:
.L_overlay_start_0:
0x88: {  	s2 =	sld [smem:$0x3FD9]  }
0x89: {  	s3 =	sld [smem:$0x3FFE];
	_ =	sdelay $0x1  }
0x8a: {  	s1 =	srdreg.scid  }
0x8b: {  	s0 =	sand.u32 $0x1, s1  }
0x8c: {  	s17 =	sshll.u32 s0, $0xA;
	s2 =	sadd.s32 s3, s2  }
0x8d: {  	s2 =	sadd.s32 s2, s17  }
0x8e: {  	[smem:$0x3FBD] =	sst s2  }
0x8f: {  	_ = 	snop  }
0x90: {  	s2 =	sld [smem:$0x3FD0];
	(tm) =	ssettm $0x1  }
0x91: {  	s18 =	sld [smem:$0x3FFB];
	_ =	sdelay $0x3  }
0x92: {  	_ =	strace s18  }
0x93: {  	s3 =	sld [smem:$0x3FFC];
	_ =	sdelay $0x3  }
0x94: {  	_ =	strace s3  }
0x95: {  	s3 =	sld [smem:$0x3FFD];
	_ =	sdelay $0x3  }
0x96: {  	_ =	strace s3  }
0x97: {  	_ =	strace $0x8FFFFFFF  }
0x98: {  	s19 =	sld [smem:$0x3FDB];
	_ =	sdelay $0x1  }
0x99: {  	s4 =	simm.s32 $_scs_section_size  }
0x9a: {  	s5 =	simm.s32 $_size__tile_overlayer_lowered;
	s6 =	simm.s32 $_tile_overlayer_lowered  }
0x9b: {  	s22 =	simm.s32 $0x1BFF;
	s21 =	sshll.u32 s6, $0x1;
	s3 =	sadd.s32 s4, s19  }
0x9c: {  	s7 =	simm.s32 $0x0;
	s20 =	sshll.u32 s5, $0x1;
	s5 =	sadd.s32 s21, s3  }
0x9d: {  	[timem:s7], [sflag:s22] =	dma.local [hbm:s5], s20  }
0x9e: {  	_ =	swait.ge [sflag:s22], s20  }
0x9f: {  	s4 =	ssub.s32 $0x0, s20;
	[sflag:s22] =	ssyncset.done $0x0  }
0xa0: {  	[sflag:s22] =	ssyncadd.s32 s4;
	_ =	sdelay $0x1  }
0xa1: {  	s23 =	simm.s32 $0x1B8B  }
0xa2: {  	_ =	swait.ge [sflag:s23], $0x1  }
0xa3: {  	[sflag:s23] =	ssyncset.done $0x0  }
0xa4: {  	s25 =	simm.s32 $0x1B8E;
	s24 =	sld [smem:$0x3FFE];
	[sflag:s23] =	ssyncadd.s32 $0xFFFFFFFF  }
0xa5: {  	s26 =	simm.s32 $execute0_lowered;
	[smem:$0x3FD2] =	sst s25  }
0xa6: {  	s5 =	sshll.u32 s26, $0x1;
	_ =	strace $0x80000046;
	[dreg:$0x1] =	wrdreg $0xFFFFFFFF  }
0xa7: {  	s28 =	simm.s32 $_size_execute0_lowered;
	s3 =	sadd.s32 s3, s5;
	[dreg:$0x0] =	wrdreg $0x0  }
0xa8: {  	s5 =	sshll.u32 s28, $0x1;
	[dreg:$0x2] =	wrdreg s3  }
0xa9: {  	[dreg:$0x3] =	wrdreg s5  }
0xaa: {  	[dreg:$0x4] =	wrdreg $0xC0  }
0xab: {  	_ =	task [dreg:s7], $0x5FFFF  }
0xac: {  	[dreg:$0x1] =	wrdreg $0xFFFFFFFF  }
0xad: {  	[dreg:$0x0] =	wrdreg $0x60  }
0xae: {  	[dreg:$0x2] =	wrdreg s24  }
0xaf: {  	[dreg:$0x3] =	wrdreg s2  }
0xb0: {  	[dreg:$0x4] =	wrdreg $0xAA000  }
0xb1: {  	[dreg:$0x5] =	wrdreg $0x1E9000  }
0xb2: {  	[dreg:$0x6] =	wrdreg $0x9  }
0xb3: {  	_ =	task.clear_ibuf [dreg:s7], $0x7FFFF;
	_ =	strace $0x90000046  }
0xb4: {  	s29 =	simm.s32 $0x9;
	_ =	strace $0x80000048  }
0xb5: {  	_ =	swait.ge [sflag:s29], $0x1  }
0xb6: {  	[sflag:s29] =	ssyncadd.s32 $0xFFFFFFFF  }
0xb7: {  	_ =	strace $0x90000048  }
0xb8: {  	_ =	sfence  }
0xb9: {  	s30 =	sld [smem:$0x0];
	_ =	sdelay $0x2  }
0xba: {  	s31 =	sshll.u32 s1, $0xD;
	s1 =	sshrl.u32 s1, $0x2  }
0xbb: {  	s3 =	sand.u32 $0x4000, s31;
	s1 =	sadd.s32 s1, s30  }
0xbc: {  	s0 =	sor.u32 s3, s0;
	s1 =	sshll.u32 s1, $0x11  }
0xbd: {  	s0 =	sor.u32 s1, s0  }
0xbe: {  	s0 =	sadd.s32 $0x8F2B, s0  }
0xbf: {  	[sflag:s0] =	ssyncadd.remote.s32 $0x1  }
0xc0: {  	_ =	sfence.sel $0xFFFF  }
0xc1: {  	[dreg:$0x0] =	wrdreg $0xFFFFFFFF;
	(pc) =	sbr.abs _section_cstart, $3  }
0xc2: {  	[dreg:$0x1] =	wrdreg $0xFFFFFFFF  }
0xc3: {  	_ =	task.clear_ibuf [dreg:s7], $0x2FFFF;
	_ =	strace $0x9FFFFFFF  }
0xc4: {  	(tm) =	ssettm $0x7FFFFFFF  }
0xc5: {  	_ =	shalt  }
tec
execute0_lowered:
.L_overlay_start_1:
0x0: {  	(tag) =	ssettag $0x1  }
0x1: {  	s6 =	rddreg [dreg:$0x0]  }
0x2: {  	s11 =	rddreg [dreg:$0x1]  }
0x3: {  	s0 =	srdreg.scid;
	s2 =	rddreg [dreg:$0x2]  }
0x4: {  	s3 =	rddreg [dreg:$0x3];
	s7 =	sand.u32 $0x1, s0;
	s0 =	stileid.u32  }
0x5: {  	s4 =	simm.s32 $0x0;
	s17 =	simm.s32 $0x2800;
	s9 =	smul.u32 $0x13C00, s0  }
0x6: {  	s18 =	simm.s32 $0x2A00;
	s19 =	simm.s32 $0x1;
	s10 =	smul.u32 $0x13C000, s7  }
0x7: {  	s20 =	simm.s32 $0x1E600;
	s21 =	simm.s32 $0x2;
	s24 =	smul.u32 $0x4F000, s0  }
0x8: {  	[smem:$0x7FF] =	sst s4;
	s5 =	sadd.s32 $0xB200, s6;
	s26 =	smul.u32 $0x278, s0  }
0x9: {  	s1 =	sshll.u32 s7, $0x4;
	s23 =	ssub.s32 $0x2, s7;
	s29 =	smul.u32 $0x2780, s7  }
0xa: {  	s30 =	sshll.u32 s0, $0x6;
	s1 =	sor.u32 s0, s1;
	s25 =	sshrl.u32 s23, $0x1  }
0xb: {  	s7 =	sor.u32 $0x1C03, s30;
	s8 =	smul.u32 $0x500, s1;
	s1 =	rddreg [dreg:$0x4]  }
0xc: {  	_ =	strace $0x80000047;
	s12 =	sshrl.u32 s9, $0x3;
	s9 =	sadd.s32 s9, s10  }
0xd: {  	s15 =	ssub.s32 s23, s25;
	s28 =	sshrl.u32 s24, $0x2;
	s31 =	sadd.s32 s26, s29  }
0xe: {  	s22 =	sadd.s32 s12, s6;
	s9 =	sshrl.u32 s9, $0x3;
	s16 =	sadd.s32 s28, s2  }
.Ltmp0:
0xf: {  	s12 =	sshrl.u32 s31, $0x3;
	s13 =	sadd.s32 s8, s6;
	(pc) =	sbr.rel .LBB2_1-.Ltmp0, $4  }
0x10: {  	s14 =	sadd.s32 s9, s6;
	s6 =	sadd.s32 $0x32400, s22;
	s8 =	sadd.s32 s26, s3  }
0x11: {  	s11 =	sadd.s32 s11, s12;
	s12 =	smax.u32 s15, $0x1;
	s15 =	simm.s32 $0x1E680  }
0x12: {  	s22 =	simm.s32 $0x0;
	s9 =	sadd.s32 $0x1200, s13;
	s10 =	sadd.s32 $0x59C00, s14  }
0x13: {  	v0 =	vimm.f32 $1.000000000e+00;
	v1 =	vimm.f32 $0.0e+00;
	s13 =	sshrl.u32 s16, $0x3;
	s14 =	simm.s32 $0x3;
	s16 =	simm.s32 $0x80  }
.LBB2_5:
0x14: {  	_ =	swait.ge [sflag:s21], $0x4000  }
0x15: {  	[sflag:s21] =	ssyncset.done $0x0  }
0x16: {  	[sflag:s21] =	ssyncadd.s32 $0xFFFFC000  }
0x17: {  	[bflag:$0x0] =	sbarrier.arrive $0xFFFF  }
0x18: {  	[hbm:s10], [sflag:s7] =	dma.local [spmem:s13], $0x2780  }
0x19: {  	_ =	swait.ge [sflag:s14], $0x2780  }
0x1a: {  	[sflag:s14] =	ssyncset.done $0x0  }
0x1b: {  	[sflag:s14] =	ssyncadd.s32 $0xFFFFD880  }
0x1c: {  	[tilespmem:s15], [sflag:$0x3] =	stream.linear.gather [spmem:s8], $0x278, $0x38;
	[tilespmem:$0x1EB78] =	vst v63  }
0x1d: {  	s22 =	sadd.s32 $0x1, s22;
	_ =	swait.ge [sflag:s14], $0x278  }
0x1e: {  	p0 =	sne.s32 s22, s12;
	[sflag:s14] =	ssyncset.done $0x0  }
.Ltmp1:
0x1f: {  	[sflag:s14] =	ssyncadd.s32 $0xFFFFFD88;
	(pc) =	sbr.rel @!p0 .LBB2_6-.Ltmp1, $4  }
0x20: {  	[hbm4b:s11+s4] =	stream.linear.scatter [tilespmem:s15], [sflag:$0x3], $0x278, $0x38;
	[tilespmem:$0x1EB78] =	vst v63  }
0x21: {  	_ =	swait.ge [sflag:s14], $0x278  }
0x22: {  	[sflag:s14] =	ssyncset.done $0x0  }
0x23: {  	[sflag:s14] =	ssyncadd.s32 $0xFFFFFD88  }
.LBB2_1:
0x24: {  	[spmem:s13], [sflag:s7] =	dma.local [hbm:s6], $0x2780  }
0x25: {  	_ =	swait.ge [sflag:s14], $0x2780  }
0x26: {  	[sflag:s14] =	ssyncset.done $0x0  }
0x27: {  	[sflag:s14] =	ssyncadd.s32 $0xFFFFD880  }
0x28: {  	[tilespmem:$0x1E600] =	vst v0  }
0x29: {  	[tilespmem:$0x1E610] =	vst v0  }
0x2a: {  	[tilespmem:$0x1E620] =	vst v0  }
0x2b: {  	[tilespmem:$0x1E630] =	vst v0  }
0x2c: {  	[tilespmem:$0x1E640] =	vst v0  }
0x2d: {  	[tilespmem:$0x1E650] =	vst v0  }
0x2e: {  	[tilespmem:$0x1E660] =	vst v0  }
0x2f: {  	[tilespmem:$0x1E670] =	vst v0  }
0x30: {  	[tilespmem:$0x1E680] =	vst v1  }
0x31: {  	[tilespmem:$0x1E690] =	vst v1  }
0x32: {  	[tilespmem:$0x1E6A0] =	vst v1  }
0x33: {  	[tilespmem:$0x1E6B0] =	vst v1  }
0x34: {  	[tilespmem:$0x1E6C0] =	vst v1  }
0x35: {  	[tilespmem:$0x1E6D0] =	vst v1  }
0x36: {  	[tilespmem:$0x1E6E0] =	vst v1  }
0x37: {  	[tilespmem:$0x1E6F0] =	vst v1  }
0x38: {  	[tilespmem:$0x1E700] =	vst v1  }
0x39: {  	[tilespmem:$0x1E710] =	vst v1  }
0x3a: {  	[tilespmem:$0x1E720] =	vst v1  }
0x3b: {  	[tilespmem:$0x1E730] =	vst v1  }
0x3c: {  	[tilespmem:$0x1E740] =	vst v1  }
0x3d: {  	[tilespmem:$0x1E750] =	vst v1  }
0x3e: {  	[tilespmem:$0x1E760] =	vst v1  }
0x3f: {  	[tilespmem:$0x1E770] =	vst v1  }
0x40: {  	[tilespmem:$0x1E780] =	vst v1  }
0x41: {  	[tilespmem:$0x1E790] =	vst v1  }
0x42: {  	[tilespmem:$0x1E7A0] =	vst v1  }
0x43: {  	[tilespmem:$0x1E7B0] =	vst v1  }
0x44: {  	[tilespmem:$0x1E7C0] =	vst v1  }
0x45: {  	[tilespmem:$0x1E7D0] =	vst v1  }
0x46: {  	[tilespmem:$0x1E7E0] =	vst v1  }
0x47: {  	[tilespmem:$0x1E7F0] =	vst v1  }
0x48: {  	[tilespmem:$0x1E800] =	vst v1  }
0x49: {  	[tilespmem:$0x1E810] =	vst v1  }
0x4a: {  	[tilespmem:$0x1E820] =	vst v1  }
0x4b: {  	[tilespmem:$0x1E830] =	vst v1  }
0x4c: {  	[tilespmem:$0x1E840] =	vst v1  }
0x4d: {  	[tilespmem:$0x1E850] =	vst v1  }
0x4e: {  	[tilespmem:$0x1E860] =	vst v1  }
0x4f: {  	[tilespmem:$0x1E870] =	vst v1  }
0x50: {  	[tilespmem:$0x1E880] =	vst v1  }
0x51: {  	[tilespmem:$0x1E890] =	vst v1  }
0x52: {  	[tilespmem:$0x1E8A0] =	vst v1  }
0x53: {  	[tilespmem:$0x1E8B0] =	vst v1  }
0x54: {  	[tilespmem:$0x1E8C0] =	vst v1  }
0x55: {  	[tilespmem:$0x1E8D0] =	vst v1  }
0x56: {  	[tilespmem:$0x1E8E0] =	vst v1  }
0x57: {  	[tilespmem:$0x1E8E8] =	vst v1  }
0x58: {  	[spmem:s8] =	stream.linear.scatter [tilespmem:s15], [sflag:$0x3], $0x278, $0x38;
	[tilespmem:$0x1EB78] =	vst v63  }
0x59: {  	_ =	swait.ge [sflag:s14], $0x278  }
0x5a: {  	[sflag:s14] =	ssyncset.done $0x0  }
0x5b: {  	[sflag:s14] =	ssyncadd.s32 $0xFFFFFD88  }
0x5c: {  	[bflag:$0x0] =	sbarrier.arrive $0xFFFF  }
0x5d: {  	[tilespmem:s4], [sflag:$0x3] =	stream.linear.gather [hbm4b:s9+s4], $0x2800, $0x38;
	[tilespmem:$0x1EB78] =	vst v63  }
0x5e: {  	_ =	swait.ge [sflag:s14], $0x2800  }
0x5f: {  	[sflag:s14] =	ssyncset.done $0x0  }
0x60: {  	[sflag:s14] =	ssyncadd.s32 $0xFFFFD800  }
0x61: {  	v2 =	vld [tilespmem:$0x0];
	_ =	sdelay $0x1  }
0x62: {  	v3 =	vld [tilespmem:$0x10];
	_ =	sdelay $0x1  }
0x63: {  	v4 =	vld [tilespmem:$0x20]  }
0x64: {  	v5 =	vand.u32 $0xFFFF, v2  }
0x65: {  	v61 =	vld [tilespmem:$0x30];
	v2 =	vshrl.u32 v2, $0x10;
	[tilespmem:$0x2800] =	vst v5  }
0x66: {  	[tilespmem:$0x2900] =	vst v2;
	v2 =	vand.u32 $0xFFFF, v3  }
0x67: {  	[tilespmem:$0x2810] =	vst v2;
	v2 =	vshrl.u32 v3, $0x10;
	v3 =	vld [tilespmem:$0x40]  }
0x68: {  	[tilespmem:$0x2910] =	vst v2;
	v2 =	vand.u32 $0xFFFF, v4  }
0x69: {  	v62 =	vld [tilespmem:$0x50];
	[tilespmem:$0x2820] =	vst v2;
	v2 =	vshrl.u32 v4, $0x10  }
0x6a: {  	[tilespmem:$0x2920] =	vst v2;
	v2 =	vand.u32 $0xFFFF, v61  }
0x6b: {  	v63 =	vld [tilespmem:$0x60];
	[tilespmem:$0x2830] =	vst v2;
	v2 =	vshrl.u32 v61, $0x10  }
0x6c: {  	[tilespmem:$0x2930] =	vst v2;
	v2 =	vand.u32 $0xFFFF, v3  }
0x6d: {  	[tilespmem:$0x2840] =	vst v2;
	v2 =	vshrl.u32 v3, $0x10;
	v3 =	vld [tilespmem:$0x70]  }
0x6e: {  	[tilespmem:$0x2940] =	vst v2;
	v2 =	vand.u32 $0xFFFF, v62  }
0x6f: {  	[tilespmem:$0x2850] =	vst v2;
	v2 =	vshrl.u32 v62, $0x10  }
0x70: {  	[tilespmem:$0x2950] =	vst v2;
	v2 =	vand.u32 $0xFFFF, v63  }
.Ltmp2:
0x71: {  	[tilespmem:$0x2860] =	vst v2;
	v2 =	vshrl.u32 v63, $0x10;
	(pc) =	sbr.rel .LBB2_2-.Ltmp2, $4  }
0x72: {  	[tilespmem:$0x2960] =	vst v2;
	v2 =	vand.u32 $0xFFFF, v3  }
0x73: {  	[tilespmem:$0x2870] =	vst v2;
	v2 =	vshrl.u32 v3, $0x10  }
0x74: {  	s26 =	simm.s32 $0x0;
	[tilespmem:$0x2970] =	vst v2  }
0x75: {  	[tilespmem:s18], [sflag:$0x1] =	stream.indirect.gather [hbm4b:s5+s16], $0x80, s17, s16, $0xb8;
	[tilespmem:$0x1EB78] =	vst v63  }
.LBB2_4:
0x76: {  	s24 =	sshll.u32 s24, $0x7  }
0x77: {  	s25 =	sor.u32 $0x2A00, s25;
	p0 =	slt.u32 s23, $0x50;
	s24 =	sor.u32 $0x2900, s24  }
0x78: {  	[spmem:s2] =	stream.indirect.scatter.add.f32 [tilespmem:s25], [sflag:$0x2], $0x80, s24, s16, $0xb8;
	[tilespmem:$0x1EB78] =	vst v63  }
.Ltmp3:
0x79: {  	_ = 	snop;
	(pc) =	sbr.rel @!p0 .LBB2_5-.Ltmp3, $4  }
0x7a: {  	[spmem:s3] =	stream.indirect.scatter.add.f32 [tilespmem:s20], [sflag:$0x3], $0x1, s24, s16, $0xb8;
	[tilespmem:$0x1EB78] =	vst v63  }
0x7b: {  	_ =	swait.ge [sflag:s14], $0x80  }
0x7c: {  	[sflag:s14] =	ssyncset.done $0x0  }
0x7d: {  	s26 =	smov.u32 s23;
	[sflag:s14] =	ssyncadd.s32 $0xFFFFFF80  }
.LBB2_2:
0x7e: {  	p0 =	seq.s32 s26, $0x0  }
0x7f: {  	p1 =	seq.s32 @!p0 s26, $0x4F  }
0x80: {  	_ =	swait.ge [sflag:s19], $0x4000;
	p1 =	por p0, !p1  }
.Ltmp4:
0x81: {  	[sflag:s19] =	ssyncset.done $0x0;
	(pc) =	sbr.rel @!p1 .LBB2_4-.Ltmp4, $4  }
0x82: {  	s23 =	simm.s32 @!p0 $0x2;
	[sflag:s19] =	ssyncadd.s32 $0xFFFFC000  }
0x83: {  	_ =	swait.ge @!p0 [sflag:s23], $0x4000  }
0x84: {  	s24 =	sand.u32 $0x1, s26;
	[sflag:s23] =	ssyncset.done @!p0 $0x0  }
0x85: {  	s25 =	sshll.u32 s24, $0xE;
	[sflag:s23] =	ssyncadd.s32 @!p0 $0xFFFFC000;
	s23 =	simm.s32 @!p0 $0x50  }
0x86: {  	s23 =	sadd.s32 @!p0 $0x1, s26  }
0x87: {  	s23 =	simm.s32 @p0 $0x1  }
0x88: {  	s30 =	sshll.u32 s23, $0x7  }
0x89: {  	s26 =	sand.u32 $0x3FFFFF80, s30  }
0x8a: {  	v2 =	vld [tilespmem:s26+$0x0];
	_ =	sdelay $0x3  }
0x8b: {  	s28 =	sshll.u32 s24, $0x7  }
0x8c: {  	s29 =	sxor.u32 $0x80, s28;
	v3 =	vand.u32 $0xFFFF, v2  }
0x8d: {  	v2 =	vshrl.u32 v2, $0x10;
	[tilespmem:s29+$0x2800] =	vst v3  }
0x8e: {  	[tilespmem:s29+$0x2900] =	vst v2  }
0x8f: {  	v2 =	vld [tilespmem:s26+$0x10];
	_ =	sdelay $0x4  }
0x90: {  	s30 =	sxor.u32 $0x2890, s28;
	v3 =	vand.u32 $0xFFFF, v2  }
0x91: {  	s31 =	sxor.u32 $0x2990, s28;
	v2 =	vshrl.u32 v2, $0x10;
	[tilespmem:s30+$0x0] =	vst v3  }
0x92: {  	[tilespmem:s31+$0x0] =	vst v2  }
0x93: {  	v2 =	vld [tilespmem:s26+$0x20];
	_ =	sdelay $0x4  }
0x94: {  	s31 =	sxor.u32 $0x28A0, s28;
	v3 =	vand.u32 $0xFFFF, v2  }
0x95: {  	v2 =	vshrl.u32 v2, $0x10;
	[tilespmem:s31+$0x0] =	vst v3;
	s31 =	sxor.u32 $0x29A0, s28  }
0x96: {  	[tilespmem:s31+$0x0] =	vst v2  }
0x97: {  	v2 =	vld [tilespmem:s26+$0x30];
	_ =	sdelay $0x4  }
0x98: {  	s31 =	sxor.u32 $0x28B0, s28;
	v3 =	vand.u32 $0xFFFF, v2  }
0x99: {  	v2 =	vshrl.u32 v2, $0x10;
	[tilespmem:s31+$0x0] =	vst v3;
	s31 =	sxor.u32 $0x29B0, s28  }
0x9a: {  	[tilespmem:s31+$0x0] =	vst v2  }
0x9b: {  	v2 =	vld [tilespmem:s26+$0x40];
	_ =	sdelay $0x4  }
0x9c: {  	s31 =	sxor.u32 $0x28C0, s28;
	v3 =	vand.u32 $0xFFFF, v2  }
0x9d: {  	v2 =	vshrl.u32 v2, $0x10;
	[tilespmem:s31+$0x0] =	vst v3;
	s31 =	sxor.u32 $0x29C0, s28  }
0x9e: {  	[tilespmem:s31+$0x0] =	vst v2  }
0x9f: {  	v2 =	vld [tilespmem:s26+$0x50];
	_ =	sdelay $0x4  }
0xa0: {  	s31 =	sxor.u32 $0x28D0, s28;
	v3 =	vand.u32 $0xFFFF, v2  }
0xa1: {  	v2 =	vshrl.u32 v2, $0x10;
	[tilespmem:s31+$0x0] =	vst v3;
	s31 =	sxor.u32 $0x29D0, s28  }
0xa2: {  	[tilespmem:s31+$0x0] =	vst v2  }
0xa3: {  	v2 =	vld [tilespmem:s26+$0x60];
	_ =	sdelay $0x4  }
0xa4: {  	s31 =	sxor.u32 $0x28E0, s28;
	v3 =	vand.u32 $0xFFFF, v2  }
0xa5: {  	v2 =	vshrl.u32 v2, $0x10;
	[tilespmem:s31+$0x0] =	vst v3;
	s31 =	sxor.u32 $0x29E0, s28  }
0xa6: {  	[tilespmem:s31+$0x0] =	vst v2  }
0xa7: {  	v2 =	vld [tilespmem:s26+$0x70];
	_ =	sdelay $0x3  }
.Ltmp5:
0xa8: {  	_ = 	snop;
	(pc) =	sbr.rel .LBB2_4-.Ltmp5, $4  }
0xa9: {  	s30 =	sxor.u32 $0x28F0, s28;
	v3 =	vand.u32 $0xFFFF, v2  }
0xaa: {  	s31 =	sxor.u32 $0x29F0, s28;
	v2 =	vshrl.u32 v2, $0x10;
	[tilespmem:s30+$0x0] =	vst v3  }
0xab: {  	s30 =	sor.u32 $0x2800, s29;
	[tilespmem:s31+$0x0] =	vst v2;
	s31 =	sxor.u32 $0x6A00, s25  }
0xac: {  	[tilespmem:s31], [sflag:$0x1] =	stream.indirect.gather [hbm4b:s5+s16], $0x80, s30, s16, $0xb8;
	[tilespmem:$0x1EB78] =	vst v63  }
.LBB2_6:
0xad: {  	_ =	sfence.sel $0x180000  }
0xae: {  	[bflag:$0x0] =	sbarrier.arrive $0xFFFF  }
0xaf: {  	p0 =	sne.s32 s0, $0x0;
	_ =	strace $0x90000047  }
0xb0: {  	s0 =	sadd.s32 @!p0 $0x100000, s1;
	[bflag:$0x2] =	sbarrier.arrive $0xFFFF  }
0xb1: {  	[sflag:s0] =	ssyncadd.tile.s32 @!p0 $0x1;
	_ =	shalt  }
.Lfunc_end2:
_tile_overlayer_lowered:
.L_overlay_start_2:
0xb2: {  	(tag) =	ssettag $0x2  }
0xb3: {  	s0 =	rddreg [dreg:$0x0];
	s2 =	stileid.u32  }
0xb4: {  	s1 =	rddreg [dreg:$0x1];
	p0 =	sne.s32 s2, $0x0  }
0xb5: {  	s3 =	rddreg [dreg:$0x2];
	[bflag:$0x3] =	sbarrier.arrive $0xFFFF;
	s2 =	simm.s32 @!p0 $0x1C03  }
0xb6: {  	[timem:s3], [sflag:s2] =	dma.local @!p0 [hbm:s0], s1  }
0xb7: {  	s0 =	simm.s32 @!p0 $0x3  }
0xb8: {  	_ =	swait.ge @!p0 [sflag:s0], s1  }
0xb9: {  	s1 =	ssub.s32 @!p0 $0x0, s1;
	[sflag:s0] =	ssyncset.done @!p0 $0x0  }
0xba: {  	[sflag:s0] =	ssyncadd.s32 @!p0 s1  }
0xbb: {  	[bflag:$0x3] =	sbarrier.arrive $0xFFFF  }
0xbc: {  	_ =	shalt  }

</sc_bundles>
